<compile_context>
chip_gen: v7x
topology: tpu7x:2x2x1
jax: 0.10.2.dev20260603
libtpu: 0.0.44.dev20260713+nightly
codegen_flags: <defaults>
</compile_context>

<pallas_src>
import functools
import math

import jax
import jax.numpy as jnp
from jax import lax
from jax.experimental import pallas as pl
from jax.experimental.pallas import tpu as pltpu
from jax.experimental.pallas import tpu_sc as plsc

T = 2048
HID = 1024
NH = 16
NKV = 4
HD = 64
E = 64
K = 2
FF = 512
EPS = 1e-05
THETA = 1000000.0
QKV = (NH + 2 * NKV) * HD

TB = 256
TM = 128
G = 96
F32 = jnp.float32


def _rms(x, w, eps=EPS):
    return x * lax.rsqrt(jnp.mean(x * x, axis=-1, keepdims=True) + eps) * w


def _dot_t(a, b):
    return lax.dot_general(a, b, (((1,), (1,)), ((), ())),
                           preferred_element_type=F32)


def _prologue_body(cos_ref, sin_ref, hs_ref, rs_ref, qkvw_ref, opw_ref,
                   qln_ref, kln_ref, res_ref, q_ref, k_ref, v_ref):
    res = hs_ref[...] + rs_ref[...]
    res_ref[...] = res
    h = _rms(res, opw_ref[...])
    qkv = _dot_t(h, qkvw_ref[...])

    cosf = cos_ref[...]
    sinf = sin_ref[...]

    def rope(x):
        x1 = x[:, :HD // 2]
        x2 = x[:, HD // 2:]
        return x * cosf + jnp.concatenate([-x2, x1], axis=1) * sinf

    qs = []
    for hh in range(NH):
        qh = qkv[:, hh * HD:(hh + 1) * HD]
        qs.append(rope(_rms(qh, qln_ref[...])))
    q_ref[...] = jnp.concatenate(qs, axis=1)

    ks = []
    for hh in range(NKV):
        kh = qkv[:, NH * HD + hh * HD:NH * HD + (hh + 1) * HD]
        ks.append(rope(_rms(kh, kln_ref[...])))
    k_ref[...] = jnp.concatenate(ks, axis=1)

    v_ref[...] = qkv[:, (NH + NKV) * HD:]


def _attn_body(q_ref, k_ref, v_ref, o_ref):
    qi = pl.program_id(0)
    scale = HD ** -0.5
    rows = lax.broadcasted_iota(jnp.int32, (TB, T), 0) + qi * TB
    cols = lax.broadcasted_iota(jnp.int32, (TB, T), 1)
    mask = rows >= cols
    outs = []
    for hh in range(NH):
        qh = q_ref[:, hh * HD:(hh + 1) * HD]
        kv = hh // (NH // NKV)
        kh = k_ref[:, kv * HD:(kv + 1) * HD]
        vh = v_ref[:, kv * HD:(kv + 1) * HD]
        s = _dot_t(qh, kh) * scale
        s = jnp.where(mask, s, -1e30)
        m = jnp.max(s, axis=1, keepdims=True)
        e = jnp.exp(s - m)
        p = e / jnp.sum(e, axis=1, keepdims=True)
        outs.append(lax.dot_general(p, vh, (((1,), (0,)), ((), ())),
                                    preferred_element_type=F32))
    o_ref[...] = jnp.concatenate(outs, axis=1)


def _epilogue_body(o_ref, ow_ref, res_ref, ffnw_ref, gw_ref, eb_ref,
                   res2_ref, h2_ref, ids_ref, tw_ref):
    res2 = _dot_t(o_ref[...], ow_ref[...]) + res_ref[...]
    res2_ref[...] = res2
    h2 = _rms(res2, ffnw_ref[...])
    h2_ref[...] = h2
    logits = _dot_t(h2, gw_ref[...])
    scores = jax.nn.sigmoid(logits)
    sb = scores + eb_ref[...]
    iota = lax.broadcasted_iota(jnp.int32, (TB, E), 1)

    m1 = jnp.max(sb, axis=1, keepdims=True)
    is1 = sb == m1
    i1 = jnp.min(jnp.where(is1, iota, E), axis=1)
    sel1 = iota == i1[:, None]
    t1 = jnp.sum(jnp.where(sel1, scores, 0.0), axis=1)

    sb2 = jnp.where(sel1, -1e30, sb)
    m2 = jnp.max(sb2, axis=1, keepdims=True)
    is2 = sb2 == m2
    i2 = jnp.min(jnp.where(is2, iota, E), axis=1)
    sel2 = iota == i2[:, None]
    t2 = jnp.sum(jnp.where(sel2, scores, 0.0), axis=1)

    den = t1 + t2
    ids_ref[...] = jnp.stack([i1, i2], axis=1)
    tw_ref[...] = jnp.stack([t1 / den, t2 / den], axis=1)


def _moe_body(gt_ref, nt_ref, x_ref, w1_ref, w2_ref, ws_ref, y_ref):
    t = pl.program_id(0)

    @pl.when(t < nt_ref[0])
    def _():
        x = x_ref[...]
        g = _dot_t(x, w1_ref[0])
        a = jax.nn.silu(g[:, :FF]) * g[:, FF:]
        y = _dot_t(a, w2_ref[0])
        y_ref[...] = y * ws_ref[0, 0][:, None]


def _combine_body(yg_ref, out_ref):
    out_ref[...] = yg_ref[:, 0, :] + yg_ref[:, 1, :]


def _make_sc_gather(B, CH, NCH):
    mesh = plsc.VectorSubcoreMesh(core_axis_name="c", subcore_axis_name="s")

    @functools.partial(
        pl.kernel, mesh=mesh,
        out_type=jax.ShapeDtypeStruct((B, HID), F32),
        scratch_types=[
            pltpu.VMEM((CH,), jnp.int32),
            pltpu.VMEM((CH, HID), F32),
            pltpu.SemaphoreType.DMA,
        ],
    )
    def gk(table_hbm, idx_hbm, out_hbm, idx_v, rows_v, sem):
        wid = lax.axis_index("s") * 2 + lax.axis_index("c")
        for c in range(NCH):
            base = wid * (CH * NCH) + c * CH
            pltpu.sync_copy(idx_hbm.at[pl.ds(base, CH)], idx_v)
            pltpu.async_copy(table_hbm.at[idx_v], rows_v, sem).wait()
            pltpu.sync_copy(rows_v, out_hbm.at[pl.ds(base, CH)])

    return gk


def kernel(positions, hidden_states, residual, qkv_w, out_w, q_ln, k_ln,
           op_w, ffn_w, gate_w, e_bias, w1, w2):
    inv = 1.0 / (THETA ** (jnp.arange(0, HD, 2, dtype=F32) / HD))
    f = positions.astype(F32)[:, None] * inv[None, :]
    cosf = jnp.concatenate([jnp.cos(f), jnp.cos(f)], axis=-1)
    sinf = jnp.concatenate([jnp.sin(f), jnp.sin(f)], axis=-1)

    opw2 = op_w.reshape(1, HID)
    qln2 = q_ln.reshape(1, HD)
    kln2 = k_ln.reshape(1, HD)
    ffnw2 = ffn_w.reshape(1, HID)
    eb2 = e_bias.reshape(1, E)

    res, q, k, v = pl.pallas_call(
        _prologue_body,
        grid=(T // TB,),
        in_specs=[
            pl.BlockSpec((TB, HD), lambda i: (i, 0)),
            pl.BlockSpec((TB, HD), lambda i: (i, 0)),
            pl.BlockSpec((TB, HID), lambda i: (i, 0)),
            pl.BlockSpec((TB, HID), lambda i: (i, 0)),
            pl.BlockSpec((QKV, HID), lambda i: (0, 0)),
            pl.BlockSpec((1, HID), lambda i: (0, 0)),
            pl.BlockSpec((1, HD), lambda i: (0, 0)),
            pl.BlockSpec((1, HD), lambda i: (0, 0)),
        ],
        out_specs=[
            pl.BlockSpec((TB, HID), lambda i: (i, 0)),
            pl.BlockSpec((TB, NH * HD), lambda i: (i, 0)),
            pl.BlockSpec((TB, NKV * HD), lambda i: (i, 0)),
            pl.BlockSpec((TB, NKV * HD), lambda i: (i, 0)),
        ],
        out_shape=[
            jax.ShapeDtypeStruct((T, HID), F32),
            jax.ShapeDtypeStruct((T, NH * HD), F32),
            jax.ShapeDtypeStruct((T, NKV * HD), F32),
            jax.ShapeDtypeStruct((T, NKV * HD), F32),
        ],
    )(cosf, sinf, hidden_states, residual, qkv_w, opw2, qln2, kln2)

    o = pl.pallas_call(
        _attn_body,
        grid=(T // TB,),
        in_specs=[
            pl.BlockSpec((TB, NH * HD), lambda i: (i, 0)),
            pl.BlockSpec((T, NKV * HD), lambda i: (0, 0)),
            pl.BlockSpec((T, NKV * HD), lambda i: (0, 0)),
        ],
        out_specs=pl.BlockSpec((TB, NH * HD), lambda i: (i, 0)),
        out_shape=jax.ShapeDtypeStruct((T, NH * HD), F32),
    )(q, k, v)

    res2, h2, ids, tw = pl.pallas_call(
        _epilogue_body,
        grid=(T // TB,),
        in_specs=[
            pl.BlockSpec((TB, NH * HD), lambda i: (i, 0)),
            pl.BlockSpec((HID, NH * HD), lambda i: (0, 0)),
            pl.BlockSpec((TB, HID), lambda i: (i, 0)),
            pl.BlockSpec((1, HID), lambda i: (0, 0)),
            pl.BlockSpec((E, HID), lambda i: (0, 0)),
            pl.BlockSpec((1, E), lambda i: (0, 0)),
        ],
        out_specs=[
            pl.BlockSpec((TB, HID), lambda i: (i, 0)),
            pl.BlockSpec((TB, HID), lambda i: (i, 0)),
            pl.BlockSpec((TB, K), lambda i: (i, 0)),
            pl.BlockSpec((TB, K), lambda i: (i, 0)),
        ],
        out_shape=[
            jax.ShapeDtypeStruct((T, HID), F32),
            jax.ShapeDtypeStruct((T, HID), F32),
            jax.ShapeDtypeStruct((T, K), jnp.int32),
            jax.ShapeDtypeStruct((T, K), F32),
        ],
    )(o, out_w, res, ffnw2, gate_w, eb2)

    flat_e = ids.reshape(-1)
    flat_w = tw.reshape(-1)
    order = jnp.argsort(flat_e, stable=True)
    sorted_tok = (order // K).astype(jnp.int32)
    sorted_w = flat_w[order]

    counts = jnp.zeros((E,), jnp.int32).at[flat_e].add(1)
    starts = jnp.concatenate([jnp.zeros((1,), jnp.int32),
                              jnp.cumsum(counts)[:-1]])
    tiles_pg = (counts + TM - 1) // TM
    first_tile = jnp.concatenate([jnp.zeros((1,), jnp.int32),
                                  jnp.cumsum(tiles_pg)[:-1]])
    n_tiles = jnp.sum(tiles_pg).astype(jnp.int32)

    tix = jnp.arange(G, dtype=jnp.int32)
    g_t = jnp.clip(jnp.searchsorted(first_tile, tix, side='right') - 1,
                   0, E - 1).astype(jnp.int32)
    within = tix - first_tile[g_t]
    row0 = starts[g_t] + within * TM
    slot = row0[:, None] + jnp.arange(TM, dtype=jnp.int32)[None, :]
    valid = (slot < (starts[g_t] + counts[g_t])[:, None]) \
        & (tix < n_tiles)[:, None]
    slot_c = jnp.clip(slot, 0, T * K - 1)
    tok_slot = jnp.where(valid, sorted_tok[slot_c], 0).reshape(-1)
    w_slot = jnp.where(valid, sorted_w[slot_c], 0.0).reshape(G, 1, TM)

    inv_order = jnp.zeros((T * K,), jnp.int32).at[order].set(
        jnp.arange(T * K, dtype=jnp.int32))
    m = inv_order - starts[flat_e]
    s_flat = (first_tile[flat_e] + m // TM) * TM + m % TM

    x_sorted = _make_sc_gather(G * TM, 96, 4)(h2, tok_slot)

    y_sorted = pl.pallas_call(
        _moe_body,
        grid_spec=pltpu.PrefetchScalarGridSpec(
            num_scalar_prefetch=2,
            grid=(G,),
            in_specs=[
                pl.BlockSpec((TM, HID), lambda t, gt, nt: (t, 0)),
                pl.BlockSpec((1, 2 * FF, HID),
                             lambda t, gt, nt: (gt[t], 0, 0)),
                pl.BlockSpec((1, HID, FF),
                             lambda t, gt, nt: (gt[t], 0, 0)),
                pl.BlockSpec((1, 1, TM), lambda t, gt, nt: (t, 0, 0)),
            ],
            out_specs=pl.BlockSpec((TM, HID), lambda t, gt, nt: (t, 0)),
        ),
        out_shape=jax.ShapeDtypeStruct((G * TM, HID), F32),
    )(g_t, jnp.array([0], jnp.int32) + n_tiles, x_sorted, w1, w2, w_slot)

    yg = _make_sc_gather(T * K, 64, 2)(y_sorted, s_flat)

    moe_out = pl.pallas_call(
        _combine_body,
        grid=(T // TB,),
        in_specs=[pl.BlockSpec((TB, K, HID), lambda i: (i, 0, 0))],
        out_specs=pl.BlockSpec((TB, HID), lambda i: (i, 0)),
        out_shape=jax.ShapeDtypeStruct((T, HID), F32),
    )(yg.reshape(T, K, HID))

    return (moe_out, res2)

# --- scband reference (transcript-rebuilt; emitter-appended) ---
"""Pipeline reference for scband-lfm2-moe-attention-decoder-layer-2113123909697 (READ-ONLY COPY).

The authoritative reference and input builder live on the scoring server;
editing this copy changes nothing except your own understanding.
"""

import jax, jax.numpy as jnp
import numpy as np

T = 2048
HID = 1024
NH = 16
NKV = 4
HD = 64
E = 64
K = 2
FF = 512
EPS = 1e-05
THETA = 1000000.0
RSF = 1.0


def _rmsnorm(x, w):
    return x * jax.lax.rsqrt(jnp.mean(x * x, axis=-1, keepdims=True) + EPS) * w


def _rope(x, pos):
    inv = 1.0 / (THETA ** (jnp.arange(0, HD, 2, dtype=jnp.float32) / HD))
    f = pos.astype(jnp.float32)[:, None] * inv[None, :]
    cos = jnp.concatenate([jnp.cos(f), jnp.cos(f)], axis=-1)[:, None, :]
    sin = jnp.concatenate([jnp.sin(f), jnp.sin(f)], axis=-1)[:, None, :]
    x1, x2 = jnp.split(x, 2, axis=-1)
    return x * cos + jnp.concatenate([-x2, x1], axis=-1) * sin


def _attn(pos, h, qkv_w, out_w, q_ln, k_ln):
    n = h.shape[0]
    qkv = h @ qkv_w.T
    q, k, v = jnp.split(qkv, [NH * HD, NH * HD + NKV * HD], axis=-1)
    q = _rmsnorm(q.reshape(n, NH, HD), q_ln)
    k = _rmsnorm(k.reshape(n, NKV, HD), k_ln)
    v = v.reshape(n, NKV, HD)
    q = _rope(q, pos)
    k = _rope(k, pos)
    k = jnp.repeat(k, NH // NKV, axis=1)
    v = jnp.repeat(v, NH // NKV, axis=1)
    s = jnp.einsum('qhd,khd->hqk', q, k) * (HD ** -0.5)
    mask = jnp.tril(jnp.ones((n, n), dtype=bool))
    s = jnp.where(mask[None, :, :], s, -1e30)
    p = jax.nn.softmax(s, axis=-1)
    o = jnp.einsum('hqk,khd->qhd', p, v).reshape(n, NH * HD)
    return o @ out_w.T


def _moe(h, gate_w, e_bias, w1, w2, routing=None):
    logits = h @ gate_w.T
    scores = jax.nn.sigmoid(logits)
    if routing is None:
        _, ids = jax.lax.top_k(scores + e_bias[None, :], K)
    else:
        ids = routing
    tw = jnp.take_along_axis(scores, jnp.asarray(ids), axis=1)
    tw = tw / jnp.sum(tw, axis=1, keepdims=True)

    def body(e, out):
        we = jnp.sum(jnp.where(ids == e, tw, 0.0), axis=1)
        g = h @ w1[e].T
        a = jax.nn.silu(g[:, :FF]) * g[:, FF:]
        ye = a @ w2[e].T
        return out + we[:, None] * ye

    out = jax.lax.fori_loop(0, E, body, jnp.zeros_like(h))
    return out * RSF, ids


def _forward(positions, hidden_states, residual, qkv_w, out_w, q_ln, k_ln, op_w, ffn_w, gate_w, e_bias, w1, w2, routing=None):
    res = hidden_states + residual
    h = _rmsnorm(res, op_w)
    h = _attn(positions, h, qkv_w, out_w, q_ln, k_ln)
    res2 = h + res
    h = _rmsnorm(res2, ffn_w)
    h, ids = _moe(h, gate_w, e_bias, w1, w2, routing=routing)
    return h, res2, ids


def setup_inputs(seed: int = 0):
    key = jax.random.key(seed)
    ks = jax.random.split(key, 10)
    sc = 0.02
    return {
        'positions': jnp.arange(T, dtype=jnp.int32),
        'hidden_states': jax.random.normal(ks[0], (T, HID), dtype=jnp.float32),
        'residual': jax.random.normal(ks[1], (T, HID), dtype=jnp.float32),
        'qkv_w': jax.random.normal(ks[2], ((NH + 2 * NKV) * HD, HID), dtype=jnp.float32) * sc,
        'out_w': jax.random.normal(ks[3], (HID, NH * HD), dtype=jnp.float32) * sc,
        'q_ln': jnp.ones((HD,), dtype=jnp.float32),
        'k_ln': jnp.ones((HD,), dtype=jnp.float32),
        'op_w': jnp.ones((HID,), dtype=jnp.float32),
        'ffn_w': jnp.ones((HID,), dtype=jnp.float32),
        'gate_w': jax.random.normal(ks[4], (E, HID), dtype=jnp.float32) * sc,
        'e_bias': jnp.zeros((E,), dtype=jnp.float32),
        'w1': jax.random.normal(ks[5], (E, 2 * FF, HID), dtype=jnp.float32) * sc,
        'w2': jax.random.normal(ks[6], (E, HID, FF), dtype=jnp.float32) * sc,
    }


def reference(positions, hidden_states, residual, qkv_w, out_w, q_ln, k_ln, op_w, ffn_w, gate_w, e_bias, w1, w2):
    h, res, _ = _forward(positions, hidden_states, residual, qkv_w, out_w, q_ln, k_ln, op_w, ffn_w, gate_w, e_bias, w1, w2)
    return (h, res)

if __name__ == "__main__":
    import jax
    _d = setup_inputs()
    print(jax.jit(kernel)(*tuple(_d.values())))

</pallas_src>

<mosaic_0001>
#map = affine_map<(d0, d1) -> (0, 0)>
#map1 = affine_map<(d0, d1) -> (0)>
module attributes {stable_mosaic.version = 14 : i64} {
  func.func @gk(%arg0: i32, %arg1: i32, %arg2: memref<2048x1024xf32, #tpu.memory_space<hbm>>, %arg3: memref<12288xi32, #tpu.memory_space<hbm>>, %arg4: memref<12288x1024xf32, #tpu.memory_space<hbm>>, %arg5: memref<96xi32, #tpu.memory_space<vmem>>, %arg6: memref<96x1024xf32, #tpu.memory_space<vmem>>, %arg7: memref<!tpu.dma_semaphore, #tpu.memory_space<semaphore_mem>>) attributes {dimension_semantics = [#tpu.dimension_semantics<core_parallel>, #tpu.dimension_semantics<subcore_parallel>], iteration_bounds = array<i64: 2, 16>, scalar_prefetch = 0 : i64, scratch_operands = 3 : i64, tpu.core_type = #tpu.core_type<sc_vector_subcore>, window_params = [{transform_indices = #map}, {transform_indices = #map1}, {transform_indices = #map}]} {
    %mul3A = arith.constant 2 : i32
    %mul3A_0 = arith.muli %arg1, %mul3A : i32
    %add3A = arith.addi %mul3A_0, %arg0 : i32
    %mul3A_1 = arith.constant 384 : i32
    %mul3A_2 = arith.muli %add3A, %mul3A_1 : i32
    %add3A_3 = arith.constant 0 : i32
    %add3A_4 = arith.addi %mul3A_2, %add3A_3 : i32
    "tpu.region"() ({
      %run_scoped3A = tpu.sem_alloc : memref<!tpu.dma_semaphore, #tpu.memory_space<semaphore_mem>>
      %dma_start3A_39 = tpu.memref_slice %arg3[%add3A_4] : memref<12288xi32, #tpu.memory_space<hbm>> -> memref<96xi32, #tpu.memory_space<hbm>>
      %dma_start3A_40 = tpu.memref_slice %arg3[%add3A_4] : memref<12288xi32, #tpu.memory_space<hbm>> -> memref<96xi32, #tpu.memory_space<hbm>>
      tpu.enqueue_dma source(%dma_start3A_40 : memref<96xi32, #tpu.memory_space<hbm>>) target(%arg5 : memref<96xi32, #tpu.memory_space<vmem>>) target_semaphore(%run_scoped3A : memref<!tpu.dma_semaphore, #tpu.memory_space<semaphore_mem>>)
      %dma_wait3A_41 = tpu.memref_slice %arg3[%add3A_4] : memref<12288xi32, #tpu.memory_space<hbm>> -> memref<96xi32, #tpu.memory_space<hbm>>
      %dma_wait3A_42 = tpu.memref_slice %arg3[%add3A_4] : memref<12288xi32, #tpu.memory_space<hbm>> -> memref<96xi32, #tpu.memory_space<hbm>>
      tpu.wait_dma2 semaphore(%run_scoped3A : memref<!tpu.dma_semaphore, #tpu.memory_space<semaphore_mem>>) src(%dma_wait3A_42 : memref<96xi32, #tpu.memory_space<hbm>>) dst(%arg5 : memref<96xi32, #tpu.memory_space<vmem>>)
      tpu.yield
    }) : () -> ()
    %dma_start3A = arith.constant 0 : i32
    %dma_start3A_5 = arith.constant 0 : i32
    %dma_start3A_6 = tpu.memref_slice %arg2[%dma_start3A, %dma_start3A_5] : memref<2048x1024xf32, #tpu.memory_space<hbm>> -> memref<2048x1024xf32, #tpu.memory_space<hbm>>
    tpu.enqueue_indirect_dma source(%dma_start3A_6 : memref<2048x1024xf32, #tpu.memory_space<hbm>>) target(%arg6 : memref<96x1024xf32, #tpu.memory_space<vmem>>) offsets(%arg5 : memref<96xi32, #tpu.memory_space<vmem>>) semaphore(%arg7 : memref<!tpu.dma_semaphore, #tpu.memory_space<semaphore_mem>>)
    %dma_wait3A = arith.constant 0 : i32
    %dma_wait3A_7 = arith.constant 0 : i32
    %dma_wait3A_8 = tpu.memref_slice %arg2[%dma_wait3A, %dma_wait3A_7] : memref<2048x1024xf32, #tpu.memory_space<hbm>> -> memref<2048x1024xf32, #tpu.memory_space<hbm>>
    tpu.wait_indirect_dma semaphore(%arg7 : memref<!tpu.dma_semaphore, #tpu.memory_space<semaphore_mem>>) src(%dma_wait3A_8 : memref<2048x1024xf32, #tpu.memory_space<hbm>>) dst(%arg6 : memref<96x1024xf32, #tpu.memory_space<vmem>>)
    "tpu.region"() ({
      %run_scoped3A = tpu.sem_alloc : memref<!tpu.dma_semaphore, #tpu.memory_space<semaphore_mem>>
      %dma_start3A_39 = arith.constant 0 : i32
      %dma_start3A_40 = tpu.memref_slice %arg4[%add3A_4, %dma_start3A_39] : memref<12288x1024xf32, #tpu.memory_space<hbm>> -> memref<96x1024xf32, #tpu.memory_space<hbm>>
      %dma_start3A_41 = arith.constant 0 : i32
      %dma_start3A_42 = tpu.memref_slice %arg4[%add3A_4, %dma_start3A_41] : memref<12288x1024xf32, #tpu.memory_space<hbm>> -> memref<96x1024xf32, #tpu.memory_space<hbm>>
      tpu.enqueue_dma source(%arg6 : memref<96x1024xf32, #tpu.memory_space<vmem>>) target(%dma_start3A_42 : memref<96x1024xf32, #tpu.memory_space<hbm>>) target_semaphore(%run_scoped3A : memref<!tpu.dma_semaphore, #tpu.memory_space<semaphore_mem>>)
      %dma_wait3A_43 = arith.constant 0 : i32
      %dma_wait3A_44 = tpu.memref_slice %arg4[%add3A_4, %dma_wait3A_43] : memref<12288x1024xf32, #tpu.memory_space<hbm>> -> memref<96x1024xf32, #tpu.memory_space<hbm>>
      %dma_wait3A_45 = arith.constant 0 : i32
      %dma_wait3A_46 = tpu.memref_slice %arg4[%add3A_4, %dma_wait3A_45] : memref<12288x1024xf32, #tpu.memory_space<hbm>> -> memref<96x1024xf32, #tpu.memory_space<hbm>>
      tpu.wait_dma2 semaphore(%run_scoped3A : memref<!tpu.dma_semaphore, #tpu.memory_space<semaphore_mem>>) src(%arg6 : memref<96x1024xf32, #tpu.memory_space<vmem>>) dst(%dma_wait3A_46 : memref<96x1024xf32, #tpu.memory_space<hbm>>)
      tpu.yield
    }) : () -> ()
    %mul3A_9 = arith.constant 384 : i32
    %mul3A_10 = arith.muli %add3A, %mul3A_9 : i32
    %add3A_11 = arith.constant 96 : i32
    %add3A_12 = arith.addi %mul3A_10, %add3A_11 : i32
    "tpu.region"() ({
      %run_scoped3A = tpu.sem_alloc : memref<!tpu.dma_semaphore, #tpu.memory_space<semaphore_mem>>
      %dma_start3A_39 = tpu.memref_slice %arg3[%add3A_12] : memref<12288xi32, #tpu.memory_space<hbm>> -> memref<96xi32, #tpu.memory_space<hbm>>
      %dma_start3A_40 = tpu.memref_slice %arg3[%add3A_12] : memref<12288xi32, #tpu.memory_space<hbm>> -> memref<96xi32, #tpu.memory_space<hbm>>
      tpu.enqueue_dma source(%dma_start3A_40 : memref<96xi32, #tpu.memory_space<hbm>>) target(%arg5 : memref<96xi32, #tpu.memory_space<vmem>>) target_semaphore(%run_scoped3A : memref<!tpu.dma_semaphore, #tpu.memory_space<semaphore_mem>>)
      %dma_wait3A_41 = tpu.memref_slice %arg3[%add3A_12] : memref<12288xi32, #tpu.memory_space<hbm>> -> memref<96xi32, #tpu.memory_space<hbm>>
      %dma_wait3A_42 = tpu.memref_slice %arg3[%add3A_12] : memref<12288xi32, #tpu.memory_space<hbm>> -> memref<96xi32, #tpu.memory_space<hbm>>
      tpu.wait_dma2 semaphore(%run_scoped3A : memref<!tpu.dma_semaphore, #tpu.memory_space<semaphore_mem>>) src(%dma_wait3A_42 : memref<96xi32, #tpu.memory_space<hbm>>) dst(%arg5 : memref<96xi32, #tpu.memory_space<vmem>>)
      tpu.yield
    }) : () -> ()
    %dma_start3A_13 = arith.constant 0 : i32
    %dma_start3A_14 = arith.constant 0 : i32
    %dma_start3A_15 = tpu.memref_slice %arg2[%dma_start3A_13, %dma_start3A_14] : memref<2048x1024xf32, #tpu.memory_space<hbm>> -> memref<2048x1024xf32, #tpu.memory_space<hbm>>
    tpu.enqueue_indirect_dma source(%dma_start3A_15 : memref<2048x1024xf32, #tpu.memory_space<hbm>>) target(%arg6 : memref<96x1024xf32, #tpu.memory_space<vmem>>) offsets(%arg5 : memref<96xi32, #tpu.memory_space<vmem>>) semaphore(%arg7 : memref<!tpu.dma_semaphore, #tpu.memory_space<semaphore_mem>>)
    %dma_wait3A_16 = arith.constant 0 : i32
    %dma_wait3A_17 = arith.constant 0 : i32
    %dma_wait3A_18 = tpu.memref_slice %arg2[%dma_wait3A_16, %dma_wait3A_17] : memref<2048x1024xf32, #tpu.memory_space<hbm>> -> memref<2048x1024xf32, #tpu.memory_space<hbm>>
    tpu.wait_indirect_dma semaphore(%arg7 : memref<!tpu.dma_semaphore, #tpu.memory_space<semaphore_mem>>) src(%dma_wait3A_18 : memref<2048x1024xf32, #tpu.memory_space<hbm>>) dst(%arg6 : memref<96x1024xf32, #tpu.memory_space<vmem>>)
    "tpu.region"() ({
      %run_scoped3A = tpu.sem_alloc : memref<!tpu.dma_semaphore, #tpu.memory_space<semaphore_mem>>
      %dma_start3A_39 = arith.constant 0 : i32
      %dma_start3A_40 = tpu.memref_slice %arg4[%add3A_12, %dma_start3A_39] : memref<12288x1024xf32, #tpu.memory_space<hbm>> -> memref<96x1024xf32, #tpu.memory_space<hbm>>
      %dma_start3A_41 = arith.constant 0 : i32
      %dma_start3A_42 = tpu.memref_slice %arg4[%add3A_12, %dma_start3A_41] : memref<12288x1024xf32, #tpu.memory_space<hbm>> -> memref<96x1024xf32, #tpu.memory_space<hbm>>
      tpu.enqueue_dma source(%arg6 : memref<96x1024xf32, #tpu.memory_space<vmem>>) target(%dma_start3A_42 : memref<96x1024xf32, #tpu.memory_space<hbm>>) target_semaphore(%run_scoped3A : memref<!tpu.dma_semaphore, #tpu.memory_space<semaphore_mem>>)
      %dma_wait3A_43 = arith.constant 0 : i32
      %dma_wait3A_44 = tpu.memref_slice %arg4[%add3A_12, %dma_wait3A_43] : memref<12288x1024xf32, #tpu.memory_space<hbm>> -> memref<96x1024xf32, #tpu.memory_space<hbm>>
      %dma_wait3A_45 = arith.constant 0 : i32
      %dma_wait3A_46 = tpu.memref_slice %arg4[%add3A_12, %dma_wait3A_45] : memref<12288x1024xf32, #tpu.memory_space<hbm>> -> memref<96x1024xf32, #tpu.memory_space<hbm>>
      tpu.wait_dma2 semaphore(%run_scoped3A : memref<!tpu.dma_semaphore, #tpu.memory_space<semaphore_mem>>) src(%arg6 : memref<96x1024xf32, #tpu.memory_space<vmem>>) dst(%dma_wait3A_46 : memref<96x1024xf32, #tpu.memory_space<hbm>>)
      tpu.yield
    }) : () -> ()
    %mul3A_19 = arith.constant 384 : i32
    %mul3A_20 = arith.muli %add3A, %mul3A_19 : i32
    %add3A_21 = arith.constant 192 : i32
    %add3A_22 = arith.addi %mul3A_20, %add3A_21 : i32
    "tpu.region"() ({
      %run_scoped3A = tpu.sem_alloc : memref<!tpu.dma_semaphore, #tpu.memory_space<semaphore_mem>>
      %dma_start3A_39 = tpu.memref_slice %arg3[%add3A_22] : memref<12288xi32, #tpu.memory_space<hbm>> -> memref<96xi32, #tpu.memory_space<hbm>>
      %dma_start3A_40 = tpu.memref_slice %arg3[%add3A_22] : memref<12288xi32, #tpu.memory_space<hbm>> -> memref<96xi32, #tpu.memory_space<hbm>>
      tpu.enqueue_dma source(%dma_start3A_40 : memref<96xi32, #tpu.memory_space<hbm>>) target(%arg5 : memref<96xi32, #tpu.memory_space<vmem>>) target_semaphore(%run_scoped3A : memref<!tpu.dma_semaphore, #tpu.memory_space<semaphore_mem>>)
      %dma_wait3A_41 = tpu.memref_slice %arg3[%add3A_22] : memref<12288xi32, #tpu.memory_space<hbm>> -> memref<96xi32, #tpu.memory_space<hbm>>
      %dma_wait3A_42 = tpu.memref_slice %arg3[%add3A_22] : memref<12288xi32, #tpu.memory_space<hbm>> -> memref<96xi32, #tpu.memory_space<hbm>>
      tpu.wait_dma2 semaphore(%run_scoped3A : memref<!tpu.dma_semaphore, #tpu.memory_space<semaphore_mem>>) src(%dma_wait3A_42 : memref<96xi32, #tpu.memory_space<hbm>>) dst(%arg5 : memref<96xi32, #tpu.memory_space<vmem>>)
      tpu.yield
    }) : () -> ()
    %dma_start3A_23 = arith.constant 0 : i32
    %dma_start3A_24 = arith.constant 0 : i32
    %dma_start3A_25 = tpu.memref_slice %arg2[%dma_start3A_23, %dma_start3A_24] : memref<2048x1024xf32, #tpu.memory_space<hbm>> -> memref<2048x1024xf32, #tpu.memory_space<hbm>>
    tpu.enqueue_indirect_dma source(%dma_start3A_25 : memref<2048x1024xf32, #tpu.memory_space<hbm>>) target(%arg6 : memref<96x1024xf32, #tpu.memory_space<vmem>>) offsets(%arg5 : memref<96xi32, #tpu.memory_space<vmem>>) semaphore(%arg7 : memref<!tpu.dma_semaphore, #tpu.memory_space<semaphore_mem>>)
    %dma_wait3A_26 = arith.constant 0 : i32
    %dma_wait3A_27 = arith.constant 0 : i32
    %dma_wait3A_28 = tpu.memref_slice %arg2[%dma_wait3A_26, %dma_wait3A_27] : memref<2048x1024xf32, #tpu.memory_space<hbm>> -> memref<2048x1024xf32, #tpu.memory_space<hbm>>
    tpu.wait_indirect_dma semaphore(%arg7 : memref<!tpu.dma_semaphore, #tpu.memory_space<semaphore_mem>>) src(%dma_wait3A_28 : memref<2048x1024xf32, #tpu.memory_space<hbm>>) dst(%arg6 : memref<96x1024xf32, #tpu.memory_space<vmem>>)
    "tpu.region"() ({
      %run_scoped3A = tpu.sem_alloc : memref<!tpu.dma_semaphore, #tpu.memory_space<semaphore_mem>>
      %dma_start3A_39 = arith.constant 0 : i32
      %dma_start3A_40 = tpu.memref_slice %arg4[%add3A_22, %dma_start3A_39] : memref<12288x1024xf32, #tpu.memory_space<hbm>> -> memref<96x1024xf32, #tpu.memory_space<hbm>>
      %dma_start3A_41 = arith.constant 0 : i32
      %dma_start3A_42 = tpu.memref_slice %arg4[%add3A_22, %dma_start3A_41] : memref<12288x1024xf32, #tpu.memory_space<hbm>> -> memref<96x1024xf32, #tpu.memory_space<hbm>>
      tpu.enqueue_dma source(%arg6 : memref<96x1024xf32, #tpu.memory_space<vmem>>) target(%dma_start3A_42 : memref<96x1024xf32, #tpu.memory_space<hbm>>) target_semaphore(%run_scoped3A : memref<!tpu.dma_semaphore, #tpu.memory_space<semaphore_mem>>)
      %dma_wait3A_43 = arith.constant 0 : i32
      %dma_wait3A_44 = tpu.memref_slice %arg4[%add3A_22, %dma_wait3A_43] : memref<12288x1024xf32, #tpu.memory_space<hbm>> -> memref<96x1024xf32, #tpu.memory_space<hbm>>
      %dma_wait3A_45 = arith.constant 0 : i32
      %dma_wait3A_46 = tpu.memref_slice %arg4[%add3A_22, %dma_wait3A_45] : memref<12288x1024xf32, #tpu.memory_space<hbm>> -> memref<96x1024xf32, #tpu.memory_space<hbm>>
      tpu.wait_dma2 semaphore(%run_scoped3A : memref<!tpu.dma_semaphore, #tpu.memory_space<semaphore_mem>>) src(%arg6 : memref<96x1024xf32, #tpu.memory_space<vmem>>) dst(%dma_wait3A_46 : memref<96x1024xf32, #tpu.memory_space<hbm>>)
      tpu.yield
    }) : () -> ()
    %mul3A_29 = arith.constant 384 : i32
    %mul3A_30 = arith.muli %add3A, %mul3A_29 : i32
    %add3A_31 = arith.constant 288 : i32
    %add3A_32 = arith.addi %mul3A_30, %add3A_31 : i32
    "tpu.region"() ({
      %run_scoped3A = tpu.sem_alloc : memref<!tpu.dma_semaphore, #tpu.memory_space<semaphore_mem>>
      %dma_start3A_39 = tpu.memref_slice %arg3[%add3A_32] : memref<12288xi32, #tpu.memory_space<hbm>> -> memref<96xi32, #tpu.memory_space<hbm>>
      %dma_start3A_40 = tpu.memref_slice %arg3[%add3A_32] : memref<12288xi32, #tpu.memory_space<hbm>> -> memref<96xi32, #tpu.memory_space<hbm>>
      tpu.enqueue_dma source(%dma_start3A_40 : memref<96xi32, #tpu.memory_space<hbm>>) target(%arg5 : memref<96xi32, #tpu.memory_space<vmem>>) target_semaphore(%run_scoped3A : memref<!tpu.dma_semaphore, #tpu.memory_space<semaphore_mem>>)
      %dma_wait3A_41 = tpu.memref_slice %arg3[%add3A_32] : memref<12288xi32, #tpu.memory_space<hbm>> -> memref<96xi32, #tpu.memory_space<hbm>>
      %dma_wait3A_42 = tpu.memref_slice %arg3[%add3A_32] : memref<12288xi32, #tpu.memory_space<hbm>> -> memref<96xi32, #tpu.memory_space<hbm>>
      tpu.wait_dma2 semaphore(%run_scoped3A : memref<!tpu.dma_semaphore, #tpu.memory_space<semaphore_mem>>) src(%dma_wait3A_42 : memref<96xi32, #tpu.memory_space<hbm>>) dst(%arg5 : memref<96xi32, #tpu.memory_space<vmem>>)
      tpu.yield
    }) : () -> ()
    %dma_start3A_33 = arith.constant 0 : i32
    %dma_start3A_34 = arith.constant 0 : i32
    %dma_start3A_35 = tpu.memref_slice %arg2[%dma_start3A_33, %dma_start3A_34] : memref<2048x1024xf32, #tpu.memory_space<hbm>> -> memref<2048x1024xf32, #tpu.memory_space<hbm>>
    tpu.enqueue_indirect_dma source(%dma_start3A_35 : memref<2048x1024xf32, #tpu.memory_space<hbm>>) target(%arg6 : memref<96x1024xf32, #tpu.memory_space<vmem>>) offsets(%arg5 : memref<96xi32, #tpu.memory_space<vmem>>) semaphore(%arg7 : memref<!tpu.dma_semaphore, #tpu.memory_space<semaphore_mem>>)
    %dma_wait3A_36 = arith.constant 0 : i32
    %dma_wait3A_37 = arith.constant 0 : i32
    %dma_wait3A_38 = tpu.memref_slice %arg2[%dma_wait3A_36, %dma_wait3A_37] : memref<2048x1024xf32, #tpu.memory_space<hbm>> -> memref<2048x1024xf32, #tpu.memory_space<hbm>>
    tpu.wait_indirect_dma semaphore(%arg7 : memref<!tpu.dma_semaphore, #tpu.memory_space<semaphore_mem>>) src(%dma_wait3A_38 : memref<2048x1024xf32, #tpu.memory_space<hbm>>) dst(%arg6 : memref<96x1024xf32, #tpu.memory_space<vmem>>)
    "tpu.region"() ({
      %run_scoped3A = tpu.sem_alloc : memref<!tpu.dma_semaphore, #tpu.memory_space<semaphore_mem>>
      %dma_start3A_39 = arith.constant 0 : i32
      %dma_start3A_40 = tpu.memref_slice %arg4[%add3A_32, %dma_start3A_39] : memref<12288x1024xf32, #tpu.memory_space<hbm>> -> memref<96x1024xf32, #tpu.memory_space<hbm>>
      %dma_start3A_41 = arith.constant 0 : i32
      %dma_start3A_42 = tpu.memref_slice %arg4[%add3A_32, %dma_start3A_41] : memref<12288x1024xf32, #tpu.memory_space<hbm>> -> memref<96x1024xf32, #tpu.memory_space<hbm>>
      tpu.enqueue_dma source(%arg6 : memref<96x1024xf32, #tpu.memory_space<vmem>>) target(%dma_start3A_42 : memref<96x1024xf32, #tpu.memory_space<hbm>>) target_semaphore(%run_scoped3A : memref<!tpu.dma_semaphore, #tpu.memory_space<semaphore_mem>>)
      %dma_wait3A_43 = arith.constant 0 : i32
      %dma_wait3A_44 = tpu.memref_slice %arg4[%add3A_32, %dma_wait3A_43] : memref<12288x1024xf32, #tpu.memory_space<hbm>> -> memref<96x1024xf32, #tpu.memory_space<hbm>>
      %dma_wait3A_45 = arith.constant 0 : i32
      %dma_wait3A_46 = tpu.memref_slice %arg4[%add3A_32, %dma_wait3A_45] : memref<12288x1024xf32, #tpu.memory_space<hbm>> -> memref<96x1024xf32, #tpu.memory_space<hbm>>
      tpu.wait_dma2 semaphore(%run_scoped3A : memref<!tpu.dma_semaphore, #tpu.memory_space<semaphore_mem>>) src(%arg6 : memref<96x1024xf32, #tpu.memory_space<vmem>>) dst(%dma_wait3A_46 : memref<96x1024xf32, #tpu.memory_space<hbm>>)
      tpu.yield
    }) : () -> ()
    return
  }
}

#map = affine_map<(d0, d1) -> (0, 0)>
#map1 = affine_map<(d0, d1) -> (0)>
module attributes {stable_mosaic.version = 14 : i64} {
  func.func @gk(%arg0: i32, %arg1: i32, %arg2: memref<12288x1024xf32, #tpu.memory_space<hbm>>, %arg3: memref<4096xi32, #tpu.memory_space<hbm>>, %arg4: memref<4096x1024xf32, #tpu.memory_space<hbm>>, %arg5: memref<64xi32, #tpu.memory_space<vmem>>, %arg6: memref<64x1024xf32, #tpu.memory_space<vmem>>, %arg7: memref<!tpu.dma_semaphore, #tpu.memory_space<semaphore_mem>>) attributes {dimension_semantics = [#tpu.dimension_semantics<core_parallel>, #tpu.dimension_semantics<subcore_parallel>], iteration_bounds = array<i64: 2, 16>, scalar_prefetch = 0 : i64, scratch_operands = 3 : i64, tpu.core_type = #tpu.core_type<sc_vector_subcore>, window_params = [{transform_indices = #map}, {transform_indices = #map1}, {transform_indices = #map}]} {
    %mul3A = arith.constant 2 : i32
    %mul3A_0 = arith.muli %arg1, %mul3A : i32
    %add3A = arith.addi %mul3A_0, %arg0 : i32
    %mul3A_1 = arith.constant 128 : i32
    %mul3A_2 = arith.muli %add3A, %mul3A_1 : i32
    %add3A_3 = arith.constant 0 : i32
    %add3A_4 = arith.addi %mul3A_2, %add3A_3 : i32
    "tpu.region"() ({
      %run_scoped3A = tpu.sem_alloc : memref<!tpu.dma_semaphore, #tpu.memory_space<semaphore_mem>>
      %dma_start3A_19 = tpu.memref_slice %arg3[%add3A_4] : memref<4096xi32, #tpu.memory_space<hbm>> -> memref<64xi32, #tpu.memory_space<hbm>>
      %dma_start3A_20 = tpu.memref_slice %arg3[%add3A_4] : memref<4096xi32, #tpu.memory_space<hbm>> -> memref<64xi32, #tpu.memory_space<hbm>>
      tpu.enqueue_dma source(%dma_start3A_20 : memref<64xi32, #tpu.memory_space<hbm>>) target(%arg5 : memref<64xi32, #tpu.memory_space<vmem>>) target_semaphore(%run_scoped3A : memref<!tpu.dma_semaphore, #tpu.memory_space<semaphore_mem>>)
      %dma_wait3A_21 = tpu.memref_slice %arg3[%add3A_4] : memref<4096xi32, #tpu.memory_space<hbm>> -> memref<64xi32, #tpu.memory_space<hbm>>
      %dma_wait3A_22 = tpu.memref_slice %arg3[%add3A_4] : memref<4096xi32, #tpu.memory_space<hbm>> -> memref<64xi32, #tpu.memory_space<hbm>>
      tpu.wait_dma2 semaphore(%run_scoped3A : memref<!tpu.dma_semaphore, #tpu.memory_space<semaphore_mem>>) src(%dma_wait3A_22 : memref<64xi32, #tpu.memory_space<hbm>>) dst(%arg5 : memref<64xi32, #tpu.memory_space<vmem>>)
      tpu.yield
    }) : () -> ()
    %dma_start3A = arith.constant 0 : i32
    %dma_start3A_5 = arith.constant 0 : i32
    %dma_start3A_6 = tpu.memref_slice %arg2[%dma_start3A, %dma_start3A_5] : memref<12288x1024xf32, #tpu.memory_space<hbm>> -> memref<12288x1024xf32, #tpu.memory_space<hbm>>
    tpu.enqueue_indirect_dma source(%dma_start3A_6 : memref<12288x1024xf32, #tpu.memory_space<hbm>>) target(%arg6 : memref<64x1024xf32, #tpu.memory_space<vmem>>) offsets(%arg5 : memref<64xi32, #tpu.memory_space<vmem>>) semaphore(%arg7 : memref<!tpu.dma_semaphore, #tpu.memory_space<semaphore_mem>>)
    %dma_wait3A = arith.constant 0 : i32
    %dma_wait3A_7 = arith.constant 0 : i32
    %dma_wait3A_8 = tpu.memref_slice %arg2[%dma_wait3A, %dma_wait3A_7] : memref<12288x1024xf32, #tpu.memory_space<hbm>> -> memref<12288x1024xf32, #tpu.memory_space<hbm>>
    tpu.wait_indirect_dma semaphore(%arg7 : memref<!tpu.dma_semaphore, #tpu.memory_space<semaphore_mem>>) src(%dma_wait3A_8 : memref<12288x1024xf32, #tpu.memory_space<hbm>>) dst(%arg6 : memref<64x1024xf32, #tpu.memory_space<vmem>>)
    "tpu.region"() ({
      %run_scoped3A = tpu.sem_alloc : memref<!tpu.dma_semaphore, #tpu.memory_space<semaphore_mem>>
      %dma_start3A_19 = arith.constant 0 : i32
      %dma_start3A_20 = tpu.memref_slice %arg4[%add3A_4, %dma_start3A_19] : memref<4096x1024xf32, #tpu.memory_space<hbm>> -> memref<64x1024xf32, #tpu.memory_space<hbm>>
      %dma_start3A_21 = arith.constant 0 : i32
      %dma_start3A_22 = tpu.memref_slice %arg4[%add3A_4, %dma_start3A_21] : memref<4096x1024xf32, #tpu.memory_space<hbm>> -> memref<64x1024xf32, #tpu.memory_space<hbm>>
      tpu.enqueue_dma source(%arg6 : memref<64x1024xf32, #tpu.memory_space<vmem>>) target(%dma_start3A_22 : memref<64x1024xf32, #tpu.memory_space<hbm>>) target_semaphore(%run_scoped3A : memref<!tpu.dma_semaphore, #tpu.memory_space<semaphore_mem>>)
      %dma_wait3A_23 = arith.constant 0 : i32
      %dma_wait3A_24 = tpu.memref_slice %arg4[%add3A_4, %dma_wait3A_23] : memref<4096x1024xf32, #tpu.memory_space<hbm>> -> memref<64x1024xf32, #tpu.memory_space<hbm>>
      %dma_wait3A_25 = arith.constant 0 : i32
      %dma_wait3A_26 = tpu.memref_slice %arg4[%add3A_4, %dma_wait3A_25] : memref<4096x1024xf32, #tpu.memory_space<hbm>> -> memref<64x1024xf32, #tpu.memory_space<hbm>>
      tpu.wait_dma2 semaphore(%run_scoped3A : memref<!tpu.dma_semaphore, #tpu.memory_space<semaphore_mem>>) src(%arg6 : memref<64x1024xf32, #tpu.memory_space<vmem>>) dst(%dma_wait3A_26 : memref<64x1024xf32, #tpu.memory_space<hbm>>)
      tpu.yield
    }) : () -> ()
    %mul3A_9 = arith.constant 128 : i32
    %mul3A_10 = arith.muli %add3A, %mul3A_9 : i32
    %add3A_11 = arith.constant 64 : i32
    %add3A_12 = arith.addi %mul3A_10, %add3A_11 : i32
    "tpu.region"() ({
      %run_scoped3A = tpu.sem_alloc : memref<!tpu.dma_semaphore, #tpu.memory_space<semaphore_mem>>
      %dma_start3A_19 = tpu.memref_slice %arg3[%add3A_12] : memref<4096xi32, #tpu.memory_space<hbm>> -> memref<64xi32, #tpu.memory_space<hbm>>
      %dma_start3A_20 = tpu.memref_slice %arg3[%add3A_12] : memref<4096xi32, #tpu.memory_space<hbm>> -> memref<64xi32, #tpu.memory_space<hbm>>
      tpu.enqueue_dma source(%dma_start3A_20 : memref<64xi32, #tpu.memory_space<hbm>>) target(%arg5 : memref<64xi32, #tpu.memory_space<vmem>>) target_semaphore(%run_scoped3A : memref<!tpu.dma_semaphore, #tpu.memory_space<semaphore_mem>>)
      %dma_wait3A_21 = tpu.memref_slice %arg3[%add3A_12] : memref<4096xi32, #tpu.memory_space<hbm>> -> memref<64xi32, #tpu.memory_space<hbm>>
      %dma_wait3A_22 = tpu.memref_slice %arg3[%add3A_12] : memref<4096xi32, #tpu.memory_space<hbm>> -> memref<64xi32, #tpu.memory_space<hbm>>
      tpu.wait_dma2 semaphore(%run_scoped3A : memref<!tpu.dma_semaphore, #tpu.memory_space<semaphore_mem>>) src(%dma_wait3A_22 : memref<64xi32, #tpu.memory_space<hbm>>) dst(%arg5 : memref<64xi32, #tpu.memory_space<vmem>>)
      tpu.yield
    }) : () -> ()
    %dma_start3A_13 = arith.constant 0 : i32
    %dma_start3A_14 = arith.constant 0 : i32
    %dma_start3A_15 = tpu.memref_slice %arg2[%dma_start3A_13, %dma_start3A_14] : memref<12288x1024xf32, #tpu.memory_space<hbm>> -> memref<12288x1024xf32, #tpu.memory_space<hbm>>
    tpu.enqueue_indirect_dma source(%dma_start3A_15 : memref<12288x1024xf32, #tpu.memory_space<hbm>>) target(%arg6 : memref<64x1024xf32, #tpu.memory_space<vmem>>) offsets(%arg5 : memref<64xi32, #tpu.memory_space<vmem>>) semaphore(%arg7 : memref<!tpu.dma_semaphore, #tpu.memory_space<semaphore_mem>>)
    %dma_wait3A_16 = arith.constant 0 : i32
    %dma_wait3A_17 = arith.constant 0 : i32
    %dma_wait3A_18 = tpu.memref_slice %arg2[%dma_wait3A_16, %dma_wait3A_17] : memref<12288x1024xf32, #tpu.memory_space<hbm>> -> memref<12288x1024xf32, #tpu.memory_space<hbm>>
    tpu.wait_indirect_dma semaphore(%arg7 : memref<!tpu.dma_semaphore, #tpu.memory_space<semaphore_mem>>) src(%dma_wait3A_18 : memref<12288x1024xf32, #tpu.memory_space<hbm>>) dst(%arg6 : memref<64x1024xf32, #tpu.memory_space<vmem>>)
    "tpu.region"() ({
      %run_scoped3A = tpu.sem_alloc : memref<!tpu.dma_semaphore, #tpu.memory_space<semaphore_mem>>
      %dma_start3A_19 = arith.constant 0 : i32
      %dma_start3A_20 = tpu.memref_slice %arg4[%add3A_12, %dma_start3A_19] : memref<4096x1024xf32, #tpu.memory_space<hbm>> -> memref<64x1024xf32, #tpu.memory_space<hbm>>
      %dma_start3A_21 = arith.constant 0 : i32
      %dma_start3A_22 = tpu.memref_slice %arg4[%add3A_12, %dma_start3A_21] : memref<4096x1024xf32, #tpu.memory_space<hbm>> -> memref<64x1024xf32, #tpu.memory_space<hbm>>
      tpu.enqueue_dma source(%arg6 : memref<64x1024xf32, #tpu.memory_space<vmem>>) target(%dma_start3A_22 : memref<64x1024xf32, #tpu.memory_space<hbm>>) target_semaphore(%run_scoped3A : memref<!tpu.dma_semaphore, #tpu.memory_space<semaphore_mem>>)
      %dma_wait3A_23 = arith.constant 0 : i32
      %dma_wait3A_24 = tpu.memref_slice %arg4[%add3A_12, %dma_wait3A_23] : memref<4096x1024xf32, #tpu.memory_space<hbm>> -> memref<64x1024xf32, #tpu.memory_space<hbm>>
      %dma_wait3A_25 = arith.constant 0 : i32
      %dma_wait3A_26 = tpu.memref_slice %arg4[%add3A_12, %dma_wait3A_25] : memref<4096x1024xf32, #tpu.memory_space<hbm>> -> memref<64x1024xf32, #tpu.memory_space<hbm>>
      tpu.wait_dma2 semaphore(%run_scoped3A : memref<!tpu.dma_semaphore, #tpu.memory_space<semaphore_mem>>) src(%arg6 : memref<64x1024xf32, #tpu.memory_space<vmem>>) dst(%dma_wait3A_26 : memref<64x1024xf32, #tpu.memory_space<hbm>>)
      tpu.yield
    }) : () -> ()
    return
  }
}

module attributes {stable_mosaic.version = 14 : i64} {
  func.func @_attn_body(%arg0: i32, %arg1: memref<256x1024xf32, #tpu.memory_space<vmem>>, %arg2: memref<2048x256xf32, #tpu.memory_space<vmem>>, %arg3: memref<2048x256xf32, #tpu.memory_space<vmem>>, %arg4: memref<256x1024xf32, #tpu.memory_space<vmem>>) attributes {dimension_semantics = [#tpu.dimension_semantics<arbitrary>], iteration_bounds = array<i64: 8>, scalar_prefetch = 0 : i64, scratch_operands = 0 : i64, tpu.core_type = #tpu.core_type<tc>, window_params = [{transform_indices = @transform_0, window_bounds = array<i64: 256, 1024>}, {pipeline_mode = #tpu.pipeline_mode<synchronous>, transform_indices = @transform_1, window_bounds = array<i64: 2048, 256>}, {pipeline_mode = #tpu.pipeline_mode<synchronous>, transform_indices = @transform_2, window_bounds = array<i64: 2048, 256>}, {transform_indices = @transform_3, window_bounds = array<i64: 256, 1024>}]} {
    %iota3A = tpu.iota {dimensions = array<i32: 0>} : vector<256x2048xi32>
    %mul3A = arith.constant 256 : i32
    %mul3A_0 = arith.muli %arg0, %mul3A : i32
    %add3A = vector.broadcast %mul3A_0 : i32 to vector<256x2048xi32>
    %add3A_1 = arith.addi %iota3A, %add3A : vector<256x2048xi32>
    %iota3A_2 = tpu.iota {dimensions = array<i32: 1>} : vector<256x2048xi32>
    %ge3A = arith.cmpi sge, %add3A_1, %iota3A_2 : vector<256x2048xi32>
    %get3A = arith.constant 0 : index
    %get3A_3 = arith.constant 0 : index
    %get3A_4 = vector.load %arg1[%get3A, %get3A_3] : memref<256x1024xf32, #tpu.memory_space<vmem>>, vector<256x64xf32>
    %get3A_5 = arith.constant 0 : index
    %get3A_6 = arith.constant 0 : index
    %get3A_7 = vector.load %arg2[%get3A_5, %get3A_6] : memref<2048x256xf32, #tpu.memory_space<vmem>>, vector<2048x64xf32>
    %get3A_8 = arith.constant 0 : index
    %get3A_9 = arith.constant 0 : index
    %get3A_10 = vector.load %arg3[%get3A_8, %get3A_9] : memref<2048x256xf32, #tpu.memory_space<vmem>>, vector<2048x64xf32>
    %dot_general3A = arith.constant dense<0.000000e+00> : vector<256x2048xf32>
    %dot_general3A_11 = tpu.matmul %get3A_4, %get3A_7, %dot_general3A {dimension_numbers = #tpu.dot_dimension_numbers<[1], [1], [0], [0], [0, 0, 1, 0], [], []>, transpose_lhs_hint = false} : vector<256x64xf32>, vector<2048x64xf32>, vector<256x2048xf32> -> vector<256x2048xf32>
    %mul3A_12 = arith.constant 1.250000e-01 : f32
    %mul3A_13 = vector.broadcast %mul3A_12 : f32 to vector<256x2048xf32>
    %mul3A_14 = arith.mulf %dot_general3A_11, %mul3A_13 : vector<256x2048xf32>
    %jit3A = arith.constant -1.000000e+30 : f32
    %broadcast_in_dim3A = vector.broadcast %jit3A : f32 to vector<256x2048xf32>
    %select_n3A = arith.select %ge3A, %mul3A_14, %broadcast_in_dim3A : vector<256x2048xi1>, vector<256x2048xf32>
    %reduce_max3A = arith.constant dense<0xFF800000> : vector<256xf32>
    %reduce_max3A_15 = vector.multi_reduction <maximumf>, %select_n3A, %reduce_max3A [1] : vector<256x2048xf32> to vector<256xf32>
    %broadcast_in_dim3A_16 = vector.shape_cast %reduce_max3A_15 : vector<256xf32> to vector<256x1xf32>
    %sub3A = vector.broadcast %broadcast_in_dim3A_16 : vector<256x1xf32> to vector<256x2048xf32>
    %sub3A_17 = arith.subf %select_n3A, %sub3A : vector<256x2048xf32>
    %exp3A = math.exp %sub3A_17 : vector<256x2048xf32>
    %reduce_sum3A = arith.constant dense<0.000000e+00> : vector<256xf32>
    %reduce_sum3A_18 = vector.multi_reduction <add>, %exp3A, %reduce_sum3A [1] : vector<256x2048xf32> to vector<256xf32>
    %broadcast_in_dim3A_19 = vector.shape_cast %reduce_sum3A_18 : vector<256xf32> to vector<256x1xf32>
    %div3A = vector.broadcast %broadcast_in_dim3A_19 : vector<256x1xf32> to vector<256x2048xf32>
    %div3A_20 = arith.divf %exp3A, %div3A : vector<256x2048xf32>
    %dot_general3A_21 = arith.constant dense<0.000000e+00> : vector<256x64xf32>
    %dot_general3A_22 = tpu.matmul %div3A_20, %get3A_10, %dot_general3A_21 {dimension_numbers = #tpu.dot_dimension_numbers<[1], [0], [0], [1], [0, 0, 1, 1], [], []>, transpose_lhs_hint = false} : vector<256x2048xf32>, vector<2048x64xf32>, vector<256x64xf32> -> vector<256x64xf32>
    %get3A_23 = arith.constant 0 : index
    %get3A_24 = arith.constant 64 : index
    %get3A_25 = vector.load %arg1[%get3A_23, %get3A_24] : memref<256x1024xf32, #tpu.memory_space<vmem>>, vector<256x64xf32>
    %get3A_26 = arith.constant 0 : index
    %get3A_27 = arith.constant 0 : index
    %get3A_28 = vector.load %arg2[%get3A_26, %get3A_27] : memref<2048x256xf32, #tpu.memory_space<vmem>>, vector<2048x64xf32>
    %get3A_29 = arith.constant 0 : index
    %get3A_30 = arith.constant 0 : index
    %get3A_31 = vector.load %arg3[%get3A_29, %get3A_30] : memref<2048x256xf32, #tpu.memory_space<vmem>>, vector<2048x64xf32>
    %dot_general3A_32 = arith.constant dense<0.000000e+00> : vector<256x2048xf32>
    %dot_general3A_33 = tpu.matmul %get3A_25, %get3A_28, %dot_general3A_32 {dimension_numbers = #tpu.dot_dimension_numbers<[1], [1], [0], [0], [0, 0, 1, 0], [], []>, transpose_lhs_hint = false} : vector<256x64xf32>, vector<2048x64xf32>, vector<256x2048xf32> -> vector<256x2048xf32>
    %mul3A_34 = arith.constant 1.250000e-01 : f32
    %mul3A_35 = vector.broadcast %mul3A_34 : f32 to vector<256x2048xf32>
    %mul3A_36 = arith.mulf %dot_general3A_33, %mul3A_35 : vector<256x2048xf32>
    %jit3A_37 = arith.constant -1.000000e+30 : f32
    %broadcast_in_dim3A_38 = vector.broadcast %jit3A_37 : f32 to vector<256x2048xf32>
    %select_n3A_39 = arith.select %ge3A, %mul3A_36, %broadcast_in_dim3A_38 : vector<256x2048xi1>, vector<256x2048xf32>
    %reduce_max3A_40 = arith.constant dense<0xFF800000> : vector<256xf32>
    %reduce_max3A_41 = vector.multi_reduction <maximumf>, %select_n3A_39, %reduce_max3A_40 [1] : vector<256x2048xf32> to vector<256xf32>
    %broadcast_in_dim3A_42 = vector.shape_cast %reduce_max3A_41 : vector<256xf32> to vector<256x1xf32>
    %sub3A_43 = vector.broadcast %broadcast_in_dim3A_42 : vector<256x1xf32> to vector<256x2048xf32>
    %sub3A_44 = arith.subf %select_n3A_39, %sub3A_43 : vector<256x2048xf32>
    %exp3A_45 = math.exp %sub3A_44 : vector<256x2048xf32>
    %reduce_sum3A_46 = arith.constant dense<0.000000e+00> : vector<256xf32>
    %reduce_sum3A_47 = vector.multi_reduction <add>, %exp3A_45, %reduce_sum3A_46 [1] : vector<256x2048xf32> to vector<256xf32>
    %broadcast_in_dim3A_48 = vector.shape_cast %reduce_sum3A_47 : vector<256xf32> to vector<256x1xf32>
    %div3A_49 = vector.broadcast %broadcast_in_dim3A_48 : vector<256x1xf32> to vector<256x2048xf32>
    %div3A_50 = arith.divf %exp3A_45, %div3A_49 : vector<256x2048xf32>
    %dot_general3A_51 = arith.constant dense<0.000000e+00> : vector<256x64xf32>
    %dot_general3A_52 = tpu.matmul %div3A_50, %get3A_31, %dot_general3A_51 {dimension_numbers = #tpu.dot_dimension_numbers<[1], [0], [0], [1], [0, 0, 1, 1], [], []>, transpose_lhs_hint = false} : vector<256x2048xf32>, vector<2048x64xf32>, vector<256x64xf32> -> vector<256x64xf32>
    %get3A_53 = arith.constant 0 : index
    %get3A_54 = arith.constant 128 : index
    %get3A_55 = vector.load %arg1[%get3A_53, %get3A_54] : memref<256x1024xf32, #tpu.memory_space<vmem>>, vector<256x64xf32>
    %get3A_56 = arith.constant 0 : index
    %get3A_57 = arith.constant 0 : index
    %get3A_58 = vector.load %arg2[%get3A_56, %get3A_57] : memref<2048x256xf32, #tpu.memory_space<vmem>>, vector<2048x64xf32>
    %get3A_59 = arith.constant 0 : index
    %get3A_60 = arith.constant 0 : index
    %get3A_61 = vector.load %arg3[%get3A_59, %get3A_60] : memref<2048x256xf32, #tpu.memory_space<vmem>>, vector<2048x64xf32>
    %dot_general3A_62 = arith.constant dense<0.000000e+00> : vector<256x2048xf32>
    %dot_general3A_63 = tpu.matmul %get3A_55, %get3A_58, %dot_general3A_62 {dimension_numbers = #tpu.dot_dimension_numbers<[1], [1], [0], [0], [0, 0, 1, 0], [], []>, transpose_lhs_hint = false} : vector<256x64xf32>, vector<2048x64xf32>, vector<256x2048xf32> -> vector<256x2048xf32>
    %mul3A_64 = arith.constant 1.250000e-01 : f32
    %mul3A_65 = vector.broadcast %mul3A_64 : f32 to vector<256x2048xf32>
    %mul3A_66 = arith.mulf %dot_general3A_63, %mul3A_65 : vector<256x2048xf32>
    %jit3A_67 = arith.constant -1.000000e+30 : f32
    %broadcast_in_dim3A_68 = vector.broadcast %jit3A_67 : f32 to vector<256x2048xf32>
    %select_n3A_69 = arith.select %ge3A, %mul3A_66, %broadcast_in_dim3A_68 : vector<256x2048xi1>, vector<256x2048xf32>
    %reduce_max3A_70 = arith.constant dense<0xFF800000> : vector<256xf32>
    %reduce_max3A_71 = vector.multi_reduction <maximumf>, %select_n3A_69, %reduce_max3A_70 [1] : vector<256x2048xf32> to vector<256xf32>
    %broadcast_in_dim3A_72 = vector.shape_cast %reduce_max3A_71 : vector<256xf32> to vector<256x1xf32>
    %sub3A_73 = vector.broadcast %broadcast_in_dim3A_72 : vector<256x1xf32> to vector<256x2048xf32>
    %sub3A_74 = arith.subf %select_n3A_69, %sub3A_73 : vector<256x2048xf32>
    %exp3A_75 = math.exp %sub3A_74 : vector<256x2048xf32>
    %reduce_sum3A_76 = arith.constant dense<0.000000e+00> : vector<256xf32>
    %reduce_sum3A_77 = vector.multi_reduction <add>, %exp3A_75, %reduce_sum3A_76 [1] : vector<256x2048xf32> to vector<256xf32>
    %broadcast_in_dim3A_78 = vector.shape_cast %reduce_sum3A_77 : vector<256xf32> to vector<256x1xf32>
    %div3A_79 = vector.broadcast %broadcast_in_dim3A_78 : vector<256x1xf32> to vector<256x2048xf32>
    %div3A_80 = arith.divf %exp3A_75, %div3A_79 : vector<256x2048xf32>
    %dot_general3A_81 = arith.constant dense<0.000000e+00> : vector<256x64xf32>
    %dot_general3A_82 = tpu.matmul %div3A_80, %get3A_61, %dot_general3A_81 {dimension_numbers = #tpu.dot_dimension_numbers<[1], [0], [0], [1], [0, 0, 1, 1], [], []>, transpose_lhs_hint = false} : vector<256x2048xf32>, vector<2048x64xf32>, vector<256x64xf32> -> vector<256x64xf32>
    %get3A_83 = arith.constant 0 : index
    %get3A_84 = arith.constant 192 : index
    %get3A_85 = vector.load %arg1[%get3A_83, %get3A_84] : memref<256x1024xf32, #tpu.memory_space<vmem>>, vector<256x64xf32>
    %get3A_86 = arith.constant 0 : index
    %get3A_87 = arith.constant 0 : index
    %get3A_88 = vector.load %arg2[%get3A_86, %get3A_87] : memref<2048x256xf32, #tpu.memory_space<vmem>>, vector<2048x64xf32>
    %get3A_89 = arith.constant 0 : index
    %get3A_90 = arith.constant 0 : index
    %get3A_91 = vector.load %arg3[%get3A_89, %get3A_90] : memref<2048x256xf32, #tpu.memory_space<vmem>>, vector<2048x64xf32>
    %dot_general3A_92 = arith.constant dense<0.000000e+00> : vector<256x2048xf32>
    %dot_general3A_93 = tpu.matmul %get3A_85, %get3A_88, %dot_general3A_92 {dimension_numbers = #tpu.dot_dimension_numbers<[1], [1], [0], [0], [0, 0, 1, 0], [], []>, transpose_lhs_hint = false} : vector<256x64xf32>, vector<2048x64xf32>, vector<256x2048xf32> -> vector<256x2048xf32>
    %mul3A_94 = arith.constant 1.250000e-01 : f32
    %mul3A_95 = vector.broadcast %mul3A_94 : f32 to vector<256x2048xf32>
    %mul3A_96 = arith.mulf %dot_general3A_93, %mul3A_95 : vector<256x2048xf32>
    %jit3A_97 = arith.constant -1.000000e+30 : f32
    %broadcast_in_dim3A_98 = vector.broadcast %jit3A_97 : f32 to vector<256x2048xf32>
    %select_n3A_99 = arith.select %ge3A, %mul3A_96, %broadcast_in_dim3A_98 : vector<256x2048xi1>, vector<256x2048xf32>
    %reduce_max3A_100 = arith.constant dense<0xFF800000> : vector<256xf32>
    %reduce_max3A_101 = vector.multi_reduction <maximumf>, %select_n3A_99, %reduce_max3A_100 [1] : vector<256x2048xf32> to vector<256xf32>
    %broadcast_in_dim3A_102 = vector.shape_cast %reduce_max3A_101 : vector<256xf32> to vector<256x1xf32>
    %sub3A_103 = vector.broadcast %broadcast_in_dim3A_102 : vector<256x1xf32> to vector<256x2048xf32>
    %sub3A_104 = arith.subf %select_n3A_99, %sub3A_103 : vector<256x2048xf32>
    %exp3A_105 = math.exp %sub3A_104 : vector<256x2048xf32>
    %reduce_sum3A_106 = arith.constant dense<0.000000e+00> : vector<256xf32>
    %reduce_sum3A_107 = vector.multi_reduction <add>, %exp3A_105, %reduce_sum3A_106 [1] : vector<256x2048xf32> to vector<256xf32>
    %broadcast_in_dim3A_108 = vector.shape_cast %reduce_sum3A_107 : vector<256xf32> to vector<256x1xf32>
    %div3A_109 = vector.broadcast %broadcast_in_dim3A_108 : vector<256x1xf32> to vector<256x2048xf32>
    %div3A_110 = arith.divf %exp3A_105, %div3A_109 : vector<256x2048xf32>
    %dot_general3A_111 = arith.constant dense<0.000000e+00> : vector<256x64xf32>
    %dot_general3A_112 = tpu.matmul %div3A_110, %get3A_91, %dot_general3A_111 {dimension_numbers = #tpu.dot_dimension_numbers<[1], [0], [0], [1], [0, 0, 1, 1], [], []>, transpose_lhs_hint = false} : vector<256x2048xf32>, vector<2048x64xf32>, vector<256x64xf32> -> vector<256x64xf32>
    %get3A_113 = arith.constant 0 : index
    %get3A_114 = arith.constant 256 : index
    %get3A_115 = vector.load %arg1[%get3A_113, %get3A_114] : memref<256x1024xf32, #tpu.memory_space<vmem>>, vector<256x64xf32>
    %get3A_116 = arith.constant 0 : index
    %get3A_117 = arith.constant 64 : index
    %get3A_118 = vector.load %arg2[%get3A_116, %get3A_117] : memref<2048x256xf32, #tpu.memory_space<vmem>>, vector<2048x64xf32>
    %get3A_119 = arith.constant 0 : index
    %get3A_120 = arith.constant 64 : index
    %get3A_121 = vector.load %arg3[%get3A_119, %get3A_120] : memref<2048x256xf32, #tpu.memory_space<vmem>>, vector<2048x64xf32>
    %dot_general3A_122 = arith.constant dense<0.000000e+00> : vector<256x2048xf32>
    %dot_general3A_123 = tpu.matmul %get3A_115, %get3A_118, %dot_general3A_122 {dimension_numbers = #tpu.dot_dimension_numbers<[1], [1], [0], [0], [0, 0, 1, 0], [], []>, transpose_lhs_hint = false} : vector<256x64xf32>, vector<2048x64xf32>, vector<256x2048xf32> -> vector<256x2048xf32>
    %mul3A_124 = arith.constant 1.250000e-01 : f32
    %mul3A_125 = vector.broadcast %mul3A_124 : f32 to vector<256x2048xf32>
    %mul3A_126 = arith.mulf %dot_general3A_123, %mul3A_125 : vector<256x2048xf32>
    %jit3A_127 = arith.constant -1.000000e+30 : f32
    %broadcast_in_dim3A_128 = vector.broadcast %jit3A_127 : f32 to vector<256x2048xf32>
    %select_n3A_129 = arith.select %ge3A, %mul3A_126, %broadcast_in_dim3A_128 : vector<256x2048xi1>, vector<256x2048xf32>
    %reduce_max3A_130 = arith.constant dense<0xFF800000> : vector<256xf32>
    %reduce_max3A_131 = vector.multi_reduction <maximumf>, %select_n3A_129, %reduce_max3A_130 [1] : vector<256x2048xf32> to vector<256xf32>
    %broadcast_in_dim3A_132 = vector.shape_cast %reduce_max3A_131 : vector<256xf32> to vector<256x1xf32>
    %sub3A_133 = vector.broadcast %broadcast_in_dim3A_132 : vector<256x1xf32> to vector<256x2048xf32>
    %sub3A_134 = arith.subf %select_n3A_129, %sub3A_133 : vector<256x2048xf32>
    %exp3A_135 = math.exp %sub3A_134 : vector<256x2048xf32>
    %reduce_sum3A_136 = arith.constant dense<0.000000e+00> : vector<256xf32>
    %reduce_sum3A_137 = vector.multi_reduction <add>, %exp3A_135, %reduce_sum3A_136 [1] : vector<256x2048xf32> to vector<256xf32>
    %broadcast_in_dim3A_138 = vector.shape_cast %reduce_sum3A_137 : vector<256xf32> to vector<256x1xf32>
    %div3A_139 = vector.broadcast %broadcast_in_dim3A_138 : vector<256x1xf32> to vector<256x2048xf32>
    %div3A_140 = arith.divf %exp3A_135, %div3A_139 : vector<256x2048xf32>
    %dot_general3A_141 = arith.constant dense<0.000000e+00> : vector<256x64xf32>
    %dot_general3A_142 = tpu.matmul %div3A_140, %get3A_121, %dot_general3A_141 {dimension_numbers = #tpu.dot_dimension_numbers<[1], [0], [0], [1], [0, 0, 1, 1], [], []>, transpose_lhs_hint = false} : vector<256x2048xf32>, vector<2048x64xf32>, vector<256x64xf32> -> vector<256x64xf32>
    %get3A_143 = arith.constant 0 : index
    %get3A_144 = arith.constant 320 : index
    %get3A_145 = vector.load %arg1[%get3A_143, %get3A_144] : memref<256x1024xf32, #tpu.memory_space<vmem>>, vector<256x64xf32>
    %get3A_146 = arith.constant 0 : index
    %get3A_147 = arith.constant 64 : index
    %get3A_148 = vector.load %arg2[%get3A_146, %get3A_147] : memref<2048x256xf32, #tpu.memory_space<vmem>>, vector<2048x64xf32>
    %get3A_149 = arith.constant 0 : index
    %get3A_150 = arith.constant 64 : index
    %get3A_151 = vector.load %arg3[%get3A_149, %get3A_150] : memref<2048x256xf32, #tpu.memory_space<vmem>>, vector<2048x64xf32>
    %dot_general3A_152 = arith.constant dense<0.000000e+00> : vector<256x2048xf32>
    %dot_general3A_153 = tpu.matmul %get3A_145, %get3A_148, %dot_general3A_152 {dimension_numbers = #tpu.dot_dimension_numbers<[1], [1], [0], [0], [0, 0, 1, 0], [], []>, transpose_lhs_hint = false} : vector<256x64xf32>, vector<2048x64xf32>, vector<256x2048xf32> -> vector<256x2048xf32>
    %mul3A_154 = arith.constant 1.250000e-01 : f32
    %mul3A_155 = vector.broadcast %mul3A_154 : f32 to vector<256x2048xf32>
    %mul3A_156 = arith.mulf %dot_general3A_153, %mul3A_155 : vector<256x2048xf32>
    %jit3A_157 = arith.constant -1.000000e+30 : f32
    %broadcast_in_dim3A_158 = vector.broadcast %jit3A_157 : f32 to vector<256x2048xf32>
    %select_n3A_159 = arith.select %ge3A, %mul3A_156, %broadcast_in_dim3A_158 : vector<256x2048xi1>, vector<256x2048xf32>
    %reduce_max3A_160 = arith.constant dense<0xFF800000> : vector<256xf32>
    %reduce_max3A_161 = vector.multi_reduction <maximumf>, %select_n3A_159, %reduce_max3A_160 [1] : vector<256x2048xf32> to vector<256xf32>
    %broadcast_in_dim3A_162 = vector.shape_cast %reduce_max3A_161 : vector<256xf32> to vector<256x1xf32>
    %sub3A_163 = vector.broadcast %broadcast_in_dim3A_162 : vector<256x1xf32> to vector<256x2048xf32>
    %sub3A_164 = arith.subf %select_n3A_159, %sub3A_163 : vector<256x2048xf32>
    %exp3A_165 = math.exp %sub3A_164 : vector<256x2048xf32>
    %reduce_sum3A_166 = arith.constant dense<0.000000e+00> : vector<256xf32>
    %reduce_sum3A_167 = vector.multi_reduction <add>, %exp3A_165, %reduce_sum3A_166 [1] : vector<256x2048xf32> to vector<256xf32>
    %broadcast_in_dim3A_168 = vector.shape_cast %reduce_sum3A_167 : vector<256xf32> to vector<256x1xf32>
    %div3A_169 = vector.broadcast %broadcast_in_dim3A_168 : vector<256x1xf32> to vector<256x2048xf32>
    %div3A_170 = arith.divf %exp3A_165, %div3A_169 : vector<256x2048xf32>
    %dot_general3A_171 = arith.constant dense<0.000000e+00> : vector<256x64xf32>
    %dot_general3A_172 = tpu.matmul %div3A_170, %get3A_151, %dot_general3A_171 {dimension_numbers = #tpu.dot_dimension_numbers<[1], [0], [0], [1], [0, 0, 1, 1], [], []>, transpose_lhs_hint = false} : vector<256x2048xf32>, vector<2048x64xf32>, vector<256x64xf32> -> vector<256x64xf32>
    %get3A_173 = arith.constant 0 : index
    %get3A_174 = arith.constant 384 : index
    %get3A_175 = vector.load %arg1[%get3A_173, %get3A_174] : memref<256x1024xf32, #tpu.memory_space<vmem>>, vector<256x64xf32>
    %get3A_176 = arith.constant 0 : index
    %get3A_177 = arith.constant 64 : index
    %get3A_178 = vector.load %arg2[%get3A_176, %get3A_177] : memref<2048x256xf32, #tpu.memory_space<vmem>>, vector<2048x64xf32>
    %get3A_179 = arith.constant 0 : index
    %get3A_180 = arith.constant 64 : index
    %get3A_181 = vector.load %arg3[%get3A_179, %get3A_180] : memref<2048x256xf32, #tpu.memory_space<vmem>>, vector<2048x64xf32>
    %dot_general3A_182 = arith.constant dense<0.000000e+00> : vector<256x2048xf32>
    %dot_general3A_183 = tpu.matmul %get3A_175, %get3A_178, %dot_general3A_182 {dimension_numbers = #tpu.dot_dimension_numbers<[1], [1], [0], [0], [0, 0, 1, 0], [], []>, transpose_lhs_hint = false} : vector<256x64xf32>, vector<2048x64xf32>, vector<256x2048xf32> -> vector<256x2048xf32>
    %mul3A_184 = arith.constant 1.250000e-01 : f32
    %mul3A_185 = vector.broadcast %mul3A_184 : f32 to vector<256x2048xf32>
    %mul3A_186 = arith.mulf %dot_general3A_183, %mul3A_185 : vector<256x2048xf32>
    %jit3A_187 = arith.constant -1.000000e+30 : f32
    %broadcast_in_dim3A_188 = vector.broadcast %jit3A_187 : f32 to vector<256x2048xf32>
    %select_n3A_189 = arith.select %ge3A, %mul3A_186, %broadcast_in_dim3A_188 : vector<256x2048xi1>, vector<256x2048xf32>
    %reduce_max3A_190 = arith.constant dense<0xFF800000> : vector<256xf32>
    %reduce_max3A_191 = vector.multi_reduction <maximumf>, %select_n3A_189, %reduce_max3A_190 [1] : vector<256x2048xf32> to vector<256xf32>
    %broadcast_in_dim3A_192 = vector.shape_cast %reduce_max3A_191 : vector<256xf32> to vector<256x1xf32>
    %sub3A_193 = vector.broadcast %broadcast_in_dim3A_192 : vector<256x1xf32> to vector<256x2048xf32>
    %sub3A_194 = arith.subf %select_n3A_189, %sub3A_193 : vector<256x2048xf32>
    %exp3A_195 = math.exp %sub3A_194 : vector<256x2048xf32>
    %reduce_sum3A_196 = arith.constant dense<0.000000e+00> : vector<256xf32>
    %reduce_sum3A_197 = vector.multi_reduction <add>, %exp3A_195, %reduce_sum3A_196 [1] : vector<256x2048xf32> to vector<256xf32>
    %broadcast_in_dim3A_198 = vector.shape_cast %reduce_sum3A_197 : vector<256xf32> to vector<256x1xf32>
    %div3A_199 = vector.broadcast %broadcast_in_dim3A_198 : vector<256x1xf32> to vector<256x2048xf32>
    %div3A_200 = arith.divf %exp3A_195, %div3A_199 : vector<256x2048xf32>
    %dot_general3A_201 = arith.constant dense<0.000000e+00> : vector<256x64xf32>
    %dot_general3A_202 = tpu.matmul %div3A_200, %get3A_181, %dot_general3A_201 {dimension_numbers = #tpu.dot_dimension_numbers<[1], [0], [0], [1], [0, 0, 1, 1], [], []>, transpose_lhs_hint = false} : vector<256x2048xf32>, vector<2048x64xf32>, vector<256x64xf32> -> vector<256x64xf32>
    %get3A_203 = arith.constant 0 : index
    %get3A_204 = arith.constant 448 : index
    %get3A_205 = vector.load %arg1[%get3A_203, %get3A_204] : memref<256x1024xf32, #tpu.memory_space<vmem>>, vector<256x64xf32>
    %get3A_206 = arith.constant 0 : index
    %get3A_207 = arith.constant 64 : index
    %get3A_208 = vector.load %arg2[%get3A_206, %get3A_207] : memref<2048x256xf32, #tpu.memory_space<vmem>>, vector<2048x64xf32>
    %get3A_209 = arith.constant 0 : index
    %get3A_210 = arith.constant 64 : index
    %get3A_211 = vector.load %arg3[%get3A_209, %get3A_210] : memref<2048x256xf32, #tpu.memory_space<vmem>>, vector<2048x64xf32>
    %dot_general3A_212 = arith.constant dense<0.000000e+00> : vector<256x2048xf32>
    %dot_general3A_213 = tpu.matmul %get3A_205, %get3A_208, %dot_general3A_212 {dimension_numbers = #tpu.dot_dimension_numbers<[1], [1], [0], [0], [0, 0, 1, 0], [], []>, transpose_lhs_hint = false} : vector<256x64xf32>, vector<2048x64xf32>, vector<256x2048xf32> -> vector<256x2048xf32>
    %mul3A_214 = arith.constant 1.250000e-01 : f32
    %mul3A_215 = vector.broadcast %mul3A_214 : f32 to vector<256x2048xf32>
    %mul3A_216 = arith.mulf %dot_general3A_213, %mul3A_215 : vector<256x2048xf32>
    %jit3A_217 = arith.constant -1.000000e+30 : f32
    %broadcast_in_dim3A_218 = vector.broadcast %jit3A_217 : f32 to vector<256x2048xf32>
    %select_n3A_219 = arith.select %ge3A, %mul3A_216, %broadcast_in_dim3A_218 : vector<256x2048xi1>, vector<256x2048xf32>
    %reduce_max3A_220 = arith.constant dense<0xFF800000> : vector<256xf32>
    %reduce_max3A_221 = vector.multi_reduction <maximumf>, %select_n3A_219, %reduce_max3A_220 [1] : vector<256x2048xf32> to vector<256xf32>
    %broadcast_in_dim3A_222 = vector.shape_cast %reduce_max3A_221 : vector<256xf32> to vector<256x1xf32>
    %sub3A_223 = vector.broadcast %broadcast_in_dim3A_222 : vector<256x1xf32> to vector<256x2048xf32>
    %sub3A_224 = arith.subf %select_n3A_219, %sub3A_223 : vector<256x2048xf32>
    %exp3A_225 = math.exp %sub3A_224 : vector<256x2048xf32>
    %reduce_sum3A_226 = arith.constant dense<0.000000e+00> : vector<256xf32>
    %reduce_sum3A_227 = vector.multi_reduction <add>, %exp3A_225, %reduce_sum3A_226 [1] : vector<256x2048xf32> to vector<256xf32>
    %broadcast_in_dim3A_228 = vector.shape_cast %reduce_sum3A_227 : vector<256xf32> to vector<256x1xf32>
    %div3A_229 = vector.broadcast %broadcast_in_dim3A_228 : vector<256x1xf32> to vector<256x2048xf32>
    %div3A_230 = arith.divf %exp3A_225, %div3A_229 : vector<256x2048xf32>
    %dot_general3A_231 = arith.constant dense<0.000000e+00> : vector<256x64xf32>
    %dot_general3A_232 = tpu.matmul %div3A_230, %get3A_211, %dot_general3A_231 {dimension_numbers = #tpu.dot_dimension_numbers<[1], [0], [0], [1], [0, 0, 1, 1], [], []>, transpose_lhs_hint = false} : vector<256x2048xf32>, vector<2048x64xf32>, vector<256x64xf32> -> vector<256x64xf32>
    %get3A_233 = arith.constant 0 : index
    %get3A_234 = arith.constant 512 : index
    %get3A_235 = vector.load %arg1[%get3A_233, %get3A_234] : memref<256x1024xf32, #tpu.memory_space<vmem>>, vector<256x64xf32>
    %get3A_236 = arith.constant 0 : index
    %get3A_237 = arith.constant 128 : index
    %get3A_238 = vector.load %arg2[%get3A_236, %get3A_237] : memref<2048x256xf32, #tpu.memory_space<vmem>>, vector<2048x64xf32>
    %get3A_239 = arith.constant 0 : index
    %get3A_240 = arith.constant 128 : index
    %get3A_241 = vector.load %arg3[%get3A_239, %get3A_240] : memref<2048x256xf32, #tpu.memory_space<vmem>>, vector<2048x64xf32>
    %dot_general3A_242 = arith.constant dense<0.000000e+00> : vector<256x2048xf32>
    %dot_general3A_243 = tpu.matmul %get3A_235, %get3A_238, %dot_general3A_242 {dimension_numbers = #tpu.dot_dimension_numbers<[1], [1], [0], [0], [0, 0, 1, 0], [], []>, transpose_lhs_hint = false} : vector<256x64xf32>, vector<2048x64xf32>, vector<256x2048xf32> -> vector<256x2048xf32>
    %mul3A_244 = arith.constant 1.250000e-01 : f32
    %mul3A_245 = vector.broadcast %mul3A_244 : f32 to vector<256x2048xf32>
    %mul3A_246 = arith.mulf %dot_general3A_243, %mul3A_245 : vector<256x2048xf32>
    %jit3A_247 = arith.constant -1.000000e+30 : f32
    %broadcast_in_dim3A_248 = vector.broadcast %jit3A_247 : f32 to vector<256x2048xf32>
    %select_n3A_249 = arith.select %ge3A, %mul3A_246, %broadcast_in_dim3A_248 : vector<256x2048xi1>, vector<256x2048xf32>
    %reduce_max3A_250 = arith.constant dense<0xFF800000> : vector<256xf32>
    %reduce_max3A_251 = vector.multi_reduction <maximumf>, %select_n3A_249, %reduce_max3A_250 [1] : vector<256x2048xf32> to vector<256xf32>
    %broadcast_in_dim3A_252 = vector.shape_cast %reduce_max3A_251 : vector<256xf32> to vector<256x1xf32>
    %sub3A_253 = vector.broadcast %broadcast_in_dim3A_252 : vector<256x1xf32> to vector<256x2048xf32>
    %sub3A_254 = arith.subf %select_n3A_249, %sub3A_253 : vector<256x2048xf32>
    %exp3A_255 = math.exp %sub3A_254 : vector<256x2048xf32>
    %reduce_sum3A_256 = arith.constant dense<0.000000e+00> : vector<256xf32>
    %reduce_sum3A_257 = vector.multi_reduction <add>, %exp3A_255, %reduce_sum3A_256 [1] : vector<256x2048xf32> to vector<256xf32>
    %broadcast_in_dim3A_258 = vector.shape_cast %reduce_sum3A_257 : vector<256xf32> to vector<256x1xf32>
    %div3A_259 = vector.broadcast %broadcast_in_dim3A_258 : vector<256x1xf32> to vector<256x2048xf32>
    %div3A_260 = arith.divf %exp3A_255, %div3A_259 : vector<256x2048xf32>
    %dot_general3A_261 = arith.constant dense<0.000000e+00> : vector<256x64xf32>
    %dot_general3A_262 = tpu.matmul %div3A_260, %get3A_241, %dot_general3A_261 {dimension_numbers = #tpu.dot_dimension_numbers<[1], [0], [0], [1], [0, 0, 1, 1], [], []>, transpose_lhs_hint = false} : vector<256x2048xf32>, vector<2048x64xf32>, vector<256x64xf32> -> vector<256x64xf32>
    %get3A_263 = arith.constant 0 : index
    %get3A_264 = arith.constant 576 : index
    %get3A_265 = vector.load %arg1[%get3A_263, %get3A_264] : memref<256x1024xf32, #tpu.memory_space<vmem>>, vector<256x64xf32>
    %get3A_266 = arith.constant 0 : index
    %get3A_267 = arith.constant 128 : index
    %get3A_268 = vector.load %arg2[%get3A_266, %get3A_267] : memref<2048x256xf32, #tpu.memory_space<vmem>>, vector<2048x64xf32>
    %get3A_269 = arith.constant 0 : index
    %get3A_270 = arith.constant 128 : index
    %get3A_271 = vector.load %arg3[%get3A_269, %get3A_270] : memref<2048x256xf32, #tpu.memory_space<vmem>>, vector<2048x64xf32>
    %dot_general3A_272 = arith.constant dense<0.000000e+00> : vector<256x2048xf32>
    %dot_general3A_273 = tpu.matmul %get3A_265, %get3A_268, %dot_general3A_272 {dimension_numbers = #tpu.dot_dimension_numbers<[1], [1], [0], [0], [0, 0, 1, 0], [], []>, transpose_lhs_hint = false} : vector<256x64xf32>, vector<2048x64xf32>, vector<256x2048xf32> -> vector<256x2048xf32>
    %mul3A_274 = arith.constant 1.250000e-01 : f32
    %mul3A_275 = vector.broadcast %mul3A_274 : f32 to vector<256x2048xf32>
    %mul3A_276 = arith.mulf %dot_general3A_273, %mul3A_275 : vector<256x2048xf32>
    %jit3A_277 = arith.constant -1.000000e+30 : f32
    %broadcast_in_dim3A_278 = vector.broadcast %jit3A_277 : f32 to vector<256x2048xf32>
    %select_n3A_279 = arith.select %ge3A, %mul3A_276, %broadcast_in_dim3A_278 : vector<256x2048xi1>, vector<256x2048xf32>
    %reduce_max3A_280 = arith.constant dense<0xFF800000> : vector<256xf32>
    %reduce_max3A_281 = vector.multi_reduction <maximumf>, %select_n3A_279, %reduce_max3A_280 [1] : vector<256x2048xf32> to vector<256xf32>
    %broadcast_in_dim3A_282 = vector.shape_cast %reduce_max3A_281 : vector<256xf32> to vector<256x1xf32>
    %sub3A_283 = vector.broadcast %broadcast_in_dim3A_282 : vector<256x1xf32> to vector<256x2048xf32>
    %sub3A_284 = arith.subf %select_n3A_279, %sub3A_283 : vector<256x2048xf32>
    %exp3A_285 = math.exp %sub3A_284 : vector<256x2048xf32>
    %reduce_sum3A_286 = arith.constant dense<0.000000e+00> : vector<256xf32>
    %reduce_sum3A_287 = vector.multi_reduction <add>, %exp3A_285, %reduce_sum3A_286 [1] : vector<256x2048xf32> to vector<256xf32>
    %broadcast_in_dim3A_288 = vector.shape_cast %reduce_sum3A_287 : vector<256xf32> to vector<256x1xf32>
    %div3A_289 = vector.broadcast %broadcast_in_dim3A_288 : vector<256x1xf32> to vector<256x2048xf32>
    %div3A_290 = arith.divf %exp3A_285, %div3A_289 : vector<256x2048xf32>
    %dot_general3A_291 = arith.constant dense<0.000000e+00> : vector<256x64xf32>
    %dot_general3A_292 = tpu.matmul %div3A_290, %get3A_271, %dot_general3A_291 {dimension_numbers = #tpu.dot_dimension_numbers<[1], [0], [0], [1], [0, 0, 1, 1], [], []>, transpose_lhs_hint = false} : vector<256x2048xf32>, vector<2048x64xf32>, vector<256x64xf32> -> vector<256x64xf32>
    %get3A_293 = arith.constant 0 : index
    %get3A_294 = arith.constant 640 : index
    %get3A_295 = vector.load %arg1[%get3A_293, %get3A_294] : memref<256x1024xf32, #tpu.memory_space<vmem>>, vector<256x64xf32>
    %get3A_296 = arith.constant 0 : index
    %get3A_297 = arith.constant 128 : index
    %get3A_298 = vector.load %arg2[%get3A_296, %get3A_297] : memref<2048x256xf32, #tpu.memory_space<vmem>>, vector<2048x64xf32>
    %get3A_299 = arith.constant 0 : index
    %get3A_300 = arith.constant 128 : index
    %get3A_301 = vector.load %arg3[%get3A_299, %get3A_300] : memref<2048x256xf32, #tpu.memory_space<vmem>>, vector<2048x64xf32>
    %dot_general3A_302 = arith.constant dense<0.000000e+00> : vector<256x2048xf32>
    %dot_general3A_303 = tpu.matmul %get3A_295, %get3A_298, %dot_general3A_302 {dimension_numbers = #tpu.dot_dimension_numbers<[1], [1], [0], [0], [0, 0, 1, 0], [], []>, transpose_lhs_hint = false} : vector<256x64xf32>, vector<2048x64xf32>, vector<256x2048xf32> -> vector<256x2048xf32>
    %mul3A_304 = arith.constant 1.250000e-01 : f32
    %mul3A_305 = vector.broadcast %mul3A_304 : f32 to vector<256x2048xf32>
    %mul3A_306 = arith.mulf %dot_general3A_303, %mul3A_305 : vector<256x2048xf32>
    %jit3A_307 = arith.constant -1.000000e+30 : f32
    %broadcast_in_dim3A_308 = vector.broadcast %jit3A_307 : f32 to vector<256x2048xf32>
    %select_n3A_309 = arith.select %ge3A, %mul3A_306, %broadcast_in_dim3A_308 : vector<256x2048xi1>, vector<256x2048xf32>
    %reduce_max3A_310 = arith.constant dense<0xFF800000> : vector<256xf32>
    %reduce_max3A_311 = vector.multi_reduction <maximumf>, %select_n3A_309, %reduce_max3A_310 [1] : vector<256x2048xf32> to vector<256xf32>
    %broadcast_in_dim3A_312 = vector.shape_cast %reduce_max3A_311 : vector<256xf32> to vector<256x1xf32>
    %sub3A_313 = vector.broadcast %broadcast_in_dim3A_312 : vector<256x1xf32> to vector<256x2048xf32>
    %sub3A_314 = arith.subf %select_n3A_309, %sub3A_313 : vector<256x2048xf32>
    %exp3A_315 = math.exp %sub3A_314 : vector<256x2048xf32>
    %reduce_sum3A_316 = arith.constant dense<0.000000e+00> : vector<256xf32>
    %reduce_sum3A_317 = vector.multi_reduction <add>, %exp3A_315, %reduce_sum3A_316 [1] : vector<256x2048xf32> to vector<256xf32>
    %broadcast_in_dim3A_318 = vector.shape_cast %reduce_sum3A_317 : vector<256xf32> to vector<256x1xf32>
    %div3A_319 = vector.broadcast %broadcast_in_dim3A_318 : vector<256x1xf32> to vector<256x2048xf32>
    %div3A_320 = arith.divf %exp3A_315, %div3A_319 : vector<256x2048xf32>
    %dot_general3A_321 = arith.constant dense<0.000000e+00> : vector<256x64xf32>
    %dot_general3A_322 = tpu.matmul %div3A_320, %get3A_301, %dot_general3A_321 {dimension_numbers = #tpu.dot_dimension_numbers<[1], [0], [0], [1], [0, 0, 1, 1], [], []>, transpose_lhs_hint = false} : vector<256x2048xf32>, vector<2048x64xf32>, vector<256x64xf32> -> vector<256x64xf32>
    %get3A_323 = arith.constant 0 : index
    %get3A_324 = arith.constant 704 : index
    %get3A_325 = vector.load %arg1[%get3A_323, %get3A_324] : memref<256x1024xf32, #tpu.memory_space<vmem>>, vector<256x64xf32>
    %get3A_326 = arith.constant 0 : index
    %get3A_327 = arith.constant 128 : index
    %get3A_328 = vector.load %arg2[%get3A_326, %get3A_327] : memref<2048x256xf32, #tpu.memory_space<vmem>>, vector<2048x64xf32>
    %get3A_329 = arith.constant 0 : index
    %get3A_330 = arith.constant 128 : index
    %get3A_331 = vector.load %arg3[%get3A_329, %get3A_330] : memref<2048x256xf32, #tpu.memory_space<vmem>>, vector<2048x64xf32>
    %dot_general3A_332 = arith.constant dense<0.000000e+00> : vector<256x2048xf32>
    %dot_general3A_333 = tpu.matmul %get3A_325, %get3A_328, %dot_general3A_332 {dimension_numbers = #tpu.dot_dimension_numbers<[1], [1], [0], [0], [0, 0, 1, 0], [], []>, transpose_lhs_hint = false} : vector<256x64xf32>, vector<2048x64xf32>, vector<256x2048xf32> -> vector<256x2048xf32>
    %mul3A_334 = arith.constant 1.250000e-01 : f32
    %mul3A_335 = vector.broadcast %mul3A_334 : f32 to vector<256x2048xf32>
    %mul3A_336 = arith.mulf %dot_general3A_333, %mul3A_335 : vector<256x2048xf32>
    %jit3A_337 = arith.constant -1.000000e+30 : f32
    %broadcast_in_dim3A_338 = vector.broadcast %jit3A_337 : f32 to vector<256x2048xf32>
    %select_n3A_339 = arith.select %ge3A, %mul3A_336, %broadcast_in_dim3A_338 : vector<256x2048xi1>, vector<256x2048xf32>
    %reduce_max3A_340 = arith.constant dense<0xFF800000> : vector<256xf32>
    %reduce_max3A_341 = vector.multi_reduction <maximumf>, %select_n3A_339, %reduce_max3A_340 [1] : vector<256x2048xf32> to vector<256xf32>
    %broadcast_in_dim3A_342 = vector.shape_cast %reduce_max3A_341 : vector<256xf32> to vector<256x1xf32>
    %sub3A_343 = vector.broadcast %broadcast_in_dim3A_342 : vector<256x1xf32> to vector<256x2048xf32>
    %sub3A_344 = arith.subf %select_n3A_339, %sub3A_343 : vector<256x2048xf32>
    %exp3A_345 = math.exp %sub3A_344 : vector<256x2048xf32>
    %reduce_sum3A_346 = arith.constant dense<0.000000e+00> : vector<256xf32>
    %reduce_sum3A_347 = vector.multi_reduction <add>, %exp3A_345, %reduce_sum3A_346 [1] : vector<256x2048xf32> to vector<256xf32>
    %broadcast_in_dim3A_348 = vector.shape_cast %reduce_sum3A_347 : vector<256xf32> to vector<256x1xf32>
    %div3A_349 = vector.broadcast %broadcast_in_dim3A_348 : vector<256x1xf32> to vector<256x2048xf32>
    %div3A_350 = arith.divf %exp3A_345, %div3A_349 : vector<256x2048xf32>
    %dot_general3A_351 = arith.constant dense<0.000000e+00> : vector<256x64xf32>
    %dot_general3A_352 = tpu.matmul %div3A_350, %get3A_331, %dot_general3A_351 {dimension_numbers = #tpu.dot_dimension_numbers<[1], [0], [0], [1], [0, 0, 1, 1], [], []>, transpose_lhs_hint = false} : vector<256x2048xf32>, vector<2048x64xf32>, vector<256x64xf32> -> vector<256x64xf32>
    %get3A_353 = arith.constant 0 : index
    %get3A_354 = arith.constant 768 : index
    %get3A_355 = vector.load %arg1[%get3A_353, %get3A_354] : memref<256x1024xf32, #tpu.memory_space<vmem>>, vector<256x64xf32>
    %get3A_356 = arith.constant 0 : index
    %get3A_357 = arith.constant 192 : index
    %get3A_358 = vector.load %arg2[%get3A_356, %get3A_357] : memref<2048x256xf32, #tpu.memory_space<vmem>>, vector<2048x64xf32>
    %get3A_359 = arith.constant 0 : index
    %get3A_360 = arith.constant 192 : index
    %get3A_361 = vector.load %arg3[%get3A_359, %get3A_360] : memref<2048x256xf32, #tpu.memory_space<vmem>>, vector<2048x64xf32>
    %dot_general3A_362 = arith.constant dense<0.000000e+00> : vector<256x2048xf32>
    %dot_general3A_363 = tpu.matmul %get3A_355, %get3A_358, %dot_general3A_362 {dimension_numbers = #tpu.dot_dimension_numbers<[1], [1], [0], [0], [0, 0, 1, 0], [], []>, transpose_lhs_hint = false} : vector<256x64xf32>, vector<2048x64xf32>, vector<256x2048xf32> -> vector<256x2048xf32>
    %mul3A_364 = arith.constant 1.250000e-01 : f32
    %mul3A_365 = vector.broadcast %mul3A_364 : f32 to vector<256x2048xf32>
    %mul3A_366 = arith.mulf %dot_general3A_363, %mul3A_365 : vector<256x2048xf32>
    %jit3A_367 = arith.constant -1.000000e+30 : f32
    %broadcast_in_dim3A_368 = vector.broadcast %jit3A_367 : f32 to vector<256x2048xf32>
    %select_n3A_369 = arith.select %ge3A, %mul3A_366, %broadcast_in_dim3A_368 : vector<256x2048xi1>, vector<256x2048xf32>
    %reduce_max3A_370 = arith.constant dense<0xFF800000> : vector<256xf32>
    %reduce_max3A_371 = vector.multi_reduction <maximumf>, %select_n3A_369, %reduce_max3A_370 [1] : vector<256x2048xf32> to vector<256xf32>
    %broadcast_in_dim3A_372 = vector.shape_cast %reduce_max3A_371 : vector<256xf32> to vector<256x1xf32>
    %sub3A_373 = vector.broadcast %broadcast_in_dim3A_372 : vector<256x1xf32> to vector<256x2048xf32>
    %sub3A_374 = arith.subf %select_n3A_369, %sub3A_373 : vector<256x2048xf32>
    %exp3A_375 = math.exp %sub3A_374 : vector<256x2048xf32>
    %reduce_sum3A_376 = arith.constant dense<0.000000e+00> : vector<256xf32>
    %reduce_sum3A_377 = vector.multi_reduction <add>, %exp3A_375, %reduce_sum3A_376 [1] : vector<256x2048xf32> to vector<256xf32>
    %broadcast_in_dim3A_378 = vector.shape_cast %reduce_sum3A_377 : vector<256xf32> to vector<256x1xf32>
    %div3A_379 = vector.broadcast %broadcast_in_dim3A_378 : vector<256x1xf32> to vector<256x2048xf32>
    %div3A_380 = arith.divf %exp3A_375, %div3A_379 : vector<256x2048xf32>
    %dot_general3A_381 = arith.constant dense<0.000000e+00> : vector<256x64xf32>
    %dot_general3A_382 = tpu.matmul %div3A_380, %get3A_361, %dot_general3A_381 {dimension_numbers = #tpu.dot_dimension_numbers<[1], [0], [0], [1], [0, 0, 1, 1], [], []>, transpose_lhs_hint = false} : vector<256x2048xf32>, vector<2048x64xf32>, vector<256x64xf32> -> vector<256x64xf32>
    %get3A_383 = arith.constant 0 : index
    %get3A_384 = arith.constant 832 : index
    %get3A_385 = vector.load %arg1[%get3A_383, %get3A_384] : memref<256x1024xf32, #tpu.memory_space<vmem>>, vector<256x64xf32>
    %get3A_386 = arith.constant 0 : index
    %get3A_387 = arith.constant 192 : index
    %get3A_388 = vector.load %arg2[%get3A_386, %get3A_387] : memref<2048x256xf32, #tpu.memory_space<vmem>>, vector<2048x64xf32>
    %get3A_389 = arith.constant 0 : index
    %get3A_390 = arith.constant 192 : index
    %get3A_391 = vector.load %arg3[%get3A_389, %get3A_390] : memref<2048x256xf32, #tpu.memory_space<vmem>>, vector<2048x64xf32>
    %dot_general3A_392 = arith.constant dense<0.000000e+00> : vector<256x2048xf32>
    %dot_general3A_393 = tpu.matmul %get3A_385, %get3A_388, %dot_general3A_392 {dimension_numbers = #tpu.dot_dimension_numbers<[1], [1], [0], [0], [0, 0, 1, 0], [], []>, transpose_lhs_hint = false} : vector<256x64xf32>, vector<2048x64xf32>, vector<256x2048xf32> -> vector<256x2048xf32>
    %mul3A_394 = arith.constant 1.250000e-01 : f32
    %mul3A_395 = vector.broadcast %mul3A_394 : f32 to vector<256x2048xf32>
    %mul3A_396 = arith.mulf %dot_general3A_393, %mul3A_395 : vector<256x2048xf32>
    %jit3A_397 = arith.constant -1.000000e+30 : f32
    %broadcast_in_dim3A_398 = vector.broadcast %jit3A_397 : f32 to vector<256x2048xf32>
    %select_n3A_399 = arith.select %ge3A, %mul3A_396, %broadcast_in_dim3A_398 : vector<256x2048xi1>, vector<256x2048xf32>
    %reduce_max3A_400 = arith.constant dense<0xFF800000> : vector<256xf32>
    %reduce_max3A_401 = vector.multi_reduction <maximumf>, %select_n3A_399, %reduce_max3A_400 [1] : vector<256x2048xf32> to vector<256xf32>
    %broadcast_in_dim3A_402 = vector.shape_cast %reduce_max3A_401 : vector<256xf32> to vector<256x1xf32>
    %sub3A_403 = vector.broadcast %broadcast_in_dim3A_402 : vector<256x1xf32> to vector<256x2048xf32>
    %sub3A_404 = arith.subf %select_n3A_399, %sub3A_403 : vector<256x2048xf32>
    %exp3A_405 = math.exp %sub3A_404 : vector<256x2048xf32>
    %reduce_sum3A_406 = arith.constant dense<0.000000e+00> : vector<256xf32>
    %reduce_sum3A_407 = vector.multi_reduction <add>, %exp3A_405, %reduce_sum3A_406 [1] : vector<256x2048xf32> to vector<256xf32>
    %broadcast_in_dim3A_408 = vector.shape_cast %reduce_sum3A_407 : vector<256xf32> to vector<256x1xf32>
    %div3A_409 = vector.broadcast %broadcast_in_dim3A_408 : vector<256x1xf32> to vector<256x2048xf32>
    %div3A_410 = arith.divf %exp3A_405, %div3A_409 : vector<256x2048xf32>
    %dot_general3A_411 = arith.constant dense<0.000000e+00> : vector<256x64xf32>
    %dot_general3A_412 = tpu.matmul %div3A_410, %get3A_391, %dot_general3A_411 {dimension_numbers = #tpu.dot_dimension_numbers<[1], [0], [0], [1], [0, 0, 1, 1], [], []>, transpose_lhs_hint = false} : vector<256x2048xf32>, vector<2048x64xf32>, vector<256x64xf32> -> vector<256x64xf32>
    %get3A_413 = arith.constant 0 : index
    %get3A_414 = arith.constant 896 : index
    %get3A_415 = vector.load %arg1[%get3A_413, %get3A_414] : memref<256x1024xf32, #tpu.memory_space<vmem>>, vector<256x64xf32>
    %get3A_416 = arith.constant 0 : index
    %get3A_417 = arith.constant 192 : index
    %get3A_418 = vector.load %arg2[%get3A_416, %get3A_417] : memref<2048x256xf32, #tpu.memory_space<vmem>>, vector<2048x64xf32>
    %get3A_419 = arith.constant 0 : index
    %get3A_420 = arith.constant 192 : index
    %get3A_421 = vector.load %arg3[%get3A_419, %get3A_420] : memref<2048x256xf32, #tpu.memory_space<vmem>>, vector<2048x64xf32>
    %dot_general3A_422 = arith.constant dense<0.000000e+00> : vector<256x2048xf32>
    %dot_general3A_423 = tpu.matmul %get3A_415, %get3A_418, %dot_general3A_422 {dimension_numbers = #tpu.dot_dimension_numbers<[1], [1], [0], [0], [0, 0, 1, 0], [], []>, transpose_lhs_hint = false} : vector<256x64xf32>, vector<2048x64xf32>, vector<256x2048xf32> -> vector<256x2048xf32>
    %mul3A_424 = arith.constant 1.250000e-01 : f32
    %mul3A_425 = vector.broadcast %mul3A_424 : f32 to vector<256x2048xf32>
    %mul3A_426 = arith.mulf %dot_general3A_423, %mul3A_425 : vector<256x2048xf32>
    %jit3A_427 = arith.constant -1.000000e+30 : f32
    %broadcast_in_dim3A_428 = vector.broadcast %jit3A_427 : f32 to vector<256x2048xf32>
    %select_n3A_429 = arith.select %ge3A, %mul3A_426, %broadcast_in_dim3A_428 : vector<256x2048xi1>, vector<256x2048xf32>
    %reduce_max3A_430 = arith.constant dense<0xFF800000> : vector<256xf32>
    %reduce_max3A_431 = vector.multi_reduction <maximumf>, %select_n3A_429, %reduce_max3A_430 [1] : vector<256x2048xf32> to vector<256xf32>
    %broadcast_in_dim3A_432 = vector.shape_cast %reduce_max3A_431 : vector<256xf32> to vector<256x1xf32>
    %sub3A_433 = vector.broadcast %broadcast_in_dim3A_432 : vector<256x1xf32> to vector<256x2048xf32>
    %sub3A_434 = arith.subf %select_n3A_429, %sub3A_433 : vector<256x2048xf32>
    %exp3A_435 = math.exp %sub3A_434 : vector<256x2048xf32>
    %reduce_sum3A_436 = arith.constant dense<0.000000e+00> : vector<256xf32>
    %reduce_sum3A_437 = vector.multi_reduction <add>, %exp3A_435, %reduce_sum3A_436 [1] : vector<256x2048xf32> to vector<256xf32>
    %broadcast_in_dim3A_438 = vector.shape_cast %reduce_sum3A_437 : vector<256xf32> to vector<256x1xf32>
    %div3A_439 = vector.broadcast %broadcast_in_dim3A_438 : vector<256x1xf32> to vector<256x2048xf32>
    %div3A_440 = arith.divf %exp3A_435, %div3A_439 : vector<256x2048xf32>
    %dot_general3A_441 = arith.constant dense<0.000000e+00> : vector<256x64xf32>
    %dot_general3A_442 = tpu.matmul %div3A_440, %get3A_421, %dot_general3A_441 {dimension_numbers = #tpu.dot_dimension_numbers<[1], [0], [0], [1], [0, 0, 1, 1], [], []>, transpose_lhs_hint = false} : vector<256x2048xf32>, vector<2048x64xf32>, vector<256x64xf32> -> vector<256x64xf32>
    %get3A_443 = arith.constant 0 : index
    %get3A_444 = arith.constant 960 : index
    %get3A_445 = vector.load %arg1[%get3A_443, %get3A_444] : memref<256x1024xf32, #tpu.memory_space<vmem>>, vector<256x64xf32>
    %get3A_446 = arith.constant 0 : index
    %get3A_447 = arith.constant 192 : index
    %get3A_448 = vector.load %arg2[%get3A_446, %get3A_447] : memref<2048x256xf32, #tpu.memory_space<vmem>>, vector<2048x64xf32>
    %get3A_449 = arith.constant 0 : index
    %get3A_450 = arith.constant 192 : index
    %get3A_451 = vector.load %arg3[%get3A_449, %get3A_450] : memref<2048x256xf32, #tpu.memory_space<vmem>>, vector<2048x64xf32>
    %dot_general3A_452 = arith.constant dense<0.000000e+00> : vector<256x2048xf32>
    %dot_general3A_453 = tpu.matmul %get3A_445, %get3A_448, %dot_general3A_452 {dimension_numbers = #tpu.dot_dimension_numbers<[1], [1], [0], [0], [0, 0, 1, 0], [], []>, transpose_lhs_hint = false} : vector<256x64xf32>, vector<2048x64xf32>, vector<256x2048xf32> -> vector<256x2048xf32>
    %mul3A_454 = arith.constant 1.250000e-01 : f32
    %mul3A_455 = vector.broadcast %mul3A_454 : f32 to vector<256x2048xf32>
    %mul3A_456 = arith.mulf %dot_general3A_453, %mul3A_455 : vector<256x2048xf32>
    %jit3A_457 = arith.constant -1.000000e+30 : f32
    %broadcast_in_dim3A_458 = vector.broadcast %jit3A_457 : f32 to vector<256x2048xf32>
    %select_n3A_459 = arith.select %ge3A, %mul3A_456, %broadcast_in_dim3A_458 : vector<256x2048xi1>, vector<256x2048xf32>
    %reduce_max3A_460 = arith.constant dense<0xFF800000> : vector<256xf32>
    %reduce_max3A_461 = vector.multi_reduction <maximumf>, %select_n3A_459, %reduce_max3A_460 [1] : vector<256x2048xf32> to vector<256xf32>
    %broadcast_in_dim3A_462 = vector.shape_cast %reduce_max3A_461 : vector<256xf32> to vector<256x1xf32>
    %sub3A_463 = vector.broadcast %broadcast_in_dim3A_462 : vector<256x1xf32> to vector<256x2048xf32>
    %sub3A_464 = arith.subf %select_n3A_459, %sub3A_463 : vector<256x2048xf32>
    %exp3A_465 = math.exp %sub3A_464 : vector<256x2048xf32>
    %reduce_sum3A_466 = arith.constant dense<0.000000e+00> : vector<256xf32>
    %reduce_sum3A_467 = vector.multi_reduction <add>, %exp3A_465, %reduce_sum3A_466 [1] : vector<256x2048xf32> to vector<256xf32>
    %broadcast_in_dim3A_468 = vector.shape_cast %reduce_sum3A_467 : vector<256xf32> to vector<256x1xf32>
    %div3A_469 = vector.broadcast %broadcast_in_dim3A_468 : vector<256x1xf32> to vector<256x2048xf32>
    %div3A_470 = arith.divf %exp3A_465, %div3A_469 : vector<256x2048xf32>
    %dot_general3A_471 = arith.constant dense<0.000000e+00> : vector<256x64xf32>
    %dot_general3A_472 = tpu.matmul %div3A_470, %get3A_451, %dot_general3A_471 {dimension_numbers = #tpu.dot_dimension_numbers<[1], [0], [0], [1], [0, 0, 1, 1], [], []>, transpose_lhs_hint = false} : vector<256x2048xf32>, vector<2048x64xf32>, vector<256x64xf32> -> vector<256x64xf32>
    %concatenate3A = tpu.concatenate %dot_general3A_22, %dot_general3A_52, %dot_general3A_82, %dot_general3A_112, %dot_general3A_142, %dot_general3A_172, %dot_general3A_202, %dot_general3A_232, %dot_general3A_262, %dot_general3A_292, %dot_general3A_322, %dot_general3A_352, %dot_general3A_382, %dot_general3A_412, %dot_general3A_442, %dot_general3A_472 in 1 : vector<256x64xf32>, vector<256x64xf32>, vector<256x64xf32>, vector<256x64xf32>, vector<256x64xf32>, vector<256x64xf32>, vector<256x64xf32>, vector<256x64xf32>, vector<256x64xf32>, vector<256x64xf32>, vector<256x64xf32>, vector<256x64xf32>, vector<256x64xf32>, vector<256x64xf32>, vector<256x64xf32>, vector<256x64xf32> -> vector<256x1024xf32>
    %swap3A = arith.constant 0 : index
    %swap3A_473 = arith.constant 0 : index
    %swap3A_474 = vector.load %arg4[%swap3A, %swap3A_473] : memref<256x1024xf32, #tpu.memory_space<vmem>>, vector<256x1024xf32>
    tpu.vector_store %arg4[%swap3A, %swap3A_473], %concatenate3A {strides = array<i32>} : memref<256x1024xf32, #tpu.memory_space<vmem>>, vector<256x1024xf32>,
    return
  }
  func.func @transform_0(%arg0: i32) -> (i32, i32) {
    %c0_i32 = arith.constant 0 : i32
    %c0_i32_0 = arith.constant 0 : i32
    return %arg0, %c0_i32 : i32, i32
  }
  func.func @transform_1(%arg0: i32) -> (i32, i32) {
    %c0_i32 = arith.constant 0 : i32
    %c0_i32_0 = arith.constant 0 : i32
    %c0_i32_1 = arith.constant 0 : i32
    return %c0_i32, %c0_i32_0 : i32, i32
  }
  func.func @transform_2(%arg0: i32) -> (i32, i32) {
    %c0_i32 = arith.constant 0 : i32
    %c0_i32_0 = arith.constant 0 : i32
    %c0_i32_1 = arith.constant 0 : i32
    return %c0_i32, %c0_i32_0 : i32, i32
  }
  func.func @transform_3(%arg0: i32) -> (i32, i32) {
    %c0_i32 = arith.constant 0 : i32
    %c0_i32_0 = arith.constant 0 : i32
    return %arg0, %c0_i32 : i32, i32
  }
}

module attributes {stable_mosaic.version = 14 : i64} {
  func.func @_prologue_body(%arg0: i32, %arg1: memref<256x64xf32, #tpu.memory_space<vmem>>, %arg2: memref<256x64xf32, #tpu.memory_space<vmem>>, %arg3: memref<256x1024xf32, #tpu.memory_space<vmem>>, %arg4: memref<256x1024xf32, #tpu.memory_space<vmem>>, %arg5: memref<1536x1024xf32, #tpu.memory_space<vmem>>, %arg6: memref<1x1024xf32, #tpu.memory_space<vmem>>, %arg7: memref<1x64xf32, #tpu.memory_space<vmem>>, %arg8: memref<1x64xf32, #tpu.memory_space<vmem>>, %arg9: memref<256x1024xf32, #tpu.memory_space<vmem>>, %arg10: memref<256x1024xf32, #tpu.memory_space<vmem>>, %arg11: memref<256x256xf32, #tpu.memory_space<vmem>>, %arg12: memref<256x256xf32, #tpu.memory_space<vmem>>) attributes {dimension_semantics = [#tpu.dimension_semantics<arbitrary>], iteration_bounds = array<i64: 8>, scalar_prefetch = 0 : i64, scratch_operands = 0 : i64, tpu.core_type = #tpu.core_type<tc>, window_params = [{transform_indices = @transform_0, window_bounds = array<i64: 256, 64>}, {transform_indices = @transform_1, window_bounds = array<i64: 256, 64>}, {transform_indices = @transform_2, window_bounds = array<i64: 256, 1024>}, {transform_indices = @transform_3, window_bounds = array<i64: 256, 1024>}, {pipeline_mode = #tpu.pipeline_mode<synchronous>, transform_indices = @transform_4, window_bounds = array<i64: 1536, 1024>}, {pipeline_mode = #tpu.pipeline_mode<synchronous>, transform_indices = @transform_5, window_bounds = array<i64: 1, 1024>}, {pipeline_mode = #tpu.pipeline_mode<synchronous>, transform_indices = @transform_6, window_bounds = array<i64: 1, 64>}, {pipeline_mode = #tpu.pipeline_mode<synchronous>, transform_indices = @transform_7, window_bounds = array<i64: 1, 64>}, {transform_indices = @transform_8, window_bounds = array<i64: 256, 1024>}, {transform_indices = @transform_9, window_bounds = array<i64: 256, 1024>}, {transform_indices = @transform_10, window_bounds = array<i64: 256, 256>}, {transform_indices = @transform_11, window_bounds = array<i64: 256, 256>}]} {
    %get3A = arith.constant 0 : index
    %get3A_0 = arith.constant 0 : index
    %get3A_1 = vector.load %arg3[%get3A, %get3A_0] : memref<256x1024xf32, #tpu.memory_space<vmem>>, vector<256x1024xf32>
    %get3A_2 = arith.constant 0 : index
    %get3A_3 = arith.constant 0 : index
    %get3A_4 = vector.load %arg4[%get3A_2, %get3A_3] : memref<256x1024xf32, #tpu.memory_space<vmem>>, vector<256x1024xf32>
    %add3A = arith.addf %get3A_1, %get3A_4 : vector<256x1024xf32>
    %swap3A = arith.constant 0 : index
    %swap3A_5 = arith.constant 0 : index
    %swap3A_6 = vector.load %arg9[%swap3A, %swap3A_5] : memref<256x1024xf32, #tpu.memory_space<vmem>>, vector<256x1024xf32>
    tpu.vector_store %arg9[%swap3A, %swap3A_5], %add3A {strides = array<i32>} : memref<256x1024xf32, #tpu.memory_space<vmem>>, vector<256x1024xf32>,
    %get3A_7 = arith.constant 0 : index
    %get3A_8 = arith.constant 0 : index
    %get3A_9 = vector.load %arg6[%get3A_7, %get3A_8] : memref<1x1024xf32, #tpu.memory_space<vmem>>, vector<1x1024xf32>
    %mul3A = arith.mulf %add3A, %add3A : vector<256x1024xf32>
    %reduce_sum3A = arith.constant dense<0.000000e+00> : vector<256xf32>
    %reduce_sum3A_10 = vector.multi_reduction <add>, %mul3A, %reduce_sum3A [1] : vector<256x1024xf32> to vector<256xf32>
    %broadcast_in_dim3A = vector.shape_cast %reduce_sum3A_10 : vector<256xf32> to vector<256x1xf32>
    %div3A = arith.constant 1.024000e+03 : f32
    %div3A_11 = vector.broadcast %div3A : f32 to vector<256x1xf32>
    %div3A_12 = arith.divf %broadcast_in_dim3A, %div3A_11 : vector<256x1xf32>
    %add3A_13 = arith.constant 9.99999974E-6 : f32
    %add3A_14 = vector.broadcast %add3A_13 : f32 to vector<256x1xf32>
    %add3A_15 = arith.addf %div3A_12, %add3A_14 : vector<256x1xf32>
    %rsqrt3A = math.rsqrt %add3A_15 : vector<256x1xf32>
    %mul3A_16 = vector.broadcast %rsqrt3A : vector<256x1xf32> to vector<256x1024xf32>
    %mul3A_17 = arith.mulf %add3A, %mul3A_16 : vector<256x1024xf32>
    %mul3A_18 = vector.broadcast %get3A_9 : vector<1x1024xf32> to vector<256x1024xf32>
    %mul3A_19 = arith.mulf %mul3A_17, %mul3A_18 : vector<256x1024xf32>
    %get3A_20 = arith.constant 0 : index
    %get3A_21 = arith.constant 0 : index
    %get3A_22 = vector.load %arg5[%get3A_20, %get3A_21] : memref<1536x1024xf32, #tpu.memory_space<vmem>>, vector<1536x1024xf32>
    %dot_general3A = arith.constant dense<0.000000e+00> : vector<256x1536xf32>
    %dot_general3A_23 = tpu.matmul %mul3A_19, %get3A_22, %dot_general3A {dimension_numbers = #tpu.dot_dimension_numbers<[1], [1], [0], [0], [0, 0, 1, 0], [], []>, transpose_lhs_hint = false} : vector<256x1024xf32>, vector<1536x1024xf32>, vector<256x1536xf32> -> vector<256x1536xf32>
    %get3A_24 = arith.constant 0 : index
    %get3A_25 = arith.constant 0 : index
    %get3A_26 = vector.load %arg1[%get3A_24, %get3A_25] : memref<256x64xf32, #tpu.memory_space<vmem>>, vector<256x64xf32>
    %get3A_27 = arith.constant 0 : index
    %get3A_28 = arith.constant 0 : index
    %get3A_29 = vector.load %arg2[%get3A_27, %get3A_28] : memref<256x64xf32, #tpu.memory_space<vmem>>, vector<256x64xf32>
    %slice3A = vector.extract_strided_slice %dot_general3A_23 {offsets = [0, 0], sizes = [256, 64], strides = [1, 1]} : vector<256x1536xf32> to vector<256x64xf32>
    %get3A_30 = arith.constant 0 : index
    %get3A_31 = arith.constant 0 : index
    %get3A_32 = vector.load %arg7[%get3A_30, %get3A_31] : memref<1x64xf32, #tpu.memory_space<vmem>>, vector<1x64xf32>
    %mul3A_33 = arith.mulf %slice3A, %slice3A : vector<256x64xf32>
    %reduce_sum3A_34 = arith.constant dense<0.000000e+00> : vector<256xf32>
    %reduce_sum3A_35 = vector.multi_reduction <add>, %mul3A_33, %reduce_sum3A_34 [1] : vector<256x64xf32> to vector<256xf32>
    %broadcast_in_dim3A_36 = vector.shape_cast %reduce_sum3A_35 : vector<256xf32> to vector<256x1xf32>
    %div3A_37 = arith.constant 6.400000e+01 : f32
    %div3A_38 = vector.broadcast %div3A_37 : f32 to vector<256x1xf32>
    %div3A_39 = arith.divf %broadcast_in_dim3A_36, %div3A_38 : vector<256x1xf32>
    %add3A_40 = arith.constant 9.99999974E-6 : f32
    %add3A_41 = vector.broadcast %add3A_40 : f32 to vector<256x1xf32>
    %add3A_42 = arith.addf %div3A_39, %add3A_41 : vector<256x1xf32>
    %rsqrt3A_43 = math.rsqrt %add3A_42 : vector<256x1xf32>
    %mul3A_44 = vector.broadcast %rsqrt3A_43 : vector<256x1xf32> to vector<256x64xf32>
    %mul3A_45 = arith.mulf %slice3A, %mul3A_44 : vector<256x64xf32>
    %mul3A_46 = vector.broadcast %get3A_32 : vector<1x64xf32> to vector<256x64xf32>
    %mul3A_47 = arith.mulf %mul3A_45, %mul3A_46 : vector<256x64xf32>
    %slice3A_48 = vector.extract_strided_slice %mul3A_47 {offsets = [0, 0], sizes = [256, 32], strides = [1, 1]} : vector<256x64xf32> to vector<256x32xf32>
    %slice3A_49 = vector.extract_strided_slice %mul3A_47 {offsets = [0, 32], sizes = [256, 32], strides = [1, 1]} : vector<256x64xf32> to vector<256x32xf32>
    %mul3A_50 = arith.mulf %mul3A_47, %get3A_26 : vector<256x64xf32>
    %neg3A = arith.constant 0.000000e+00 : f32
    %neg3A_51 = vector.broadcast %neg3A : f32 to vector<256x32xf32>
    %neg3A_52 = arith.subf %neg3A_51, %slice3A_49 : vector<256x32xf32>
    %concatenate3A = tpu.concatenate %neg3A_52, %slice3A_48 in 1 : vector<256x32xf32>, vector<256x32xf32> -> vector<256x64xf32>
    %mul3A_53 = arith.mulf %concatenate3A, %get3A_29 : vector<256x64xf32>
    %add3A_54 = arith.addf %mul3A_50, %mul3A_53 : vector<256x64xf32>
    %slice3A_55 = vector.extract_strided_slice %dot_general3A_23 {offsets = [0, 64], sizes = [256, 64], strides = [1, 1]} : vector<256x1536xf32> to vector<256x64xf32>
    %get3A_56 = arith.constant 0 : index
    %get3A_57 = arith.constant 0 : index
    %get3A_58 = vector.load %arg7[%get3A_56, %get3A_57] : memref<1x64xf32, #tpu.memory_space<vmem>>, vector<1x64xf32>
    %mul3A_59 = arith.mulf %slice3A_55, %slice3A_55 : vector<256x64xf32>
    %reduce_sum3A_60 = arith.constant dense<0.000000e+00> : vector<256xf32>
    %reduce_sum3A_61 = vector.multi_reduction <add>, %mul3A_59, %reduce_sum3A_60 [1] : vector<256x64xf32> to vector<256xf32>
    %broadcast_in_dim3A_62 = vector.shape_cast %reduce_sum3A_61 : vector<256xf32> to vector<256x1xf32>
    %div3A_63 = arith.constant 6.400000e+01 : f32
    %div3A_64 = vector.broadcast %div3A_63 : f32 to vector<256x1xf32>
    %div3A_65 = arith.divf %broadcast_in_dim3A_62, %div3A_64 : vector<256x1xf32>
    %add3A_66 = arith.constant 9.99999974E-6 : f32
    %add3A_67 = vector.broadcast %add3A_66 : f32 to vector<256x1xf32>
    %add3A_68 = arith.addf %div3A_65, %add3A_67 : vector<256x1xf32>
    %rsqrt3A_69 = math.rsqrt %add3A_68 : vector<256x1xf32>
    %mul3A_70 = vector.broadcast %rsqrt3A_69 : vector<256x1xf32> to vector<256x64xf32>
    %mul3A_71 = arith.mulf %slice3A_55, %mul3A_70 : vector<256x64xf32>
    %mul3A_72 = vector.broadcast %get3A_58 : vector<1x64xf32> to vector<256x64xf32>
    %mul3A_73 = arith.mulf %mul3A_71, %mul3A_72 : vector<256x64xf32>
    %slice3A_74 = vector.extract_strided_slice %mul3A_73 {offsets = [0, 0], sizes = [256, 32], strides = [1, 1]} : vector<256x64xf32> to vector<256x32xf32>
    %slice3A_75 = vector.extract_strided_slice %mul3A_73 {offsets = [0, 32], sizes = [256, 32], strides = [1, 1]} : vector<256x64xf32> to vector<256x32xf32>
    %mul3A_76 = arith.mulf %mul3A_73, %get3A_26 : vector<256x64xf32>
    %neg3A_77 = arith.constant 0.000000e+00 : f32
    %neg3A_78 = vector.broadcast %neg3A_77 : f32 to vector<256x32xf32>
    %neg3A_79 = arith.subf %neg3A_78, %slice3A_75 : vector<256x32xf32>
    %concatenate3A_80 = tpu.concatenate %neg3A_79, %slice3A_74 in 1 : vector<256x32xf32>, vector<256x32xf32> -> vector<256x64xf32>
    %mul3A_81 = arith.mulf %concatenate3A_80, %get3A_29 : vector<256x64xf32>
    %add3A_82 = arith.addf %mul3A_76, %mul3A_81 : vector<256x64xf32>
    %slice3A_83 = vector.extract_strided_slice %dot_general3A_23 {offsets = [0, 128], sizes = [256, 64], strides = [1, 1]} : vector<256x1536xf32> to vector<256x64xf32>
    %get3A_84 = arith.constant 0 : index
    %get3A_85 = arith.constant 0 : index
    %get3A_86 = vector.load %arg7[%get3A_84, %get3A_85] : memref<1x64xf32, #tpu.memory_space<vmem>>, vector<1x64xf32>
    %mul3A_87 = arith.mulf %slice3A_83, %slice3A_83 : vector<256x64xf32>
    %reduce_sum3A_88 = arith.constant dense<0.000000e+00> : vector<256xf32>
    %reduce_sum3A_89 = vector.multi_reduction <add>, %mul3A_87, %reduce_sum3A_88 [1] : vector<256x64xf32> to vector<256xf32>
    %broadcast_in_dim3A_90 = vector.shape_cast %reduce_sum3A_89 : vector<256xf32> to vector<256x1xf32>
    %div3A_91 = arith.constant 6.400000e+01 : f32
    %div3A_92 = vector.broadcast %div3A_91 : f32 to vector<256x1xf32>
    %div3A_93 = arith.divf %broadcast_in_dim3A_90, %div3A_92 : vector<256x1xf32>
    %add3A_94 = arith.constant 9.99999974E-6 : f32
    %add3A_95 = vector.broadcast %add3A_94 : f32 to vector<256x1xf32>
    %add3A_96 = arith.addf %div3A_93, %add3A_95 : vector<256x1xf32>
    %rsqrt3A_97 = math.rsqrt %add3A_96 : vector<256x1xf32>
    %mul3A_98 = vector.broadcast %rsqrt3A_97 : vector<256x1xf32> to vector<256x64xf32>
    %mul3A_99 = arith.mulf %slice3A_83, %mul3A_98 : vector<256x64xf32>
    %mul3A_100 = vector.broadcast %get3A_86 : vector<1x64xf32> to vector<256x64xf32>
    %mul3A_101 = arith.mulf %mul3A_99, %mul3A_100 : vector<256x64xf32>
    %slice3A_102 = vector.extract_strided_slice %mul3A_101 {offsets = [0, 0], sizes = [256, 32], strides = [1, 1]} : vector<256x64xf32> to vector<256x32xf32>
    %slice3A_103 = vector.extract_strided_slice %mul3A_101 {offsets = [0, 32], sizes = [256, 32], strides = [1, 1]} : vector<256x64xf32> to vector<256x32xf32>
    %mul3A_104 = arith.mulf %mul3A_101, %get3A_26 : vector<256x64xf32>
    %neg3A_105 = arith.constant 0.000000e+00 : f32
    %neg3A_106 = vector.broadcast %neg3A_105 : f32 to vector<256x32xf32>
    %neg3A_107 = arith.subf %neg3A_106, %slice3A_103 : vector<256x32xf32>
    %concatenate3A_108 = tpu.concatenate %neg3A_107, %slice3A_102 in 1 : vector<256x32xf32>, vector<256x32xf32> -> vector<256x64xf32>
    %mul3A_109 = arith.mulf %concatenate3A_108, %get3A_29 : vector<256x64xf32>
    %add3A_110 = arith.addf %mul3A_104, %mul3A_109 : vector<256x64xf32>
    %slice3A_111 = vector.extract_strided_slice %dot_general3A_23 {offsets = [0, 192], sizes = [256, 64], strides = [1, 1]} : vector<256x1536xf32> to vector<256x64xf32>
    %get3A_112 = arith.constant 0 : index
    %get3A_113 = arith.constant 0 : index
    %get3A_114 = vector.load %arg7[%get3A_112, %get3A_113] : memref<1x64xf32, #tpu.memory_space<vmem>>, vector<1x64xf32>
    %mul3A_115 = arith.mulf %slice3A_111, %slice3A_111 : vector<256x64xf32>
    %reduce_sum3A_116 = arith.constant dense<0.000000e+00> : vector<256xf32>
    %reduce_sum3A_117 = vector.multi_reduction <add>, %mul3A_115, %reduce_sum3A_116 [1] : vector<256x64xf32> to vector<256xf32>
    %broadcast_in_dim3A_118 = vector.shape_cast %reduce_sum3A_117 : vector<256xf32> to vector<256x1xf32>
    %div3A_119 = arith.constant 6.400000e+01 : f32
    %div3A_120 = vector.broadcast %div3A_119 : f32 to vector<256x1xf32>
    %div3A_121 = arith.divf %broadcast_in_dim3A_118, %div3A_120 : vector<256x1xf32>
    %add3A_122 = arith.constant 9.99999974E-6 : f32
    %add3A_123 = vector.broadcast %add3A_122 : f32 to vector<256x1xf32>
    %add3A_124 = arith.addf %div3A_121, %add3A_123 : vector<256x1xf32>
    %rsqrt3A_125 = math.rsqrt %add3A_124 : vector<256x1xf32>
    %mul3A_126 = vector.broadcast %rsqrt3A_125 : vector<256x1xf32> to vector<256x64xf32>
    %mul3A_127 = arith.mulf %slice3A_111, %mul3A_126 : vector<256x64xf32>
    %mul3A_128 = vector.broadcast %get3A_114 : vector<1x64xf32> to vector<256x64xf32>
    %mul3A_129 = arith.mulf %mul3A_127, %mul3A_128 : vector<256x64xf32>
    %slice3A_130 = vector.extract_strided_slice %mul3A_129 {offsets = [0, 0], sizes = [256, 32], strides = [1, 1]} : vector<256x64xf32> to vector<256x32xf32>
    %slice3A_131 = vector.extract_strided_slice %mul3A_129 {offsets = [0, 32], sizes = [256, 32], strides = [1, 1]} : vector<256x64xf32> to vector<256x32xf32>
    %mul3A_132 = arith.mulf %mul3A_129, %get3A_26 : vector<256x64xf32>
    %neg3A_133 = arith.constant 0.000000e+00 : f32
    %neg3A_134 = vector.broadcast %neg3A_133 : f32 to vector<256x32xf32>
    %neg3A_135 = arith.subf %neg3A_134, %slice3A_131 : vector<256x32xf32>
    %concatenate3A_136 = tpu.concatenate %neg3A_135, %slice3A_130 in 1 : vector<256x32xf32>, vector<256x32xf32> -> vector<256x64xf32>
    %mul3A_137 = arith.mulf %concatenate3A_136, %get3A_29 : vector<256x64xf32>
    %add3A_138 = arith.addf %mul3A_132, %mul3A_137 : vector<256x64xf32>
    %slice3A_139 = vector.extract_strided_slice %dot_general3A_23 {offsets = [0, 256], sizes = [256, 64], strides = [1, 1]} : vector<256x1536xf32> to vector<256x64xf32>
    %get3A_140 = arith.constant 0 : index
    %get3A_141 = arith.constant 0 : index
    %get3A_142 = vector.load %arg7[%get3A_140, %get3A_141] : memref<1x64xf32, #tpu.memory_space<vmem>>, vector<1x64xf32>
    %mul3A_143 = arith.mulf %slice3A_139, %slice3A_139 : vector<256x64xf32>
    %reduce_sum3A_144 = arith.constant dense<0.000000e+00> : vector<256xf32>
    %reduce_sum3A_145 = vector.multi_reduction <add>, %mul3A_143, %reduce_sum3A_144 [1] : vector<256x64xf32> to vector<256xf32>
    %broadcast_in_dim3A_146 = vector.shape_cast %reduce_sum3A_145 : vector<256xf32> to vector<256x1xf32>
    %div3A_147 = arith.constant 6.400000e+01 : f32
    %div3A_148 = vector.broadcast %div3A_147 : f32 to vector<256x1xf32>
    %div3A_149 = arith.divf %broadcast_in_dim3A_146, %div3A_148 : vector<256x1xf32>
    %add3A_150 = arith.constant 9.99999974E-6 : f32
    %add3A_151 = vector.broadcast %add3A_150 : f32 to vector<256x1xf32>
    %add3A_152 = arith.addf %div3A_149, %add3A_151 : vector<256x1xf32>
    %rsqrt3A_153 = math.rsqrt %add3A_152 : vector<256x1xf32>
    %mul3A_154 = vector.broadcast %rsqrt3A_153 : vector<256x1xf32> to vector<256x64xf32>
    %mul3A_155 = arith.mulf %slice3A_139, %mul3A_154 : vector<256x64xf32>
    %mul3A_156 = vector.broadcast %get3A_142 : vector<1x64xf32> to vector<256x64xf32>
    %mul3A_157 = arith.mulf %mul3A_155, %mul3A_156 : vector<256x64xf32>
    %slice3A_158 = vector.extract_strided_slice %mul3A_157 {offsets = [0, 0], sizes = [256, 32], strides = [1, 1]} : vector<256x64xf32> to vector<256x32xf32>
    %slice3A_159 = vector.extract_strided_slice %mul3A_157 {offsets = [0, 32], sizes = [256, 32], strides = [1, 1]} : vector<256x64xf32> to vector<256x32xf32>
    %mul3A_160 = arith.mulf %mul3A_157, %get3A_26 : vector<256x64xf32>
    %neg3A_161 = arith.constant 0.000000e+00 : f32
    %neg3A_162 = vector.broadcast %neg3A_161 : f32 to vector<256x32xf32>
    %neg3A_163 = arith.subf %neg3A_162, %slice3A_159 : vector<256x32xf32>
    %concatenate3A_164 = tpu.concatenate %neg3A_163, %slice3A_158 in 1 : vector<256x32xf32>, vector<256x32xf32> -> vector<256x64xf32>
    %mul3A_165 = arith.mulf %concatenate3A_164, %get3A_29 : vector<256x64xf32>
    %add3A_166 = arith.addf %mul3A_160, %mul3A_165 : vector<256x64xf32>
    %slice3A_167 = vector.extract_strided_slice %dot_general3A_23 {offsets = [0, 320], sizes = [256, 64], strides = [1, 1]} : vector<256x1536xf32> to vector<256x64xf32>
    %get3A_168 = arith.constant 0 : index
    %get3A_169 = arith.constant 0 : index
    %get3A_170 = vector.load %arg7[%get3A_168, %get3A_169] : memref<1x64xf32, #tpu.memory_space<vmem>>, vector<1x64xf32>
    %mul3A_171 = arith.mulf %slice3A_167, %slice3A_167 : vector<256x64xf32>
    %reduce_sum3A_172 = arith.constant dense<0.000000e+00> : vector<256xf32>
    %reduce_sum3A_173 = vector.multi_reduction <add>, %mul3A_171, %reduce_sum3A_172 [1] : vector<256x64xf32> to vector<256xf32>
    %broadcast_in_dim3A_174 = vector.shape_cast %reduce_sum3A_173 : vector<256xf32> to vector<256x1xf32>
    %div3A_175 = arith.constant 6.400000e+01 : f32
    %div3A_176 = vector.broadcast %div3A_175 : f32 to vector<256x1xf32>
    %div3A_177 = arith.divf %broadcast_in_dim3A_174, %div3A_176 : vector<256x1xf32>
    %add3A_178 = arith.constant 9.99999974E-6 : f32
    %add3A_179 = vector.broadcast %add3A_178 : f32 to vector<256x1xf32>
    %add3A_180 = arith.addf %div3A_177, %add3A_179 : vector<256x1xf32>
    %rsqrt3A_181 = math.rsqrt %add3A_180 : vector<256x1xf32>
    %mul3A_182 = vector.broadcast %rsqrt3A_181 : vector<256x1xf32> to vector<256x64xf32>
    %mul3A_183 = arith.mulf %slice3A_167, %mul3A_182 : vector<256x64xf32>
    %mul3A_184 = vector.broadcast %get3A_170 : vector<1x64xf32> to vector<256x64xf32>
    %mul3A_185 = arith.mulf %mul3A_183, %mul3A_184 : vector<256x64xf32>
    %slice3A_186 = vector.extract_strided_slice %mul3A_185 {offsets = [0, 0], sizes = [256, 32], strides = [1, 1]} : vector<256x64xf32> to vector<256x32xf32>
    %slice3A_187 = vector.extract_strided_slice %mul3A_185 {offsets = [0, 32], sizes = [256, 32], strides = [1, 1]} : vector<256x64xf32> to vector<256x32xf32>
    %mul3A_188 = arith.mulf %mul3A_185, %get3A_26 : vector<256x64xf32>
    %neg3A_189 = arith.constant 0.000000e+00 : f32
    %neg3A_190 = vector.broadcast %neg3A_189 : f32 to vector<256x32xf32>
    %neg3A_191 = arith.subf %neg3A_190, %slice3A_187 : vector<256x32xf32>
    %concatenate3A_192 = tpu.concatenate %neg3A_191, %slice3A_186 in 1 : vector<256x32xf32>, vector<256x32xf32> -> vector<256x64xf32>
    %mul3A_193 = arith.mulf %concatenate3A_192, %get3A_29 : vector<256x64xf32>
    %add3A_194 = arith.addf %mul3A_188, %mul3A_193 : vector<256x64xf32>
    %slice3A_195 = vector.extract_strided_slice %dot_general3A_23 {offsets = [0, 384], sizes = [256, 64], strides = [1, 1]} : vector<256x1536xf32> to vector<256x64xf32>
    %get3A_196 = arith.constant 0 : index
    %get3A_197 = arith.constant 0 : index
    %get3A_198 = vector.load %arg7[%get3A_196, %get3A_197] : memref<1x64xf32, #tpu.memory_space<vmem>>, vector<1x64xf32>
    %mul3A_199 = arith.mulf %slice3A_195, %slice3A_195 : vector<256x64xf32>
    %reduce_sum3A_200 = arith.constant dense<0.000000e+00> : vector<256xf32>
    %reduce_sum3A_201 = vector.multi_reduction <add>, %mul3A_199, %reduce_sum3A_200 [1] : vector<256x64xf32> to vector<256xf32>
    %broadcast_in_dim3A_202 = vector.shape_cast %reduce_sum3A_201 : vector<256xf32> to vector<256x1xf32>
    %div3A_203 = arith.constant 6.400000e+01 : f32
    %div3A_204 = vector.broadcast %div3A_203 : f32 to vector<256x1xf32>
    %div3A_205 = arith.divf %broadcast_in_dim3A_202, %div3A_204 : vector<256x1xf32>
    %add3A_206 = arith.constant 9.99999974E-6 : f32
    %add3A_207 = vector.broadcast %add3A_206 : f32 to vector<256x1xf32>
    %add3A_208 = arith.addf %div3A_205, %add3A_207 : vector<256x1xf32>
    %rsqrt3A_209 = math.rsqrt %add3A_208 : vector<256x1xf32>
    %mul3A_210 = vector.broadcast %rsqrt3A_209 : vector<256x1xf32> to vector<256x64xf32>
    %mul3A_211 = arith.mulf %slice3A_195, %mul3A_210 : vector<256x64xf32>
    %mul3A_212 = vector.broadcast %get3A_198 : vector<1x64xf32> to vector<256x64xf32>
    %mul3A_213 = arith.mulf %mul3A_211, %mul3A_212 : vector<256x64xf32>
    %slice3A_214 = vector.extract_strided_slice %mul3A_213 {offsets = [0, 0], sizes = [256, 32], strides = [1, 1]} : vector<256x64xf32> to vector<256x32xf32>
    %slice3A_215 = vector.extract_strided_slice %mul3A_213 {offsets = [0, 32], sizes = [256, 32], strides = [1, 1]} : vector<256x64xf32> to vector<256x32xf32>
    %mul3A_216 = arith.mulf %mul3A_213, %get3A_26 : vector<256x64xf32>
    %neg3A_217 = arith.constant 0.000000e+00 : f32
    %neg3A_218 = vector.broadcast %neg3A_217 : f32 to vector<256x32xf32>
    %neg3A_219 = arith.subf %neg3A_218, %slice3A_215 : vector<256x32xf32>
    %concatenate3A_220 = tpu.concatenate %neg3A_219, %slice3A_214 in 1 : vector<256x32xf32>, vector<256x32xf32> -> vector<256x64xf32>
    %mul3A_221 = arith.mulf %concatenate3A_220, %get3A_29 : vector<256x64xf32>
    %add3A_222 = arith.addf %mul3A_216, %mul3A_221 : vector<256x64xf32>
    %slice3A_223 = vector.extract_strided_slice %dot_general3A_23 {offsets = [0, 448], sizes = [256, 64], strides = [1, 1]} : vector<256x1536xf32> to vector<256x64xf32>
    %get3A_224 = arith.constant 0 : index
    %get3A_225 = arith.constant 0 : index
    %get3A_226 = vector.load %arg7[%get3A_224, %get3A_225] : memref<1x64xf32, #tpu.memory_space<vmem>>, vector<1x64xf32>
    %mul3A_227 = arith.mulf %slice3A_223, %slice3A_223 : vector<256x64xf32>
    %reduce_sum3A_228 = arith.constant dense<0.000000e+00> : vector<256xf32>
    %reduce_sum3A_229 = vector.multi_reduction <add>, %mul3A_227, %reduce_sum3A_228 [1] : vector<256x64xf32> to vector<256xf32>
    %broadcast_in_dim3A_230 = vector.shape_cast %reduce_sum3A_229 : vector<256xf32> to vector<256x1xf32>
    %div3A_231 = arith.constant 6.400000e+01 : f32
    %div3A_232 = vector.broadcast %div3A_231 : f32 to vector<256x1xf32>
    %div3A_233 = arith.divf %broadcast_in_dim3A_230, %div3A_232 : vector<256x1xf32>
    %add3A_234 = arith.constant 9.99999974E-6 : f32
    %add3A_235 = vector.broadcast %add3A_234 : f32 to vector<256x1xf32>
    %add3A_236 = arith.addf %div3A_233, %add3A_235 : vector<256x1xf32>
    %rsqrt3A_237 = math.rsqrt %add3A_236 : vector<256x1xf32>
    %mul3A_238 = vector.broadcast %rsqrt3A_237 : vector<256x1xf32> to vector<256x64xf32>
    %mul3A_239 = arith.mulf %slice3A_223, %mul3A_238 : vector<256x64xf32>
    %mul3A_240 = vector.broadcast %get3A_226 : vector<1x64xf32> to vector<256x64xf32>
    %mul3A_241 = arith.mulf %mul3A_239, %mul3A_240 : vector<256x64xf32>
    %slice3A_242 = vector.extract_strided_slice %mul3A_241 {offsets = [0, 0], sizes = [256, 32], strides = [1, 1]} : vector<256x64xf32> to vector<256x32xf32>
    %slice3A_243 = vector.extract_strided_slice %mul3A_241 {offsets = [0, 32], sizes = [256, 32], strides = [1, 1]} : vector<256x64xf32> to vector<256x32xf32>
    %mul3A_244 = arith.mulf %mul3A_241, %get3A_26 : vector<256x64xf32>
    %neg3A_245 = arith.constant 0.000000e+00 : f32
    %neg3A_246 = vector.broadcast %neg3A_245 : f32 to vector<256x32xf32>
    %neg3A_247 = arith.subf %neg3A_246, %slice3A_243 : vector<256x32xf32>
    %concatenate3A_248 = tpu.concatenate %neg3A_247, %slice3A_242 in 1 : vector<256x32xf32>, vector<256x32xf32> -> vector<256x64xf32>
    %mul3A_249 = arith.mulf %concatenate3A_248, %get3A_29 : vector<256x64xf32>
    %add3A_250 = arith.addf %mul3A_244, %mul3A_249 : vector<256x64xf32>
    %slice3A_251 = vector.extract_strided_slice %dot_general3A_23 {offsets = [0, 512], sizes = [256, 64], strides = [1, 1]} : vector<256x1536xf32> to vector<256x64xf32>
    %get3A_252 = arith.constant 0 : index
    %get3A_253 = arith.constant 0 : index
    %get3A_254 = vector.load %arg7[%get3A_252, %get3A_253] : memref<1x64xf32, #tpu.memory_space<vmem>>, vector<1x64xf32>
    %mul3A_255 = arith.mulf %slice3A_251, %slice3A_251 : vector<256x64xf32>
    %reduce_sum3A_256 = arith.constant dense<0.000000e+00> : vector<256xf32>
    %reduce_sum3A_257 = vector.multi_reduction <add>, %mul3A_255, %reduce_sum3A_256 [1] : vector<256x64xf32> to vector<256xf32>
    %broadcast_in_dim3A_258 = vector.shape_cast %reduce_sum3A_257 : vector<256xf32> to vector<256x1xf32>
    %div3A_259 = arith.constant 6.400000e+01 : f32
    %div3A_260 = vector.broadcast %div3A_259 : f32 to vector<256x1xf32>
    %div3A_261 = arith.divf %broadcast_in_dim3A_258, %div3A_260 : vector<256x1xf32>
    %add3A_262 = arith.constant 9.99999974E-6 : f32
    %add3A_263 = vector.broadcast %add3A_262 : f32 to vector<256x1xf32>
    %add3A_264 = arith.addf %div3A_261, %add3A_263 : vector<256x1xf32>
    %rsqrt3A_265 = math.rsqrt %add3A_264 : vector<256x1xf32>
    %mul3A_266 = vector.broadcast %rsqrt3A_265 : vector<256x1xf32> to vector<256x64xf32>
    %mul3A_267 = arith.mulf %slice3A_251, %mul3A_266 : vector<256x64xf32>
    %mul3A_268 = vector.broadcast %get3A_254 : vector<1x64xf32> to vector<256x64xf32>
    %mul3A_269 = arith.mulf %mul3A_267, %mul3A_268 : vector<256x64xf32>
    %slice3A_270 = vector.extract_strided_slice %mul3A_269 {offsets = [0, 0], sizes = [256, 32], strides = [1, 1]} : vector<256x64xf32> to vector<256x32xf32>
    %slice3A_271 = vector.extract_strided_slice %mul3A_269 {offsets = [0, 32], sizes = [256, 32], strides = [1, 1]} : vector<256x64xf32> to vector<256x32xf32>
    %mul3A_272 = arith.mulf %mul3A_269, %get3A_26 : vector<256x64xf32>
    %neg3A_273 = arith.constant 0.000000e+00 : f32
    %neg3A_274 = vector.broadcast %neg3A_273 : f32 to vector<256x32xf32>
    %neg3A_275 = arith.subf %neg3A_274, %slice3A_271 : vector<256x32xf32>
    %concatenate3A_276 = tpu.concatenate %neg3A_275, %slice3A_270 in 1 : vector<256x32xf32>, vector<256x32xf32> -> vector<256x64xf32>
    %mul3A_277 = arith.mulf %concatenate3A_276, %get3A_29 : vector<256x64xf32>
    %add3A_278 = arith.addf %mul3A_272, %mul3A_277 : vector<256x64xf32>
    %slice3A_279 = vector.extract_strided_slice %dot_general3A_23 {offsets = [0, 576], sizes = [256, 64], strides = [1, 1]} : vector<256x1536xf32> to vector<256x64xf32>
    %get3A_280 = arith.constant 0 : index
    %get3A_281 = arith.constant 0 : index
    %get3A_282 = vector.load %arg7[%get3A_280, %get3A_281] : memref<1x64xf32, #tpu.memory_space<vmem>>, vector<1x64xf32>
    %mul3A_283 = arith.mulf %slice3A_279, %slice3A_279 : vector<256x64xf32>
    %reduce_sum3A_284 = arith.constant dense<0.000000e+00> : vector<256xf32>
    %reduce_sum3A_285 = vector.multi_reduction <add>, %mul3A_283, %reduce_sum3A_284 [1] : vector<256x64xf32> to vector<256xf32>
    %broadcast_in_dim3A_286 = vector.shape_cast %reduce_sum3A_285 : vector<256xf32> to vector<256x1xf32>
    %div3A_287 = arith.constant 6.400000e+01 : f32
    %div3A_288 = vector.broadcast %div3A_287 : f32 to vector<256x1xf32>
    %div3A_289 = arith.divf %broadcast_in_dim3A_286, %div3A_288 : vector<256x1xf32>
    %add3A_290 = arith.constant 9.99999974E-6 : f32
    %add3A_291 = vector.broadcast %add3A_290 : f32 to vector<256x1xf32>
    %add3A_292 = arith.addf %div3A_289, %add3A_291 : vector<256x1xf32>
    %rsqrt3A_293 = math.rsqrt %add3A_292 : vector<256x1xf32>
    %mul3A_294 = vector.broadcast %rsqrt3A_293 : vector<256x1xf32> to vector<256x64xf32>
    %mul3A_295 = arith.mulf %slice3A_279, %mul3A_294 : vector<256x64xf32>
    %mul3A_296 = vector.broadcast %get3A_282 : vector<1x64xf32> to vector<256x64xf32>
    %mul3A_297 = arith.mulf %mul3A_295, %mul3A_296 : vector<256x64xf32>
    %slice3A_298 = vector.extract_strided_slice %mul3A_297 {offsets = [0, 0], sizes = [256, 32], strides = [1, 1]} : vector<256x64xf32> to vector<256x32xf32>
    %slice3A_299 = vector.extract_strided_slice %mul3A_297 {offsets = [0, 32], sizes = [256, 32], strides = [1, 1]} : vector<256x64xf32> to vector<256x32xf32>
    %mul3A_300 = arith.mulf %mul3A_297, %get3A_26 : vector<256x64xf32>
    %neg3A_301 = arith.constant 0.000000e+00 : f32
    %neg3A_302 = vector.broadcast %neg3A_301 : f32 to vector<256x32xf32>
    %neg3A_303 = arith.subf %neg3A_302, %slice3A_299 : vector<256x32xf32>
    %concatenate3A_304 = tpu.concatenate %neg3A_303, %slice3A_298 in 1 : vector<256x32xf32>, vector<256x32xf32> -> vector<256x64xf32>
    %mul3A_305 = arith.mulf %concatenate3A_304, %get3A_29 : vector<256x64xf32>
    %add3A_306 = arith.addf %mul3A_300, %mul3A_305 : vector<256x64xf32>
    %slice3A_307 = vector.extract_strided_slice %dot_general3A_23 {offsets = [0, 640], sizes = [256, 64], strides = [1, 1]} : vector<256x1536xf32> to vector<256x64xf32>
    %get3A_308 = arith.constant 0 : index
    %get3A_309 = arith.constant 0 : index
    %get3A_310 = vector.load %arg7[%get3A_308, %get3A_309] : memref<1x64xf32, #tpu.memory_space<vmem>>, vector<1x64xf32>
    %mul3A_311 = arith.mulf %slice3A_307, %slice3A_307 : vector<256x64xf32>
    %reduce_sum3A_312 = arith.constant dense<0.000000e+00> : vector<256xf32>
    %reduce_sum3A_313 = vector.multi_reduction <add>, %mul3A_311, %reduce_sum3A_312 [1] : vector<256x64xf32> to vector<256xf32>
    %broadcast_in_dim3A_314 = vector.shape_cast %reduce_sum3A_313 : vector<256xf32> to vector<256x1xf32>
    %div3A_315 = arith.constant 6.400000e+01 : f32
    %div3A_316 = vector.broadcast %div3A_315 : f32 to vector<256x1xf32>
    %div3A_317 = arith.divf %broadcast_in_dim3A_314, %div3A_316 : vector<256x1xf32>
    %add3A_318 = arith.constant 9.99999974E-6 : f32
    %add3A_319 = vector.broadcast %add3A_318 : f32 to vector<256x1xf32>
    %add3A_320 = arith.addf %div3A_317, %add3A_319 : vector<256x1xf32>
    %rsqrt3A_321 = math.rsqrt %add3A_320 : vector<256x1xf32>
    %mul3A_322 = vector.broadcast %rsqrt3A_321 : vector<256x1xf32> to vector<256x64xf32>
    %mul3A_323 = arith.mulf %slice3A_307, %mul3A_322 : vector<256x64xf32>
    %mul3A_324 = vector.broadcast %get3A_310 : vector<1x64xf32> to vector<256x64xf32>
    %mul3A_325 = arith.mulf %mul3A_323, %mul3A_324 : vector<256x64xf32>
    %slice3A_326 = vector.extract_strided_slice %mul3A_325 {offsets = [0, 0], sizes = [256, 32], strides = [1, 1]} : vector<256x64xf32> to vector<256x32xf32>
    %slice3A_327 = vector.extract_strided_slice %mul3A_325 {offsets = [0, 32], sizes = [256, 32], strides = [1, 1]} : vector<256x64xf32> to vector<256x32xf32>
    %mul3A_328 = arith.mulf %mul3A_325, %get3A_26 : vector<256x64xf32>
    %neg3A_329 = arith.constant 0.000000e+00 : f32
    %neg3A_330 = vector.broadcast %neg3A_329 : f32 to vector<256x32xf32>
    %neg3A_331 = arith.subf %neg3A_330, %slice3A_327 : vector<256x32xf32>
    %concatenate3A_332 = tpu.concatenate %neg3A_331, %slice3A_326 in 1 : vector<256x32xf32>, vector<256x32xf32> -> vector<256x64xf32>
    %mul3A_333 = arith.mulf %concatenate3A_332, %get3A_29 : vector<256x64xf32>
    %add3A_334 = arith.addf %mul3A_328, %mul3A_333 : vector<256x64xf32>
    %slice3A_335 = vector.extract_strided_slice %dot_general3A_23 {offsets = [0, 704], sizes = [256, 64], strides = [1, 1]} : vector<256x1536xf32> to vector<256x64xf32>
    %get3A_336 = arith.constant 0 : index
    %get3A_337 = arith.constant 0 : index
    %get3A_338 = vector.load %arg7[%get3A_336, %get3A_337] : memref<1x64xf32, #tpu.memory_space<vmem>>, vector<1x64xf32>
    %mul3A_339 = arith.mulf %slice3A_335, %slice3A_335 : vector<256x64xf32>
    %reduce_sum3A_340 = arith.constant dense<0.000000e+00> : vector<256xf32>
    %reduce_sum3A_341 = vector.multi_reduction <add>, %mul3A_339, %reduce_sum3A_340 [1] : vector<256x64xf32> to vector<256xf32>
    %broadcast_in_dim3A_342 = vector.shape_cast %reduce_sum3A_341 : vector<256xf32> to vector<256x1xf32>
    %div3A_343 = arith.constant 6.400000e+01 : f32
    %div3A_344 = vector.broadcast %div3A_343 : f32 to vector<256x1xf32>
    %div3A_345 = arith.divf %broadcast_in_dim3A_342, %div3A_344 : vector<256x1xf32>
    %add3A_346 = arith.constant 9.99999974E-6 : f32
    %add3A_347 = vector.broadcast %add3A_346 : f32 to vector<256x1xf32>
    %add3A_348 = arith.addf %div3A_345, %add3A_347 : vector<256x1xf32>
    %rsqrt3A_349 = math.rsqrt %add3A_348 : vector<256x1xf32>
    %mul3A_350 = vector.broadcast %rsqrt3A_349 : vector<256x1xf32> to vector<256x64xf32>
    %mul3A_351 = arith.mulf %slice3A_335, %mul3A_350 : vector<256x64xf32>
    %mul3A_352 = vector.broadcast %get3A_338 : vector<1x64xf32> to vector<256x64xf32>
    %mul3A_353 = arith.mulf %mul3A_351, %mul3A_352 : vector<256x64xf32>
    %slice3A_354 = vector.extract_strided_slice %mul3A_353 {offsets = [0, 0], sizes = [256, 32], strides = [1, 1]} : vector<256x64xf32> to vector<256x32xf32>
    %slice3A_355 = vector.extract_strided_slice %mul3A_353 {offsets = [0, 32], sizes = [256, 32], strides = [1, 1]} : vector<256x64xf32> to vector<256x32xf32>
    %mul3A_356 = arith.mulf %mul3A_353, %get3A_26 : vector<256x64xf32>
    %neg3A_357 = arith.constant 0.000000e+00 : f32
    %neg3A_358 = vector.broadcast %neg3A_357 : f32 to vector<256x32xf32>
    %neg3A_359 = arith.subf %neg3A_358, %slice3A_355 : vector<256x32xf32>
    %concatenate3A_360 = tpu.concatenate %neg3A_359, %slice3A_354 in 1 : vector<256x32xf32>, vector<256x32xf32> -> vector<256x64xf32>
    %mul3A_361 = arith.mulf %concatenate3A_360, %get3A_29 : vector<256x64xf32>
    %add3A_362 = arith.addf %mul3A_356, %mul3A_361 : vector<256x64xf32>
    %slice3A_363 = vector.extract_strided_slice %dot_general3A_23 {offsets = [0, 768], sizes = [256, 64], strides = [1, 1]} : vector<256x1536xf32> to vector<256x64xf32>
    %get3A_364 = arith.constant 0 : index
    %get3A_365 = arith.constant 0 : index
    %get3A_366 = vector.load %arg7[%get3A_364, %get3A_365] : memref<1x64xf32, #tpu.memory_space<vmem>>, vector<1x64xf32>
    %mul3A_367 = arith.mulf %slice3A_363, %slice3A_363 : vector<256x64xf32>
    %reduce_sum3A_368 = arith.constant dense<0.000000e+00> : vector<256xf32>
    %reduce_sum3A_369 = vector.multi_reduction <add>, %mul3A_367, %reduce_sum3A_368 [1] : vector<256x64xf32> to vector<256xf32>
    %broadcast_in_dim3A_370 = vector.shape_cast %reduce_sum3A_369 : vector<256xf32> to vector<256x1xf32>
    %div3A_371 = arith.constant 6.400000e+01 : f32
    %div3A_372 = vector.broadcast %div3A_371 : f32 to vector<256x1xf32>
    %div3A_373 = arith.divf %broadcast_in_dim3A_370, %div3A_372 : vector<256x1xf32>
    %add3A_374 = arith.constant 9.99999974E-6 : f32
    %add3A_375 = vector.broadcast %add3A_374 : f32 to vector<256x1xf32>
    %add3A_376 = arith.addf %div3A_373, %add3A_375 : vector<256x1xf32>
    %rsqrt3A_377 = math.rsqrt %add3A_376 : vector<256x1xf32>
    %mul3A_378 = vector.broadcast %rsqrt3A_377 : vector<256x1xf32> to vector<256x64xf32>
    %mul3A_379 = arith.mulf %slice3A_363, %mul3A_378 : vector<256x64xf32>
    %mul3A_380 = vector.broadcast %get3A_366 : vector<1x64xf32> to vector<256x64xf32>
    %mul3A_381 = arith.mulf %mul3A_379, %mul3A_380 : vector<256x64xf32>
    %slice3A_382 = vector.extract_strided_slice %mul3A_381 {offsets = [0, 0], sizes = [256, 32], strides = [1, 1]} : vector<256x64xf32> to vector<256x32xf32>
    %slice3A_383 = vector.extract_strided_slice %mul3A_381 {offsets = [0, 32], sizes = [256, 32], strides = [1, 1]} : vector<256x64xf32> to vector<256x32xf32>
    %mul3A_384 = arith.mulf %mul3A_381, %get3A_26 : vector<256x64xf32>
    %neg3A_385 = arith.constant 0.000000e+00 : f32
    %neg3A_386 = vector.broadcast %neg3A_385 : f32 to vector<256x32xf32>
    %neg3A_387 = arith.subf %neg3A_386, %slice3A_383 : vector<256x32xf32>
    %concatenate3A_388 = tpu.concatenate %neg3A_387, %slice3A_382 in 1 : vector<256x32xf32>, vector<256x32xf32> -> vector<256x64xf32>
    %mul3A_389 = arith.mulf %concatenate3A_388, %get3A_29 : vector<256x64xf32>
    %add3A_390 = arith.addf %mul3A_384, %mul3A_389 : vector<256x64xf32>
    %slice3A_391 = vector.extract_strided_slice %dot_general3A_23 {offsets = [0, 832], sizes = [256, 64], strides = [1, 1]} : vector<256x1536xf32> to vector<256x64xf32>
    %get3A_392 = arith.constant 0 : index
    %get3A_393 = arith.constant 0 : index
    %get3A_394 = vector.load %arg7[%get3A_392, %get3A_393] : memref<1x64xf32, #tpu.memory_space<vmem>>, vector<1x64xf32>
    %mul3A_395 = arith.mulf %slice3A_391, %slice3A_391 : vector<256x64xf32>
    %reduce_sum3A_396 = arith.constant dense<0.000000e+00> : vector<256xf32>
    %reduce_sum3A_397 = vector.multi_reduction <add>, %mul3A_395, %reduce_sum3A_396 [1] : vector<256x64xf32> to vector<256xf32>
    %broadcast_in_dim3A_398 = vector.shape_cast %reduce_sum3A_397 : vector<256xf32> to vector<256x1xf32>
    %div3A_399 = arith.constant 6.400000e+01 : f32
    %div3A_400 = vector.broadcast %div3A_399 : f32 to vector<256x1xf32>
    %div3A_401 = arith.divf %broadcast_in_dim3A_398, %div3A_400 : vector<256x1xf32>
    %add3A_402 = arith.constant 9.99999974E-6 : f32
    %add3A_403 = vector.broadcast %add3A_402 : f32 to vector<256x1xf32>
    %add3A_404 = arith.addf %div3A_401, %add3A_403 : vector<256x1xf32>
    %rsqrt3A_405 = math.rsqrt %add3A_404 : vector<256x1xf32>
    %mul3A_406 = vector.broadcast %rsqrt3A_405 : vector<256x1xf32> to vector<256x64xf32>
    %mul3A_407 = arith.mulf %slice3A_391, %mul3A_406 : vector<256x64xf32>
    %mul3A_408 = vector.broadcast %get3A_394 : vector<1x64xf32> to vector<256x64xf32>
    %mul3A_409 = arith.mulf %mul3A_407, %mul3A_408 : vector<256x64xf32>
    %slice3A_410 = vector.extract_strided_slice %mul3A_409 {offsets = [0, 0], sizes = [256, 32], strides = [1, 1]} : vector<256x64xf32> to vector<256x32xf32>
    %slice3A_411 = vector.extract_strided_slice %mul3A_409 {offsets = [0, 32], sizes = [256, 32], strides = [1, 1]} : vector<256x64xf32> to vector<256x32xf32>
    %mul3A_412 = arith.mulf %mul3A_409, %get3A_26 : vector<256x64xf32>
    %neg3A_413 = arith.constant 0.000000e+00 : f32
    %neg3A_414 = vector.broadcast %neg3A_413 : f32 to vector<256x32xf32>
    %neg3A_415 = arith.subf %neg3A_414, %slice3A_411 : vector<256x32xf32>
    %concatenate3A_416 = tpu.concatenate %neg3A_415, %slice3A_410 in 1 : vector<256x32xf32>, vector<256x32xf32> -> vector<256x64xf32>
    %mul3A_417 = arith.mulf %concatenate3A_416, %get3A_29 : vector<256x64xf32>
    %add3A_418 = arith.addf %mul3A_412, %mul3A_417 : vector<256x64xf32>
    %slice3A_419 = vector.extract_strided_slice %dot_general3A_23 {offsets = [0, 896], sizes = [256, 64], strides = [1, 1]} : vector<256x1536xf32> to vector<256x64xf32>
    %get3A_420 = arith.constant 0 : index
    %get3A_421 = arith.constant 0 : index
    %get3A_422 = vector.load %arg7[%get3A_420, %get3A_421] : memref<1x64xf32, #tpu.memory_space<vmem>>, vector<1x64xf32>
    %mul3A_423 = arith.mulf %slice3A_419, %slice3A_419 : vector<256x64xf32>
    %reduce_sum3A_424 = arith.constant dense<0.000000e+00> : vector<256xf32>
    %reduce_sum3A_425 = vector.multi_reduction <add>, %mul3A_423, %reduce_sum3A_424 [1] : vector<256x64xf32> to vector<256xf32>
    %broadcast_in_dim3A_426 = vector.shape_cast %reduce_sum3A_425 : vector<256xf32> to vector<256x1xf32>
    %div3A_427 = arith.constant 6.400000e+01 : f32
    %div3A_428 = vector.broadcast %div3A_427 : f32 to vector<256x1xf32>
    %div3A_429 = arith.divf %broadcast_in_dim3A_426, %div3A_428 : vector<256x1xf32>
    %add3A_430 = arith.constant 9.99999974E-6 : f32
    %add3A_431 = vector.broadcast %add3A_430 : f32 to vector<256x1xf32>
    %add3A_432 = arith.addf %div3A_429, %add3A_431 : vector<256x1xf32>
    %rsqrt3A_433 = math.rsqrt %add3A_432 : vector<256x1xf32>
    %mul3A_434 = vector.broadcast %rsqrt3A_433 : vector<256x1xf32> to vector<256x64xf32>
    %mul3A_435 = arith.mulf %slice3A_419, %mul3A_434 : vector<256x64xf32>
    %mul3A_436 = vector.broadcast %get3A_422 : vector<1x64xf32> to vector<256x64xf32>
    %mul3A_437 = arith.mulf %mul3A_435, %mul3A_436 : vector<256x64xf32>
    %slice3A_438 = vector.extract_strided_slice %mul3A_437 {offsets = [0, 0], sizes = [256, 32], strides = [1, 1]} : vector<256x64xf32> to vector<256x32xf32>
    %slice3A_439 = vector.extract_strided_slice %mul3A_437 {offsets = [0, 32], sizes = [256, 32], strides = [1, 1]} : vector<256x64xf32> to vector<256x32xf32>
    %mul3A_440 = arith.mulf %mul3A_437, %get3A_26 : vector<256x64xf32>
    %neg3A_441 = arith.constant 0.000000e+00 : f32
    %neg3A_442 = vector.broadcast %neg3A_441 : f32 to vector<256x32xf32>
    %neg3A_443 = arith.subf %neg3A_442, %slice3A_439 : vector<256x32xf32>
    %concatenate3A_444 = tpu.concatenate %neg3A_443, %slice3A_438 in 1 : vector<256x32xf32>, vector<256x32xf32> -> vector<256x64xf32>
    %mul3A_445 = arith.mulf %concatenate3A_444, %get3A_29 : vector<256x64xf32>
    %add3A_446 = arith.addf %mul3A_440, %mul3A_445 : vector<256x64xf32>
    %slice3A_447 = vector.extract_strided_slice %dot_general3A_23 {offsets = [0, 960], sizes = [256, 64], strides = [1, 1]} : vector<256x1536xf32> to vector<256x64xf32>
    %get3A_448 = arith.constant 0 : index
    %get3A_449 = arith.constant 0 : index
    %get3A_450 = vector.load %arg7[%get3A_448, %get3A_449] : memref<1x64xf32, #tpu.memory_space<vmem>>, vector<1x64xf32>
    %mul3A_451 = arith.mulf %slice3A_447, %slice3A_447 : vector<256x64xf32>
    %reduce_sum3A_452 = arith.constant dense<0.000000e+00> : vector<256xf32>
    %reduce_sum3A_453 = vector.multi_reduction <add>, %mul3A_451, %reduce_sum3A_452 [1] : vector<256x64xf32> to vector<256xf32>
    %broadcast_in_dim3A_454 = vector.shape_cast %reduce_sum3A_453 : vector<256xf32> to vector<256x1xf32>
    %div3A_455 = arith.constant 6.400000e+01 : f32
    %div3A_456 = vector.broadcast %div3A_455 : f32 to vector<256x1xf32>
    %div3A_457 = arith.divf %broadcast_in_dim3A_454, %div3A_456 : vector<256x1xf32>
    %add3A_458 = arith.constant 9.99999974E-6 : f32
    %add3A_459 = vector.broadcast %add3A_458 : f32 to vector<256x1xf32>
    %add3A_460 = arith.addf %div3A_457, %add3A_459 : vector<256x1xf32>
    %rsqrt3A_461 = math.rsqrt %add3A_460 : vector<256x1xf32>
    %mul3A_462 = vector.broadcast %rsqrt3A_461 : vector<256x1xf32> to vector<256x64xf32>
    %mul3A_463 = arith.mulf %slice3A_447, %mul3A_462 : vector<256x64xf32>
    %mul3A_464 = vector.broadcast %get3A_450 : vector<1x64xf32> to vector<256x64xf32>
    %mul3A_465 = arith.mulf %mul3A_463, %mul3A_464 : vector<256x64xf32>
    %slice3A_466 = vector.extract_strided_slice %mul3A_465 {offsets = [0, 0], sizes = [256, 32], strides = [1, 1]} : vector<256x64xf32> to vector<256x32xf32>
    %slice3A_467 = vector.extract_strided_slice %mul3A_465 {offsets = [0, 32], sizes = [256, 32], strides = [1, 1]} : vector<256x64xf32> to vector<256x32xf32>
    %mul3A_468 = arith.mulf %mul3A_465, %get3A_26 : vector<256x64xf32>
    %neg3A_469 = arith.constant 0.000000e+00 : f32
    %neg3A_470 = vector.broadcast %neg3A_469 : f32 to vector<256x32xf32>
    %neg3A_471 = arith.subf %neg3A_470, %slice3A_467 : vector<256x32xf32>
    %concatenate3A_472 = tpu.concatenate %neg3A_471, %slice3A_466 in 1 : vector<256x32xf32>, vector<256x32xf32> -> vector<256x64xf32>
    %mul3A_473 = arith.mulf %concatenate3A_472, %get3A_29 : vector<256x64xf32>
    %add3A_474 = arith.addf %mul3A_468, %mul3A_473 : vector<256x64xf32>
    %concatenate3A_475 = tpu.concatenate %add3A_54, %add3A_82, %add3A_110, %add3A_138, %add3A_166, %add3A_194, %add3A_222, %add3A_250, %add3A_278, %add3A_306, %add3A_334, %add3A_362, %add3A_390, %add3A_418, %add3A_446, %add3A_474 in 1 : vector<256x64xf32>, vector<256x64xf32>, vector<256x64xf32>, vector<256x64xf32>, vector<256x64xf32>, vector<256x64xf32>, vector<256x64xf32>, vector<256x64xf32>, vector<256x64xf32>, vector<256x64xf32>, vector<256x64xf32>, vector<256x64xf32>, vector<256x64xf32>, vector<256x64xf32>, vector<256x64xf32>, vector<256x64xf32> -> vector<256x1024xf32>
    %swap3A_476 = arith.constant 0 : index
    %swap3A_477 = arith.constant 0 : index
    %swap3A_478 = vector.load %arg10[%swap3A_476, %swap3A_477] : memref<256x1024xf32, #tpu.memory_space<vmem>>, vector<256x1024xf32>
    tpu.vector_store %arg10[%swap3A_476, %swap3A_477], %concatenate3A_475 {strides = array<i32>} : memref<256x1024xf32, #tpu.memory_space<vmem>>, vector<256x1024xf32>,
    %slice3A_479 = vector.extract_strided_slice %dot_general3A_23 {offsets = [0, 1024], sizes = [256, 64], strides = [1, 1]} : vector<256x1536xf32> to vector<256x64xf32>
    %get3A_480 = arith.constant 0 : index
    %get3A_481 = arith.constant 0 : index
    %get3A_482 = vector.load %arg8[%get3A_480, %get3A_481] : memref<1x64xf32, #tpu.memory_space<vmem>>, vector<1x64xf32>
    %mul3A_483 = arith.mulf %slice3A_479, %slice3A_479 : vector<256x64xf32>
    %reduce_sum3A_484 = arith.constant dense<0.000000e+00> : vector<256xf32>
    %reduce_sum3A_485 = vector.multi_reduction <add>, %mul3A_483, %reduce_sum3A_484 [1] : vector<256x64xf32> to vector<256xf32>
    %broadcast_in_dim3A_486 = vector.shape_cast %reduce_sum3A_485 : vector<256xf32> to vector<256x1xf32>
    %div3A_487 = arith.constant 6.400000e+01 : f32
    %div3A_488 = vector.broadcast %div3A_487 : f32 to vector<256x1xf32>
    %div3A_489 = arith.divf %broadcast_in_dim3A_486, %div3A_488 : vector<256x1xf32>
    %add3A_490 = arith.constant 9.99999974E-6 : f32
    %add3A_491 = vector.broadcast %add3A_490 : f32 to vector<256x1xf32>
    %add3A_492 = arith.addf %div3A_489, %add3A_491 : vector<256x1xf32>
    %rsqrt3A_493 = math.rsqrt %add3A_492 : vector<256x1xf32>
    %mul3A_494 = vector.broadcast %rsqrt3A_493 : vector<256x1xf32> to vector<256x64xf32>
    %mul3A_495 = arith.mulf %slice3A_479, %mul3A_494 : vector<256x64xf32>
    %mul3A_496 = vector.broadcast %get3A_482 : vector<1x64xf32> to vector<256x64xf32>
    %mul3A_497 = arith.mulf %mul3A_495, %mul3A_496 : vector<256x64xf32>
    %slice3A_498 = vector.extract_strided_slice %mul3A_497 {offsets = [0, 0], sizes = [256, 32], strides = [1, 1]} : vector<256x64xf32> to vector<256x32xf32>
    %slice3A_499 = vector.extract_strided_slice %mul3A_497 {offsets = [0, 32], sizes = [256, 32], strides = [1, 1]} : vector<256x64xf32> to vector<256x32xf32>
    %mul3A_500 = arith.mulf %mul3A_497, %get3A_26 : vector<256x64xf32>
    %neg3A_501 = arith.constant 0.000000e+00 : f32
    %neg3A_502 = vector.broadcast %neg3A_501 : f32 to vector<256x32xf32>
    %neg3A_503 = arith.subf %neg3A_502, %slice3A_499 : vector<256x32xf32>
    %concatenate3A_504 = tpu.concatenate %neg3A_503, %slice3A_498 in 1 : vector<256x32xf32>, vector<256x32xf32> -> vector<256x64xf32>
    %mul3A_505 = arith.mulf %concatenate3A_504, %get3A_29 : vector<256x64xf32>
    %add3A_506 = arith.addf %mul3A_500, %mul3A_505 : vector<256x64xf32>
    %slice3A_507 = vector.extract_strided_slice %dot_general3A_23 {offsets = [0, 1088], sizes = [256, 64], strides = [1, 1]} : vector<256x1536xf32> to vector<256x64xf32>
    %get3A_508 = arith.constant 0 : index
    %get3A_509 = arith.constant 0 : index
    %get3A_510 = vector.load %arg8[%get3A_508, %get3A_509] : memref<1x64xf32, #tpu.memory_space<vmem>>, vector<1x64xf32>
    %mul3A_511 = arith.mulf %slice3A_507, %slice3A_507 : vector<256x64xf32>
    %reduce_sum3A_512 = arith.constant dense<0.000000e+00> : vector<256xf32>
    %reduce_sum3A_513 = vector.multi_reduction <add>, %mul3A_511, %reduce_sum3A_512 [1] : vector<256x64xf32> to vector<256xf32>
    %broadcast_in_dim3A_514 = vector.shape_cast %reduce_sum3A_513 : vector<256xf32> to vector<256x1xf32>
    %div3A_515 = arith.constant 6.400000e+01 : f32
    %div3A_516 = vector.broadcast %div3A_515 : f32 to vector<256x1xf32>
    %div3A_517 = arith.divf %broadcast_in_dim3A_514, %div3A_516 : vector<256x1xf32>
    %add3A_518 = arith.constant 9.99999974E-6 : f32
    %add3A_519 = vector.broadcast %add3A_518 : f32 to vector<256x1xf32>
    %add3A_520 = arith.addf %div3A_517, %add3A_519 : vector<256x1xf32>
    %rsqrt3A_521 = math.rsqrt %add3A_520 : vector<256x1xf32>
    %mul3A_522 = vector.broadcast %rsqrt3A_521 : vector<256x1xf32> to vector<256x64xf32>
    %mul3A_523 = arith.mulf %slice3A_507, %mul3A_522 : vector<256x64xf32>
    %mul3A_524 = vector.broadcast %get3A_510 : vector<1x64xf32> to vector<256x64xf32>
    %mul3A_525 = arith.mulf %mul3A_523, %mul3A_524 : vector<256x64xf32>
    %slice3A_526 = vector.extract_strided_slice %mul3A_525 {offsets = [0, 0], sizes = [256, 32], strides = [1, 1]} : vector<256x64xf32> to vector<256x32xf32>
    %slice3A_527 = vector.extract_strided_slice %mul3A_525 {offsets = [0, 32], sizes = [256, 32], strides = [1, 1]} : vector<256x64xf32> to vector<256x32xf32>
    %mul3A_528 = arith.mulf %mul3A_525, %get3A_26 : vector<256x64xf32>
    %neg3A_529 = arith.constant 0.000000e+00 : f32
    %neg3A_530 = vector.broadcast %neg3A_529 : f32 to vector<256x32xf32>
    %neg3A_531 = arith.subf %neg3A_530, %slice3A_527 : vector<256x32xf32>
    %concatenate3A_532 = tpu.concatenate %neg3A_531, %slice3A_526 in 1 : vector<256x32xf32>, vector<256x32xf32> -> vector<256x64xf32>
    %mul3A_533 = arith.mulf %concatenate3A_532, %get3A_29 : vector<256x64xf32>
    %add3A_534 = arith.addf %mul3A_528, %mul3A_533 : vector<256x64xf32>
    %slice3A_535 = vector.extract_strided_slice %dot_general3A_23 {offsets = [0, 1152], sizes = [256, 64], strides = [1, 1]} : vector<256x1536xf32> to vector<256x64xf32>
    %get3A_536 = arith.constant 0 : index
    %get3A_537 = arith.constant 0 : index
    %get3A_538 = vector.load %arg8[%get3A_536, %get3A_537] : memref<1x64xf32, #tpu.memory_space<vmem>>, vector<1x64xf32>
    %mul3A_539 = arith.mulf %slice3A_535, %slice3A_535 : vector<256x64xf32>
    %reduce_sum3A_540 = arith.constant dense<0.000000e+00> : vector<256xf32>
    %reduce_sum3A_541 = vector.multi_reduction <add>, %mul3A_539, %reduce_sum3A_540 [1] : vector<256x64xf32> to vector<256xf32>
    %broadcast_in_dim3A_542 = vector.shape_cast %reduce_sum3A_541 : vector<256xf32> to vector<256x1xf32>
    %div3A_543 = arith.constant 6.400000e+01 : f32
    %div3A_544 = vector.broadcast %div3A_543 : f32 to vector<256x1xf32>
    %div3A_545 = arith.divf %broadcast_in_dim3A_542, %div3A_544 : vector<256x1xf32>
    %add3A_546 = arith.constant 9.99999974E-6 : f32
    %add3A_547 = vector.broadcast %add3A_546 : f32 to vector<256x1xf32>
    %add3A_548 = arith.addf %div3A_545, %add3A_547 : vector<256x1xf32>
    %rsqrt3A_549 = math.rsqrt %add3A_548 : vector<256x1xf32>
    %mul3A_550 = vector.broadcast %rsqrt3A_549 : vector<256x1xf32> to vector<256x64xf32>
    %mul3A_551 = arith.mulf %slice3A_535, %mul3A_550 : vector<256x64xf32>
    %mul3A_552 = vector.broadcast %get3A_538 : vector<1x64xf32> to vector<256x64xf32>
    %mul3A_553 = arith.mulf %mul3A_551, %mul3A_552 : vector<256x64xf32>
    %slice3A_554 = vector.extract_strided_slice %mul3A_553 {offsets = [0, 0], sizes = [256, 32], strides = [1, 1]} : vector<256x64xf32> to vector<256x32xf32>
    %slice3A_555 = vector.extract_strided_slice %mul3A_553 {offsets = [0, 32], sizes = [256, 32], strides = [1, 1]} : vector<256x64xf32> to vector<256x32xf32>
    %mul3A_556 = arith.mulf %mul3A_553, %get3A_26 : vector<256x64xf32>
    %neg3A_557 = arith.constant 0.000000e+00 : f32
    %neg3A_558 = vector.broadcast %neg3A_557 : f32 to vector<256x32xf32>
    %neg3A_559 = arith.subf %neg3A_558, %slice3A_555 : vector<256x32xf32>
    %concatenate3A_560 = tpu.concatenate %neg3A_559, %slice3A_554 in 1 : vector<256x32xf32>, vector<256x32xf32> -> vector<256x64xf32>
    %mul3A_561 = arith.mulf %concatenate3A_560, %get3A_29 : vector<256x64xf32>
    %add3A_562 = arith.addf %mul3A_556, %mul3A_561 : vector<256x64xf32>
    %slice3A_563 = vector.extract_strided_slice %dot_general3A_23 {offsets = [0, 1216], sizes = [256, 64], strides = [1, 1]} : vector<256x1536xf32> to vector<256x64xf32>
    %get3A_564 = arith.constant 0 : index
    %get3A_565 = arith.constant 0 : index
    %get3A_566 = vector.load %arg8[%get3A_564, %get3A_565] : memref<1x64xf32, #tpu.memory_space<vmem>>, vector<1x64xf32>
    %mul3A_567 = arith.mulf %slice3A_563, %slice3A_563 : vector<256x64xf32>
    %reduce_sum3A_568 = arith.constant dense<0.000000e+00> : vector<256xf32>
    %reduce_sum3A_569 = vector.multi_reduction <add>, %mul3A_567, %reduce_sum3A_568 [1] : vector<256x64xf32> to vector<256xf32>
    %broadcast_in_dim3A_570 = vector.shape_cast %reduce_sum3A_569 : vector<256xf32> to vector<256x1xf32>
    %div3A_571 = arith.constant 6.400000e+01 : f32
    %div3A_572 = vector.broadcast %div3A_571 : f32 to vector<256x1xf32>
    %div3A_573 = arith.divf %broadcast_in_dim3A_570, %div3A_572 : vector<256x1xf32>
    %add3A_574 = arith.constant 9.99999974E-6 : f32
    %add3A_575 = vector.broadcast %add3A_574 : f32 to vector<256x1xf32>
    %add3A_576 = arith.addf %div3A_573, %add3A_575 : vector<256x1xf32>
    %rsqrt3A_577 = math.rsqrt %add3A_576 : vector<256x1xf32>
    %mul3A_578 = vector.broadcast %rsqrt3A_577 : vector<256x1xf32> to vector<256x64xf32>
    %mul3A_579 = arith.mulf %slice3A_563, %mul3A_578 : vector<256x64xf32>
    %mul3A_580 = vector.broadcast %get3A_566 : vector<1x64xf32> to vector<256x64xf32>
    %mul3A_581 = arith.mulf %mul3A_579, %mul3A_580 : vector<256x64xf32>
    %slice3A_582 = vector.extract_strided_slice %mul3A_581 {offsets = [0, 0], sizes = [256, 32], strides = [1, 1]} : vector<256x64xf32> to vector<256x32xf32>
    %slice3A_583 = vector.extract_strided_slice %mul3A_581 {offsets = [0, 32], sizes = [256, 32], strides = [1, 1]} : vector<256x64xf32> to vector<256x32xf32>
    %mul3A_584 = arith.mulf %mul3A_581, %get3A_26 : vector<256x64xf32>
    %neg3A_585 = arith.constant 0.000000e+00 : f32
    %neg3A_586 = vector.broadcast %neg3A_585 : f32 to vector<256x32xf32>
    %neg3A_587 = arith.subf %neg3A_586, %slice3A_583 : vector<256x32xf32>
    %concatenate3A_588 = tpu.concatenate %neg3A_587, %slice3A_582 in 1 : vector<256x32xf32>, vector<256x32xf32> -> vector<256x64xf32>
    %mul3A_589 = arith.mulf %concatenate3A_588, %get3A_29 : vector<256x64xf32>
    %add3A_590 = arith.addf %mul3A_584, %mul3A_589 : vector<256x64xf32>
    %concatenate3A_591 = tpu.concatenate %add3A_506, %add3A_534, %add3A_562, %add3A_590 in 1 : vector<256x64xf32>, vector<256x64xf32>, vector<256x64xf32>, vector<256x64xf32> -> vector<256x256xf32>
    %swap3A_592 = arith.constant 0 : index
    %swap3A_593 = arith.constant 0 : index
    %swap3A_594 = vector.load %arg11[%swap3A_592, %swap3A_593] : memref<256x256xf32, #tpu.memory_space<vmem>>, vector<256x256xf32>
    tpu.vector_store %arg11[%swap3A_592, %swap3A_593], %concatenate3A_591 {strides = array<i32>} : memref<256x256xf32, #tpu.memory_space<vmem>>, vector<256x256xf32>,
    %slice3A_595 = vector.extract_strided_slice %dot_general3A_23 {offsets = [0, 1280], sizes = [256, 256], strides = [1, 1]} : vector<256x1536xf32> to vector<256x256xf32>
    %swap3A_596 = arith.constant 0 : index
    %swap3A_597 = arith.constant 0 : index
    %swap3A_598 = vector.load %arg12[%swap3A_596, %swap3A_597] : memref<256x256xf32, #tpu.memory_space<vmem>>, vector<256x256xf32>
    tpu.vector_store %arg12[%swap3A_596, %swap3A_597], %slice3A_595 {strides = array<i32>} : memref<256x256xf32, #tpu.memory_space<vmem>>, vector<256x256xf32>,
    return
  }
  func.func @transform_0(%arg0: i32) -> (i32, i32) {
    %c0_i32 = arith.constant 0 : i32
    %c0_i32_0 = arith.constant 0 : i32
    return %arg0, %c0_i32 : i32, i32
  }
  func.func @transform_1(%arg0: i32) -> (i32, i32) {
    %c0_i32 = arith.constant 0 : i32
    %c0_i32_0 = arith.constant 0 : i32
    return %arg0, %c0_i32 : i32, i32
  }
  func.func @transform_2(%arg0: i32) -> (i32, i32) {
    %c0_i32 = arith.constant 0 : i32
    %c0_i32_0 = arith.constant 0 : i32
    return %arg0, %c0_i32 : i32, i32
  }
  func.func @transform_3(%arg0: i32) -> (i32, i32) {
    %c0_i32 = arith.constant 0 : i32
    %c0_i32_0 = arith.constant 0 : i32
    return %arg0, %c0_i32 : i32, i32
  }
  func.func @transform_4(%arg0: i32) -> (i32, i32) {
    %c0_i32 = arith.constant 0 : i32
    %c0_i32_0 = arith.constant 0 : i32
    %c0_i32_1 = arith.constant 0 : i32
    return %c0_i32, %c0_i32_0 : i32, i32
  }
  func.func @transform_5(%arg0: i32) -> (i32, i32) {
    %c0_i32 = arith.constant 0 : i32
    %c0_i32_0 = arith.constant 0 : i32
    %c0_i32_1 = arith.constant 0 : i32
    return %c0_i32, %c0_i32_0 : i32, i32
  }
  func.func @transform_6(%arg0: i32) -> (i32, i32) {
    %c0_i32 = arith.constant 0 : i32
    %c0_i32_0 = arith.constant 0 : i32
    %c0_i32_1 = arith.constant 0 : i32
    return %c0_i32, %c0_i32_0 : i32, i32
  }
  func.func @transform_7(%arg0: i32) -> (i32, i32) {
    %c0_i32 = arith.constant 0 : i32
    %c0_i32_0 = arith.constant 0 : i32
    %c0_i32_1 = arith.constant 0 : i32
    return %c0_i32, %c0_i32_0 : i32, i32
  }
  func.func @transform_8(%arg0: i32) -> (i32, i32) {
    %c0_i32 = arith.constant 0 : i32
    %c0_i32_0 = arith.constant 0 : i32
    return %arg0, %c0_i32 : i32, i32
  }
  func.func @transform_9(%arg0: i32) -> (i32, i32) {
    %c0_i32 = arith.constant 0 : i32
    %c0_i32_0 = arith.constant 0 : i32
    return %arg0, %c0_i32 : i32, i32
  }
  func.func @transform_10(%arg0: i32) -> (i32, i32) {
    %c0_i32 = arith.constant 0 : i32
    %c0_i32_0 = arith.constant 0 : i32
    return %arg0, %c0_i32 : i32, i32
  }
  func.func @transform_11(%arg0: i32) -> (i32, i32) {
    %c0_i32 = arith.constant 0 : i32
    %c0_i32_0 = arith.constant 0 : i32
    return %arg0, %c0_i32 : i32, i32
  }
}

module attributes {stable_mosaic.version = 14 : i64} {
  func.func @_epilogue_body(%arg0: i32, %arg1: memref<256x1024xf32, #tpu.memory_space<vmem>>, %arg2: memref<1024x1024xf32, #tpu.memory_space<vmem>>, %arg3: memref<256x1024xf32, #tpu.memory_space<vmem>>, %arg4: memref<1x1024xf32, #tpu.memory_space<vmem>>, %arg5: memref<64x1024xf32, #tpu.memory_space<vmem>>, %arg6: memref<1x64xf32, #tpu.memory_space<vmem>>, %arg7: memref<256x1024xf32, #tpu.memory_space<vmem>>, %arg8: memref<256x1024xf32, #tpu.memory_space<vmem>>, %arg9: memref<256x2xi32, #tpu.memory_space<vmem>>, %arg10: memref<256x2xf32, #tpu.memory_space<vmem>>) attributes {dimension_semantics = [#tpu.dimension_semantics<arbitrary>], iteration_bounds = array<i64: 8>, scalar_prefetch = 0 : i64, scratch_operands = 0 : i64, tpu.core_type = #tpu.core_type<tc>, window_params = [{transform_indices = @transform_0, window_bounds = array<i64: 256, 1024>}, {pipeline_mode = #tpu.pipeline_mode<synchronous>, transform_indices = @transform_1, window_bounds = array<i64: 1024, 1024>}, {transform_indices = @transform_2, window_bounds = array<i64: 256, 1024>}, {pipeline_mode = #tpu.pipeline_mode<synchronous>, transform_indices = @transform_3, window_bounds = array<i64: 1, 1024>}, {pipeline_mode = #tpu.pipeline_mode<synchronous>, transform_indices = @transform_4, window_bounds = array<i64: 64, 1024>}, {pipeline_mode = #tpu.pipeline_mode<synchronous>, transform_indices = @transform_5, window_bounds = array<i64: 1, 64>}, {transform_indices = @transform_6, window_bounds = array<i64: 256, 1024>}, {transform_indices = @transform_7, window_bounds = array<i64: 256, 1024>}, {transform_indices = @transform_8, window_bounds = array<i64: 256, 2>}, {transform_indices = @transform_9, window_bounds = array<i64: 256, 2>}]} {
    %get3A = arith.constant 0 : index
    %get3A_0 = arith.constant 0 : index
    %get3A_1 = vector.load %arg1[%get3A, %get3A_0] : memref<256x1024xf32, #tpu.memory_space<vmem>>, vector<256x1024xf32>
    %get3A_2 = arith.constant 0 : index
    %get3A_3 = arith.constant 0 : index
    %get3A_4 = vector.load %arg2[%get3A_2, %get3A_3] : memref<1024x1024xf32, #tpu.memory_space<vmem>>, vector<1024x1024xf32>
    %dot_general3A = arith.constant dense<0.000000e+00> : vector<256x1024xf32>
    %dot_general3A_5 = tpu.matmul %get3A_1, %get3A_4, %dot_general3A {dimension_numbers = #tpu.dot_dimension_numbers<[1], [1], [0], [0], [0, 0, 1, 0], [], []>, transpose_lhs_hint = false} : vector<256x1024xf32>, vector<1024x1024xf32>, vector<256x1024xf32> -> vector<256x1024xf32>
    %get3A_6 = arith.constant 0 : index
    %get3A_7 = arith.constant 0 : index
    %get3A_8 = vector.load %arg3[%get3A_6, %get3A_7] : memref<256x1024xf32, #tpu.memory_space<vmem>>, vector<256x1024xf32>
    %add3A = arith.addf %dot_general3A_5, %get3A_8 : vector<256x1024xf32>
    %swap3A = arith.constant 0 : index
    %swap3A_9 = arith.constant 0 : index
    %swap3A_10 = vector.load %arg7[%swap3A, %swap3A_9] : memref<256x1024xf32, #tpu.memory_space<vmem>>, vector<256x1024xf32>
    tpu.vector_store %arg7[%swap3A, %swap3A_9], %add3A {strides = array<i32>} : memref<256x1024xf32, #tpu.memory_space<vmem>>, vector<256x1024xf32>,
    %get3A_11 = arith.constant 0 : index
    %get3A_12 = arith.constant 0 : index
    %get3A_13 = vector.load %arg4[%get3A_11, %get3A_12] : memref<1x1024xf32, #tpu.memory_space<vmem>>, vector<1x1024xf32>
    %mul3A = arith.mulf %add3A, %add3A : vector<256x1024xf32>
    %reduce_sum3A = arith.constant dense<0.000000e+00> : vector<256xf32>
    %reduce_sum3A_14 = vector.multi_reduction <add>, %mul3A, %reduce_sum3A [1] : vector<256x1024xf32> to vector<256xf32>
    %broadcast_in_dim3A = vector.shape_cast %reduce_sum3A_14 : vector<256xf32> to vector<256x1xf32>
    %div3A = arith.constant 1.024000e+03 : f32
    %div3A_15 = vector.broadcast %div3A : f32 to vector<256x1xf32>
    %div3A_16 = arith.divf %broadcast_in_dim3A, %div3A_15 : vector<256x1xf32>
    %add3A_17 = arith.constant 9.99999974E-6 : f32
    %add3A_18 = vector.broadcast %add3A_17 : f32 to vector<256x1xf32>
    %add3A_19 = arith.addf %div3A_16, %add3A_18 : vector<256x1xf32>
    %rsqrt3A = math.rsqrt %add3A_19 : vector<256x1xf32>
    %mul3A_20 = vector.broadcast %rsqrt3A : vector<256x1xf32> to vector<256x1024xf32>
    %mul3A_21 = arith.mulf %add3A, %mul3A_20 : vector<256x1024xf32>
    %mul3A_22 = vector.broadcast %get3A_13 : vector<1x1024xf32> to vector<256x1024xf32>
    %mul3A_23 = arith.mulf %mul3A_21, %mul3A_22 : vector<256x1024xf32>
    %swap3A_24 = arith.constant 0 : index
    %swap3A_25 = arith.constant 0 : index
    %swap3A_26 = vector.load %arg8[%swap3A_24, %swap3A_25] : memref<256x1024xf32, #tpu.memory_space<vmem>>, vector<256x1024xf32>
    tpu.vector_store %arg8[%swap3A_24, %swap3A_25], %mul3A_23 {strides = array<i32>} : memref<256x1024xf32, #tpu.memory_space<vmem>>, vector<256x1024xf32>,
    %get3A_27 = arith.constant 0 : index
    %get3A_28 = arith.constant 0 : index
    %get3A_29 = vector.load %arg5[%get3A_27, %get3A_28] : memref<64x1024xf32, #tpu.memory_space<vmem>>, vector<64x1024xf32>
    %dot_general3A_30 = arith.constant dense<0.000000e+00> : vector<256x64xf32>
    %dot_general3A_31 = tpu.matmul %mul3A_23, %get3A_29, %dot_general3A_30 {dimension_numbers = #tpu.dot_dimension_numbers<[1], [1], [0], [0], [0, 0, 1, 0], [], []>, transpose_lhs_hint = false} : vector<256x1024xf32>, vector<64x1024xf32>, vector<256x64xf32> -> vector<256x64xf32>
    %logistic3A = arith.negf %dot_general3A_31 : vector<256x64xf32>
    %logistic3A_32 = math.exp %logistic3A : vector<256x64xf32>
    %logistic3A_33 = arith.constant 1.000000e+00 : f32
    %logistic3A_34 = vector.broadcast %logistic3A_33 : f32 to vector<256x64xf32>
    %logistic3A_35 = arith.addf %logistic3A_34, %logistic3A_32 : vector<256x64xf32>
    %logistic3A_36 = arith.divf %logistic3A_34, %logistic3A_35 : vector<256x64xf32>
    %get3A_37 = arith.constant 0 : index
    %get3A_38 = arith.constant 0 : index
    %get3A_39 = vector.load %arg6[%get3A_37, %get3A_38] : memref<1x64xf32, #tpu.memory_space<vmem>>, vector<1x64xf32>
    %add3A_40 = vector.broadcast %get3A_39 : vector<1x64xf32> to vector<256x64xf32>
    %add3A_41 = arith.addf %logistic3A_36, %add3A_40 : vector<256x64xf32>
    %iota3A = tpu.iota {dimensions = array<i32: 1>} : vector<256x64xi32>
    %reduce_max3A = arith.constant dense<0xFF800000> : vector<256xf32>
    %reduce_max3A_42 = vector.multi_reduction <maximumf>, %add3A_41, %reduce_max3A [1] : vector<256x64xf32> to vector<256xf32>
    %broadcast_in_dim3A_43 = vector.shape_cast %reduce_max3A_42 : vector<256xf32> to vector<256x1xf32>
    %eq3A = vector.broadcast %broadcast_in_dim3A_43 : vector<256x1xf32> to vector<256x64xf32>
    %eq3A_44 = arith.cmpf oeq, %add3A_41, %eq3A : vector<256x64xf32>
    %jit3A = arith.constant 64 : i32
    %broadcast_in_dim3A_45 = vector.broadcast %jit3A : i32 to vector<256x64xi32>
    %select_n3A = arith.select %eq3A_44, %iota3A, %broadcast_in_dim3A_45 : vector<256x64xi1>, vector<256x64xi32>
    %reduce_min3A = arith.constant dense<2147483647> : vector<256xi32>
    %reduce_min3A_46 = vector.multi_reduction <minsi>, %select_n3A, %reduce_min3A [1] : vector<256x64xi32> to vector<256xi32>
    %broadcast_in_dim3A_47 = vector.shape_cast %reduce_min3A_46 : vector<256xi32> to vector<256x1xi32>
    %eq3A_48 = vector.broadcast %broadcast_in_dim3A_47 : vector<256x1xi32> to vector<256x64xi32>
    %eq3A_49 = arith.cmpi eq, %iota3A, %eq3A_48 : vector<256x64xi32>
    %jit3A_50 = arith.constant 0.000000e+00 : f32
    %broadcast_in_dim3A_51 = vector.broadcast %jit3A_50 : f32 to vector<256x64xf32>
    %select_n3A_52 = arith.select %eq3A_49, %logistic3A_36, %broadcast_in_dim3A_51 : vector<256x64xi1>, vector<256x64xf32>
    %reduce_sum3A_53 = arith.constant dense<0.000000e+00> : vector<256xf32>
    %reduce_sum3A_54 = vector.multi_reduction <add>, %select_n3A_52, %reduce_sum3A_53 [1] : vector<256x64xf32> to vector<256xf32>
    %jit3A_55 = arith.constant -1.000000e+30 : f32
    %broadcast_in_dim3A_56 = vector.broadcast %jit3A_55 : f32 to vector<256x64xf32>
    %select_n3A_57 = arith.select %eq3A_49, %broadcast_in_dim3A_56, %add3A_41 : vector<256x64xi1>, vector<256x64xf32>
    %reduce_max3A_58 = arith.constant dense<0xFF800000> : vector<256xf32>
    %reduce_max3A_59 = vector.multi_reduction <maximumf>, %select_n3A_57, %reduce_max3A_58 [1] : vector<256x64xf32> to vector<256xf32>
    %broadcast_in_dim3A_60 = vector.shape_cast %reduce_max3A_59 : vector<256xf32> to vector<256x1xf32>
    %eq3A_61 = vector.broadcast %broadcast_in_dim3A_60 : vector<256x1xf32> to vector<256x64xf32>
    %eq3A_62 = arith.cmpf oeq, %select_n3A_57, %eq3A_61 : vector<256x64xf32>
    %jit3A_63 = arith.constant 64 : i32
    %broadcast_in_dim3A_64 = vector.broadcast %jit3A_63 : i32 to vector<256x64xi32>
    %select_n3A_65 = arith.select %eq3A_62, %iota3A, %broadcast_in_dim3A_64 : vector<256x64xi1>, vector<256x64xi32>
    %reduce_min3A_66 = arith.constant dense<2147483647> : vector<256xi32>
    %reduce_min3A_67 = vector.multi_reduction <minsi>, %select_n3A_65, %reduce_min3A_66 [1] : vector<256x64xi32> to vector<256xi32>
    %broadcast_in_dim3A_68 = vector.shape_cast %reduce_min3A_67 : vector<256xi32> to vector<256x1xi32>
    %eq3A_69 = vector.broadcast %broadcast_in_dim3A_68 : vector<256x1xi32> to vector<256x64xi32>
    %eq3A_70 = arith.cmpi eq, %iota3A, %eq3A_69 : vector<256x64xi32>
    %jit3A_71 = arith.constant 0.000000e+00 : f32
    %broadcast_in_dim3A_72 = vector.broadcast %jit3A_71 : f32 to vector<256x64xf32>
    %select_n3A_73 = arith.select %eq3A_70, %logistic3A_36, %broadcast_in_dim3A_72 : vector<256x64xi1>, vector<256x64xf32>
    %reduce_sum3A_74 = arith.constant dense<0.000000e+00> : vector<256xf32>
    %reduce_sum3A_75 = vector.multi_reduction <add>, %select_n3A_73, %reduce_sum3A_74 [1] : vector<256x64xf32> to vector<256xf32>
    %add3A_76 = arith.addf %reduce_sum3A_54, %reduce_sum3A_75 : vector<256xf32>
    %stack3A = vector.shape_cast %reduce_min3A_46 : vector<256xi32> to vector<256x1xi32>
    %stack3A_77 = vector.shape_cast %reduce_min3A_67 : vector<256xi32> to vector<256x1xi32>
    %stack3A_78 = tpu.concatenate %stack3A, %stack3A_77 in 1 : vector<256x1xi32>, vector<256x1xi32> -> vector<256x2xi32>
    %swap3A_79 = arith.constant 0 : index
    %swap3A_80 = arith.constant 0 : index
    %swap3A_81 = vector.load %arg9[%swap3A_79, %swap3A_80] : memref<256x2xi32, #tpu.memory_space<vmem>>, vector<256x2xi32>
    tpu.vector_store %arg9[%swap3A_79, %swap3A_80], %stack3A_78 {strides = array<i32>} : memref<256x2xi32, #tpu.memory_space<vmem>>, vector<256x2xi32>,
    %div3A_82 = arith.divf %reduce_sum3A_54, %add3A_76 : vector<256xf32>
    %div3A_83 = arith.divf %reduce_sum3A_75, %add3A_76 : vector<256xf32>
    %stack3A_84 = vector.shape_cast %div3A_82 : vector<256xf32> to vector<256x1xf32>
    %stack3A_85 = vector.shape_cast %div3A_83 : vector<256xf32> to vector<256x1xf32>
    %stack3A_86 = tpu.concatenate %stack3A_84, %stack3A_85 in 1 : vector<256x1xf32>, vector<256x1xf32> -> vector<256x2xf32>
    %swap3A_87 = arith.constant 0 : index
    %swap3A_88 = arith.constant 0 : index
    %swap3A_89 = vector.load %arg10[%swap3A_87, %swap3A_88] : memref<256x2xf32, #tpu.memory_space<vmem>>, vector<256x2xf32>
    tpu.vector_store %arg10[%swap3A_87, %swap3A_88], %stack3A_86 {strides = array<i32>} : memref<256x2xf32, #tpu.memory_space<vmem>>, vector<256x2xf32>,
    return
  }
  func.func @transform_0(%arg0: i32) -> (i32, i32) {
    %c0_i32 = arith.constant 0 : i32
    %c0_i32_0 = arith.constant 0 : i32
    return %arg0, %c0_i32 : i32, i32
  }
  func.func @transform_1(%arg0: i32) -> (i32, i32) {
    %c0_i32 = arith.constant 0 : i32
    %c0_i32_0 = arith.constant 0 : i32
    %c0_i32_1 = arith.constant 0 : i32
    return %c0_i32, %c0_i32_0 : i32, i32
  }
  func.func @transform_2(%arg0: i32) -> (i32, i32) {
    %c0_i32 = arith.constant 0 : i32
    %c0_i32_0 = arith.constant 0 : i32
    return %arg0, %c0_i32 : i32, i32
  }
  func.func @transform_3(%arg0: i32) -> (i32, i32) {
    %c0_i32 = arith.constant 0 : i32
    %c0_i32_0 = arith.constant 0 : i32
    %c0_i32_1 = arith.constant 0 : i32
    return %c0_i32, %c0_i32_0 : i32, i32
  }
  func.func @transform_4(%arg0: i32) -> (i32, i32) {
    %c0_i32 = arith.constant 0 : i32
    %c0_i32_0 = arith.constant 0 : i32
    %c0_i32_1 = arith.constant 0 : i32
    return %c0_i32, %c0_i32_0 : i32, i32
  }
  func.func @transform_5(%arg0: i32) -> (i32, i32) {
    %c0_i32 = arith.constant 0 : i32
    %c0_i32_0 = arith.constant 0 : i32
    %c0_i32_1 = arith.constant 0 : i32
    return %c0_i32, %c0_i32_0 : i32, i32
  }
  func.func @transform_6(%arg0: i32) -> (i32, i32) {
    %c0_i32 = arith.constant 0 : i32
    %c0_i32_0 = arith.constant 0 : i32
    return %arg0, %c0_i32 : i32, i32
  }
  func.func @transform_7(%arg0: i32) -> (i32, i32) {
    %c0_i32 = arith.constant 0 : i32
    %c0_i32_0 = arith.constant 0 : i32
    return %arg0, %c0_i32 : i32, i32
  }
  func.func @transform_8(%arg0: i32) -> (i32, i32) {
    %c0_i32 = arith.constant 0 : i32
    %c0_i32_0 = arith.constant 0 : i32
    return %arg0, %c0_i32 : i32, i32
  }
  func.func @transform_9(%arg0: i32) -> (i32, i32) {
    %c0_i32 = arith.constant 0 : i32
    %c0_i32_0 = arith.constant 0 : i32
    return %arg0, %c0_i32 : i32, i32
  }
}

module attributes {stable_mosaic.version = 14 : i64} {
  func.func @_moe_body(%arg0: i32, %arg1: memref<96xi32, #tpu.memory_space<smem>>, %arg2: memref<1xi32, #tpu.memory_space<smem>>, %arg3: memref<128x1024xf32, #tpu.memory_space<vmem>>, %arg4: memref<1x1024x1024xf32, #tpu.memory_space<vmem>>, %arg5: memref<1x1024x512xf32, #tpu.memory_space<vmem>>, %arg6: memref<1x1x128xf32, #tpu.memory_space<vmem>>, %arg7: memref<128x1024xf32, #tpu.memory_space<vmem>>) attributes {dimension_semantics = [#tpu.dimension_semantics<arbitrary>], iteration_bounds = array<i64: 96>, scalar_prefetch = 2 : i64, scratch_operands = 0 : i64, tpu.core_type = #tpu.core_type<tc>, window_params = [{transform_indices = @transform_0, window_bounds = array<i64: 128, 1024>}, {transform_indices = @transform_1, window_bounds = array<i64: 1, 1024, 1024>}, {transform_indices = @transform_2, window_bounds = array<i64: 1, 1024, 512>}, {transform_indices = @transform_3, window_bounds = array<i64: 1, 1, 128>}, {transform_indices = @transform_4, window_bounds = array<i64: 128, 1024>}]} {
    %get3A = arith.constant 0 : index
    %get3A_0 = memref.load %arg2[%get3A] : memref<1xi32, #tpu.memory_space<smem>>
    %lt3A = arith.cmpi slt, %arg0, %get3A_0 : i32
    %convert_element_type3A = arith.extui %lt3A : i1 to i32
    %cond3A = arith.constant 0 : i32
    %cond3A_1 = arith.cmpi ne, %convert_element_type3A, %cond3A : i32
    scf.if %cond3A_1 {
      %get3A_2 = arith.constant 0 : index
      %get3A_3 = arith.constant 0 : index
      %get3A_4 = vector.load %arg3[%get3A_2, %get3A_3] : memref<128x1024xf32, #tpu.memory_space<vmem>>, vector<128x1024xf32>
      %get3A_5 = arith.constant 0 : index
      %get3A_6 = arith.constant 0 : index
      %get3A_7 = arith.constant 0 : index
      %get3A_8 = vector.load %arg4[%get3A_5, %get3A_6, %get3A_7] : memref<1x1024x1024xf32, #tpu.memory_space<vmem>>, vector<1x1024x1024xf32>
      %get3A_9 = vector.shape_cast %get3A_8 : vector<1x1024x1024xf32> to vector<1024x1024xf32>
      %dot_general3A = arith.constant dense<0.000000e+00> : vector<128x1024xf32>
      %dot_general3A_10 = tpu.matmul %get3A_4, %get3A_9, %dot_general3A {dimension_numbers = #tpu.dot_dimension_numbers<[1], [1], [0], [0], [0, 0, 1, 0], [], []>, transpose_lhs_hint = false} : vector<128x1024xf32>, vector<1024x1024xf32>, vector<128x1024xf32> -> vector<128x1024xf32>
      %slice3A = vector.extract_strided_slice %dot_general3A_10 {offsets = [0, 0], sizes = [128, 512], strides = [1, 1]} : vector<128x1024xf32> to vector<128x512xf32>
      %logistic3A = arith.negf %slice3A : vector<128x512xf32>
      %logistic3A_11 = math.exp %logistic3A : vector<128x512xf32>
      %logistic3A_12 = arith.constant 1.000000e+00 : f32
      %logistic3A_13 = vector.broadcast %logistic3A_12 : f32 to vector<128x512xf32>
      %logistic3A_14 = arith.addf %logistic3A_13, %logistic3A_11 : vector<128x512xf32>
      %logistic3A_15 = arith.divf %logistic3A_13, %logistic3A_14 : vector<128x512xf32>
      %mul3A = arith.mulf %slice3A, %logistic3A_15 : vector<128x512xf32>
      %slice3A_16 = vector.extract_strided_slice %dot_general3A_10 {offsets = [0, 512], sizes = [128, 512], strides = [1, 1]} : vector<128x1024xf32> to vector<128x512xf32>
      %mul3A_17 = arith.mulf %mul3A, %slice3A_16 : vector<128x512xf32>
      %get3A_18 = arith.constant 0 : index
      %get3A_19 = arith.constant 0 : index
      %get3A_20 = arith.constant 0 : index
      %get3A_21 = vector.load %arg5[%get3A_18, %get3A_19, %get3A_20] : memref<1x1024x512xf32, #tpu.memory_space<vmem>>, vector<1x1024x512xf32>
      %get3A_22 = vector.shape_cast %get3A_21 : vector<1x1024x512xf32> to vector<1024x512xf32>
      %dot_general3A_23 = arith.constant dense<0.000000e+00> : vector<128x1024xf32>
      %dot_general3A_24 = tpu.matmul %mul3A_17, %get3A_22, %dot_general3A_23 {dimension_numbers = #tpu.dot_dimension_numbers<[1], [1], [0], [0], [0, 0, 1, 0], [], []>, transpose_lhs_hint = false} : vector<128x512xf32>, vector<1024x512xf32>, vector<128x1024xf32> -> vector<128x1024xf32>
      %get3A_25 = arith.constant 0 : index
      %get3A_26 = arith.constant 0 : index
      %get3A_27 = arith.constant 0 : index
      %get3A_28 = vector.load %arg6[%get3A_25, %get3A_26, %get3A_27] : memref<1x1x128xf32, #tpu.memory_space<vmem>>, vector<1x1x128xf32>
      %get3A_29 = vector.shape_cast %get3A_28 : vector<1x1x128xf32> to vector<128xf32>
      %broadcast_in_dim3A = vector.shape_cast %get3A_29 : vector<128xf32> to vector<128x1xf32>
      %mul3A_30 = vector.broadcast %broadcast_in_dim3A : vector<128x1xf32> to vector<128x1024xf32>
      %mul3A_31 = arith.mulf %dot_general3A_24, %mul3A_30 : vector<128x1024xf32>
      %swap3A = arith.constant 0 : index
      %swap3A_32 = arith.constant 0 : index
      %swap3A_33 = vector.load %arg7[%swap3A, %swap3A_32] : memref<128x1024xf32, #tpu.memory_space<vmem>>, vector<128x1024xf32>
      tpu.vector_store %arg7[%swap3A, %swap3A_32], %mul3A_31 {strides = array<i32>} : memref<128x1024xf32, #tpu.memory_space<vmem>>, vector<128x1024xf32>,
    } else {
    }
    return
  }
  func.func @transform_0(%arg0: i32, %arg1: memref<96xi32, #tpu.memory_space<smem>>, %arg2: memref<1xi32, #tpu.memory_space<smem>>) -> (i32, i32) {
    %c0_i32 = arith.constant 0 : i32
    %c0_i32_0 = arith.constant 0 : i32
    return %arg0, %c0_i32 : i32, i32
  }
  func.func @transform_1(%arg0: i32, %arg1: memref<96xi32, #tpu.memory_space<smem>>, %arg2: memref<1xi32, #tpu.memory_space<smem>>) -> (i32, i32, i32) {
    %get3A = arith.index_cast %arg0 : i32 to index
    %get3A_0 = memref.load %arg1[%get3A] : memref<96xi32, #tpu.memory_space<smem>>
    %c0_i32 = arith.constant 0 : i32
    %c0_i32_1 = arith.constant 0 : i32
    %c0_i32_2 = arith.constant 0 : i32
    return %get3A_0, %c0_i32, %c0_i32_1 : i32, i32, i32
  }
  func.func @transform_2(%arg0: i32, %arg1: memref<96xi32, #tpu.memory_space<smem>>, %arg2: memref<1xi32, #tpu.memory_space<smem>>) -> (i32, i32, i32) {
    %get3A = arith.index_cast %arg0 : i32 to index
    %get3A_0 = memref.load %arg1[%get3A] : memref<96xi32, #tpu.memory_space<smem>>
    %c0_i32 = arith.constant 0 : i32
    %c0_i32_1 = arith.constant 0 : i32
    %c0_i32_2 = arith.constant 0 : i32
    return %get3A_0, %c0_i32, %c0_i32_1 : i32, i32, i32
  }
  func.func @transform_3(%arg0: i32, %arg1: memref<96xi32, #tpu.memory_space<smem>>, %arg2: memref<1xi32, #tpu.memory_space<smem>>) -> (i32, i32, i32) {
    %c0_i32 = arith.constant 0 : i32
    %c0_i32_0 = arith.constant 0 : i32
    %c0_i32_1 = arith.constant 0 : i32
    return %arg0, %c0_i32, %c0_i32_0 : i32, i32, i32
  }
  func.func @transform_4(%arg0: i32, %arg1: memref<96xi32, #tpu.memory_space<smem>>, %arg2: memref<1xi32, #tpu.memory_space<smem>>) -> (i32, i32) {
    %c0_i32 = arith.constant 0 : i32
    %c0_i32_0 = arith.constant 0 : i32
    return %arg0, %c0_i32 : i32, i32
  }
}

module attributes {stable_mosaic.version = 14 : i64} {
  func.func @_combine_body(%arg0: i32, %arg1: memref<256x2x1024xf32, #tpu.memory_space<vmem>>, %arg2: memref<256x1024xf32, #tpu.memory_space<vmem>>) attributes {dimension_semantics = [#tpu.dimension_semantics<arbitrary>], iteration_bounds = array<i64: 8>, scalar_prefetch = 0 : i64, scratch_operands = 0 : i64, tpu.core_type = #tpu.core_type<tc>, window_params = [{transform_indices = @transform_0, window_bounds = array<i64: 256, 2, 1024>}, {transform_indices = @transform_1, window_bounds = array<i64: 256, 1024>}]} {
    %get3A = arith.constant 0 : index
    %get3A_0 = arith.constant 0 : index
    %get3A_1 = arith.constant 0 : index
    %get3A_2 = vector.load %arg1[%get3A, %get3A_0, %get3A_1] : memref<256x2x1024xf32, #tpu.memory_space<vmem>>, vector<256x1x1024xf32>
    %get3A_3 = vector.shape_cast %get3A_2 : vector<256x1x1024xf32> to vector<256x1024xf32>
    %get3A_4 = arith.constant 0 : index
    %get3A_5 = arith.constant 1 : index
    %get3A_6 = arith.constant 0 : index
    %get3A_7 = vector.load %arg1[%get3A_4, %get3A_5, %get3A_6] : memref<256x2x1024xf32, #tpu.memory_space<vmem>>, vector<256x1x1024xf32>
    %get3A_8 = vector.shape_cast %get3A_7 : vector<256x1x1024xf32> to vector<256x1024xf32>
    %add3A = arith.addf %get3A_3, %get3A_8 : vector<256x1024xf32>
    %swap3A = arith.constant 0 : index
    %swap3A_9 = arith.constant 0 : index
    %swap3A_10 = vector.load %arg2[%swap3A, %swap3A_9] : memref<256x1024xf32, #tpu.memory_space<vmem>>, vector<256x1024xf32>
    tpu.vector_store %arg2[%swap3A, %swap3A_9], %add3A {strides = array<i32>} : memref<256x1024xf32, #tpu.memory_space<vmem>>, vector<256x1024xf32>,
    return
  }
  func.func @transform_0(%arg0: i32) -> (i32, i32, i32) {
    %c0_i32 = arith.constant 0 : i32
    %c0_i32_0 = arith.constant 0 : i32
    %c0_i32_1 = arith.constant 0 : i32
    return %arg0, %c0_i32, %c0_i32_0 : i32, i32, i32
  }
  func.func @transform_1(%arg0: i32) -> (i32, i32) {
    %c0_i32 = arith.constant 0 : i32
    %c0_i32_0 = arith.constant 0 : i32
    return %arg0, %c0_i32 : i32, i32
  }
}

</mosaic_0001>

<sc_bundles>
// kernel: gather_offload_async_start
scs
__scs_entry_jumppad:
0x0: {  	(pc) =	sbr.rel $0x88, $3  }
0x1: {  	(tag) =	ssettag $0x0;
	lr =	simm.s32 $0x1  }
0x2: {  	[smem:$0x3F94] =	sst lr;
	_ =	strace $0xD0000000  }
0x3: {  	_ = 	snop  }
0x4: {  	_ = 	snop  }
0x5: {  	_ = 	snop  }
0x6: {  	_ = 	snop  }
0x7: {  	_ = 	snop  }
__scs_overlays_trampoline_lowered:
0x8: {  	[smem:$0x3FA3] =	sst s0  }
0x9: {  	[smem:$0x3FA4] =	sst s1  }
0xa: {  	[smem:$0x3FA5] =	sst s2  }
0xb: {  	[smem:$0x3FA6] =	sst s3  }
0xc: {  	[smem:$0x3FA7] =	sst s4  }
0xd: {  	[smem:$0x3FA8] =	sst s5  }
0xe: {  	[smem:$0x3FA9] =	sst s6  }
0xf: {  	[smem:$0x3FAA] =	sst s7  }
0x10: {  	[smem:$0x3FAB] =	sst s8  }
0x11: {  	[smem:$0x3FAC] =	sst s9;
	s0 =	simm.s32 @!p0 $0x0  }
0x12: {  	s1 =	sld [smem:$0x3F92];
	s0 =	simm.s32 @p0 $0x1  }
0x13: {  	[smem:$0x3FAD] =	sst s0;
	s0 =	simm.s32 @!p1 $0x0  }
0x14: {  	s2 =	sld [smem:$0x3F91];
	s0 =	simm.s32 @p1 $0x1  }
0x15: {  	[smem:$0x3FAE] =	sst s0;
	s0 =	simm.s32 @!p2 $0x0  }
0x16: {  	s3 =	sld [smem:$0x3FDB];
	s0 =	simm.s32 @p2 $0x1  }
0x17: {  	s4 =	simm.s32 $0x1BF5;
	[smem:$0x3FB0] =	sst s0  }
0x18: {  	s0 =	sld [smem:$0x3F93];
	_ =	swait.ge [sflag:s4], $0x0  }
0x19: {  	s7 =	sld [smem:$0x3F94]  }
0x1a: {  	s8 =	sadd.s32 $0xFFFFE003, lr  }
0x1b: {  	s9 =	sadd.s32 $0xFFFFFEF7, lr;
	s5 =	simm.s32 $0xFFFFFFFF;
	p2 =	slt.u32 s8, $0xFFFFF086  }
0x1c: {  	p1 =	slt.u32 s9, $0xF7A;
	s5 =	simm.s32 @!p2 $0x0  }
0x1d: {  	s5 =	simm.s32 @p1 $0x1;
	p0 =	seq.s32 s7, s2  }
0x1e: {  	s7 =	smul.u32 @!p0 $0xF7A, s2;
	p2 =	seq.s32 @!p0 s5, $0x0  }
0x1f: {  	s9 =	smul.u32 $0xF7A, s1;
	s8 =	simm.s32 @!p0 $0x1BF5;
	p2 =	por !p2, p0  }
0x20: {  	[sflag:s8] =	ssyncset.s32 @!p0 $0xFFFFF086;
	s6 =	sadd.s32 @!p0 s3, s7;
	s7 =	simm.s32 @!p0 $0x108  }
0x21: {  	s3 =	sadd.s32 s3, s9;
	s6 =	sadd.s32 @!p0 $0x88, s6;
	s7 =	simm.s32 @p2 $0x1082  }
0x22: {  	[simem:s7], [sflag:s8] =	dma.local @!p0 [hbm:s6], $0xF7A  }
0x23: {  	s9 =	sor.u32 $0xD0000000, s2;
	s6 =	simm.s32 $0x108;
	_ =	swait.ge @!p0 [sflag:s8], $0x0  }
0x24: {  	s3 =	sadd.s32 $0x88, s3;
	s6 =	simm.s32 @!p1 $0x1082;
	[sflag:s4] =	ssyncset.s32 $0xFFFFF086  }
0x25: {  	[simem:s6], [sflag:s4] =	dma.local [hbm:s3], $0xF7A  }
0x26: {  	[smem:$0x3F94] =	sst s1;
	(tag) =	ssettag s2;
	_ =	strace s9  }
0x27: {  	s1 =	sld [smem:$0x3FA4]  }
0x28: {  	s2 =	sld [smem:$0x3FA5]  }
0x29: {  	s4 =	sld [smem:$0x3FA7]  }
0x2a: {  	p0 =	seq.s32 s5, $0x0;
	s5 =	sld [smem:$0x3FA8]  }
0x2b: {  	s6 =	sld [smem:$0x3FA9]  }
0x2c: {  	s7 =	sld [smem:$0x3FAA]  }
0x2d: {  	s3 =	simm.s32 $0x108;
	s8 =	sld [smem:$0x3FAB]  }
0x2e: {  	s3 =	simm.s32 @!p0 $0x1082;
	s9 =	sld [smem:$0x3FAC]  }
0x2f: {  	lr =	sadd.s32 s0, s3;
	s0 =	sld [smem:$0x3FA3]  }
0x30: {  	s3 =	sld [smem:$0x3FA6]  }
0x31: {  	[smem:$0x3FAF] =	sst s10  }
0x32: {  	s10 =	sld [smem:$0x3FAD];
	_ =	sdelay $0x3  }
0x33: {  	p0 =	seq.s32 s10, $0x1;
	s10 =	sld [smem:$0x3FAF];
	_ =	sdelay $0x3  }
0x34: {  	[smem:$0x3FAF] =	sst s10  }
0x35: {  	s10 =	sld [smem:$0x3FAE];
	_ =	sdelay $0x3  }
0x36: {  	p1 =	seq.s32 s10, $0x1;
	s10 =	sld [smem:$0x3FAF];
	_ =	sdelay $0x3  }
0x37: {  	[smem:$0x3FAF] =	sst s10  }
0x38: {  	s10 =	sld [smem:$0x3FB0]  }
0x39: {  	_ = 	snop;
	(pc) =	sbr.ind lr, $3  }
0x3a: {  	_ = 	snop  }
0x3b: {  	_ = 	snop  }
0x3c: {  	p2 =	seq.s32 s10, $0x1;
	s10 =	sld [smem:$0x3FAF]  }
0x3d: {  	_ =	shalt  }
0x3e: {  	_ =	shalt  }
0x3f: {  	_ =	shalt  }
0x40: {  	_ =	shalt  }
0x41: {  	_ =	shalt  }
0x42: {  	_ =	shalt  }
0x43: {  	_ =	shalt  }
0x44: {  	_ =	shalt  }
0x45: {  	_ =	shalt  }
0x46: {  	_ =	shalt  }
0x47: {  	_ =	shalt  }
0x48: {  	_ =	shalt  }
0x49: {  	_ =	shalt  }
0x4a: {  	_ =	shalt  }
0x4b: {  	_ =	shalt  }
0x4c: {  	_ =	shalt  }
0x4d: {  	_ =	shalt  }
0x4e: {  	_ =	shalt  }
0x4f: {  	_ =	shalt  }
0x50: {  	_ =	shalt  }
0x51: {  	_ =	shalt  }
0x52: {  	_ =	shalt  }
0x53: {  	_ =	shalt  }
0x54: {  	_ =	shalt  }
0x55: {  	_ =	shalt  }
0x56: {  	_ =	shalt  }
0x57: {  	_ =	shalt  }
0x58: {  	_ =	shalt  }
0x59: {  	_ =	shalt  }
0x5a: {  	_ =	shalt  }
0x5b: {  	_ =	shalt  }
0x5c: {  	_ =	shalt  }
0x5d: {  	_ =	shalt  }
0x5e: {  	_ =	shalt  }
0x5f: {  	_ =	shalt  }
0x60: {  	_ =	shalt  }
0x61: {  	_ =	shalt  }
0x62: {  	_ =	shalt  }
0x63: {  	_ =	shalt  }
0x64: {  	_ =	shalt  }
0x65: {  	_ =	shalt  }
0x66: {  	_ =	shalt  }
0x67: {  	_ =	shalt  }
0x68: {  	_ =	shalt  }
0x69: {  	_ =	shalt  }
0x6a: {  	_ =	shalt  }
0x6b: {  	_ =	shalt  }
0x6c: {  	_ =	shalt  }
0x6d: {  	_ =	shalt  }
0x6e: {  	_ =	shalt  }
0x6f: {  	_ =	shalt  }
0x70: {  	_ =	shalt  }
0x71: {  	_ =	shalt  }
0x72: {  	_ =	shalt  }
0x73: {  	_ =	shalt  }
0x74: {  	_ =	shalt  }
0x75: {  	_ =	shalt  }
0x76: {  	_ =	shalt  }
0x77: {  	_ =	shalt  }
0x78: {  	_ =	shalt  }
0x79: {  	_ =	shalt  }
0x7a: {  	_ =	shalt  }
0x7b: {  	_ =	shalt  }
0x7c: {  	_ =	shalt  }
0x7d: {  	_ =	shalt  }
0x7e: {  	_ =	shalt  }
0x7f: {  	_ =	shalt  }
0x80: {  	_ =	shalt  }
0x81: {  	_ =	shalt  }
0x82: {  	_ =	shalt  }
0x83: {  	_ =	shalt  }
0x84: {  	_ =	shalt  }
0x85: {  	_ =	shalt  }
0x86: {  	_ =	shalt  }
0x87: {  	_ =	shalt  }
.Lfunc_end0:
.L_simem_size_0:
called_computation.1_lowered:
.L_overlay_start_0:
0x88: {  	s2 =	sld [smem:$0x3FD9]  }
0x89: {  	s3 =	sld [smem:$0x3FFE];
	_ =	sdelay $0x1  }
0x8a: {  	s1 =	srdreg.scid  }
0x8b: {  	s0 =	sand.u32 $0x1, s1  }
0x8c: {  	s16 =	sshll.u32 s0, $0xA;
	s2 =	sadd.s32 s3, s2  }
0x8d: {  	s2 =	sadd.s32 s2, s16  }
0x8e: {  	[smem:$0x3FBB] =	sst s2  }
0x8f: {  	_ = 	snop  }
0x90: {  	(tm) =	ssettm $0x1  }
0x91: {  	s17 =	sld [smem:$0x3FFB];
	_ =	sdelay $0x3  }
0x92: {  	_ =	strace s17  }
0x93: {  	s2 =	sld [smem:$0x3FFC];
	_ =	sdelay $0x3  }
0x94: {  	_ =	strace s2  }
0x95: {  	s2 =	sld [smem:$0x3FFD];
	_ =	sdelay $0x3  }
0x96: {  	_ =	strace s2  }
0x97: {  	_ =	strace $0x8FFFFFFF  }
0x98: {  	s18 =	sld [smem:$0x3FDB];
	_ =	sdelay $0x1  }
0x99: {  	s19 =	simm.s32 $_scs_section_size  }
0x9a: {  	s4 =	simm.s32 $_size__tile_overlayer_lowered;
	s5 =	simm.s32 $_tile_overlayer_lowered  }
0x9b: {  	s22 =	simm.s32 $0x1BFF;
	s21 =	sshll.u32 s5, $0x1;
	s2 =	sadd.s32 s19, s18  }
0x9c: {  	s6 =	simm.s32 $0x0;
	s20 =	sshll.u32 s4, $0x1;
	s4 =	sadd.s32 s21, s2  }
0x9d: {  	[timem:s6], [sflag:s22] =	dma.local [hbm:s4], s20  }
0x9e: {  	_ =	swait.ge [sflag:s22], s20  }
0x9f: {  	s3 =	ssub.s32 $0x0, s20;
	[sflag:s22] =	ssyncset.done $0x0  }
0xa0: {  	[sflag:s22] =	ssyncadd.s32 s3;
	_ =	sdelay $0x1  }
0xa1: {  	s23 =	simm.s32 $0x1B8B  }
0xa2: {  	_ =	swait.ge [sflag:s23], $0x1  }
0xa3: {  	[sflag:s23] =	ssyncset.done $0x0  }
0xa4: {  	s25 =	simm.s32 $0x1B8E;
	s24 =	sld [smem:$0x3FFE];
	[sflag:s23] =	ssyncadd.s32 $0xFFFFFFFF  }
0xa5: {  	s26 =	simm.s32 $execute0_lowered;
	[smem:$0x3FD2] =	sst s25  }
0xa6: {  	s4 =	sshll.u32 s26, $0x1;
	_ =	strace $0x80000049;
	[dreg:$0x1] =	wrdreg $0xFFFFFFFF  }
0xa7: {  	s28 =	simm.s32 $_size_execute0_lowered;
	s2 =	sadd.s32 s2, s4;
	[dreg:$0x0] =	wrdreg $0x0  }
0xa8: {  	s4 =	sshll.u32 s28, $0x1;
	[dreg:$0x2] =	wrdreg s2  }
0xa9: {  	[dreg:$0x3] =	wrdreg s4  }
0xaa: {  	[dreg:$0x4] =	wrdreg $0xC0  }
0xab: {  	_ =	task [dreg:s6], $0x5FFFF  }
0xac: {  	[dreg:$0x1] =	wrdreg $0xFFFFFFFF  }
0xad: {  	[dreg:$0x0] =	wrdreg $0x60  }
0xae: {  	[dreg:$0x2] =	wrdreg s24  }
0xaf: {  	[dreg:$0x3] =	wrdreg $0x9  }
0xb0: {  	_ =	task.clear_ibuf [dreg:s6], $0x4FFFF;
	_ =	strace $0x90000049  }
0xb1: {  	s29 =	simm.s32 $0x9;
	_ =	strace $0x8000004B  }
0xb2: {  	_ =	swait.ge [sflag:s29], $0x1  }
0xb3: {  	[sflag:s29] =	ssyncadd.s32 $0xFFFFFFFF  }
0xb4: {  	_ =	strace $0x9000004B  }
0xb5: {  	_ =	sfence  }
0xb6: {  	s30 =	sld [smem:$0x0];
	_ =	sdelay $0x2  }
0xb7: {  	s31 =	sshll.u32 s1, $0xD;
	s1 =	sshrl.u32 s1, $0x2  }
0xb8: {  	s3 =	sand.u32 $0x4000, s31;
	s1 =	sadd.s32 s1, s30  }
0xb9: {  	s0 =	sor.u32 s3, s0;
	s1 =	sshll.u32 s1, $0x11  }
0xba: {  	s0 =	sor.u32 s1, s0  }
0xbb: {  	s0 =	sadd.s32 $0x8F2B, s0  }
0xbc: {  	[sflag:s0] =	ssyncadd.remote.s32 $0x1  }
0xbd: {  	_ =	sfence.sel $0xFFFF  }
0xbe: {  	[dreg:$0x0] =	wrdreg $0xFFFFFFFF;
	(pc) =	sbr.abs _section_cstart, $3  }
0xbf: {  	[dreg:$0x1] =	wrdreg $0xFFFFFFFF  }
0xc0: {  	_ =	task.clear_ibuf [dreg:s6], $0x2FFFF;
	_ =	strace $0x9FFFFFFF  }
0xc1: {  	(tm) =	ssettm $0x7FFFFFFF  }
tec
execute0_lowered:
.L_overlay_start_1:
0x0: {  	(tag) =	ssettag $0x1  }
0x1: {  	s0 =	srdreg.scid;
	s5 =	rddreg [dreg:$0x0]  }
0x2: {  	s1 =	stileid.u32;
	s6 =	simm.s32 $0x1;
	s9 =	simm.s32 $0x1  }
0x3: {  	s10 =	simm.s32 $0x3;
	s13 =	simm.s32 $0x0;
	s2 =	sshll.u32 s0, $0x6  }
0x4: {  	s12 =	simm.s32 $0x0;
	s3 =	sshll.u32 s1, $0x7;
	s2 =	sand.u32 $0x40, s2  }
0x5: {  	s0 =	rddreg [dreg:$0x1];
	_ =	strace $0x8000004A;
	s2 =	sor.u32 s3, s2  }
0x6: {  	s4 =	sadd.s32 $0x2200, s5;
	[sflag:s6] =	ssyncpa.u1 $0x0;
	s8 =	ssub.s32 $0x1000, s2  }
.Ltmp0:
0x7: {  	s3 =	sadd.s32 $0x1A00, s5;
	s7 =	sand.u32 $0x7C0, s8;
	(pc) =	sbr.rel .LBB2_1-.Ltmp0, $4  }
0x8: {  	s5 =	sadd.s32 $0x2A00, s5;
	s11 =	smov.u32 s2;
	p0 =	sne.s32 s7, $0x0  }
0x9: {  	s8 =	sshrl.u32 s8, $0xB;
	s7 =	simm.s32 $0x2;
	s9 =	simm.s32 @!p0 $0x0  }
0xa: {  	[sflag:s7] =	ssyncpa.u1 $0x0;
	p0 =	por $0x0, $0x0;
	s8 =	sadd.s32 s9, s8  }
0xb: {  	vm0 =	vmmov $0xffff;
	[sflag:s10] =	ssyncpa.u1 $0x0;
	s10 =	simm.s32 $0x0;
	s9 =	sadd.s32 $0x1, s8  }
.LBB2_4:
0xc: {  	v2 =	vnsel vm1, $0x0, v2  }
0xd: {  	vm1 =	vgt.s32 v0, $0x0;
	v2 =	vmin.u32 v2, $0xFFF  }
0xe: {  	v0 =	vnsel vm1, $0x0, v0  }
0xf: {  	v0 =	vmin.u32 v0, $0xFFF  }
0x10: {  	[tilespmem:s15], [sflag:$0x1] =	stream.indirect_vreg.gather [hbm4b:s3+s10], $0x1, v1, vm0, $0x4038;
	[tilespmem:$0x100] =	vst v63  }
0x11: {  	(ifvalue) =	ssetifvalue $0x7FFFFFFF  }
0x12: {  	[tilespmem:s16], [sflag:$0x1] =	stream.indirect_vreg.gather [hbm4b:s3+s10], $0x1, v2, vm0, $0x4038;
	[tilespmem:$0x100] =	vst v63  }
0x13: {  	s29 =	sadd.s32 $0x10, s16;
	(ifvalue) =	ssetifvalue $0x7FFFFFFF  }
0x14: {  	[tilespmem:s29], [sflag:$0x1] =	stream.indirect_vreg.gather [hbm4b:s3+s10], $0x1, v0, vm0, $0x4038;
	[tilespmem:$0x100] =	vst v63  }
0x15: {  	_ =	swait.ge [sflag:s6], $0x40  }
0x16: {  	s30 =	sshrl.u32 s13, $0x3;
	[sflag:s6] =	ssyncset.done $0x0  }
0x17: {  	s31 =	sand.u32 $0x7, s13;
	s15 =	sadd.s32 s5, s30;
	[sflag:s6] =	ssyncadd.s32 $0xFFFFFFC0  }
0x18: {  	[hbm4b:s15+s31] =	stream.linear.scatter [tilespmem:s14], [sflag:$0x3], $0x40, $0x38;
	[tilespmem:$0x100] =	vst v63  }
.LBB2_5:
0x19: {  	s15 =	sadd.s32 $0x800, s11  }
0x1a: {  	p2 =	sgt.s32 s15, $0xFFF  }
0x1b: {  	s15 =	smov.u32 @p2 s2;
	p2 =	sne.s32 s12, s9  }
.Ltmp1:
0x1c: {  	p1 =	slt.u32 s12, $0x2;
	(pc) =	sbr.rel @!p2 .LBB2_6-.Ltmp1, $4  }
0x1d: {  	s14 =	simm.s32 @!p1 $0x3  }
0x1e: {  	s16 =	sadd.s32 $0x1, s12;
	_ =	swait.ge @!p1 [sflag:s14], $0x40  }
0x1f: {  	s13 =	smov.u32 s11;
	p0 =	por !p0, !p0;
	[sflag:s14] =	ssyncset.done @!p1 $0x0  }
0x20: {  	s12 =	smov.u32 s16;
	s11 =	smov.u32 s15;
	[sflag:s14] =	ssyncadd.s32 @!p1 $0xFFFFFFC0  }
.LBB2_1:
0x21: {  	p1 =	sge.u32 s12, s8  }
0x22: {  	s14 =	sxor.u32 @!p1 $0xFFFFFFFF, s12  }
0x23: {  	s31 =	sadd.s32 $0xFFFFFFFF, s12;
	s15 =	sshrl.u32 @!p1 s11, $0x3;
	s14 =	sshll.u32 @!p1 s14, $0x6  }
0x24: {  	s16 =	sand.u32 @!p1 $0x7, s11;
	s15 =	sadd.s32 @!p1 s4, s15;
	s14 =	sand.u32 @!p1 $0x40, s14  }
0x25: {  	[tilespmem:s14], [sflag:$0x2] =	stream.linear.gather @!p1 [hbm4b:s15+s16], $0x40, $0x38;
	[tilespmem:$0x100] =	vst v63  }
0x26: {  	p1 =	sge.u32 s31, s8  }
.Ltmp2:
0x27: {  	_ = 	snop;
	(pc) =	sbr.rel @p1 .LBB2_5-.Ltmp2, $1  }
0x28: {  	_ =	sdelay $0x3  }
0x29: {  	s14 =	simm.s32 $0x1  }
0x2a: {  	_ =	swait.ge [sflag:s7], $0x40;
	s14 =	simm.s32 @!p0 $0x0  }
0x2b: {  	[sflag:s7] =	ssyncset.done $0x0;
	s14 =	sshll.u32 s14, $0x6  }
0x2c: {  	[sflag:s7] =	ssyncadd.s32 $0xFFFFFFC0;
	(ifvalue) =	ssetifvalue $0x7FFFFFFF;
	v0 =	vld.msk [tilespmem:s14+$0x0 ss:$0x1], $0xffff;
	_ =	sdelay $0x4  }
0x2d: {  	s15 =	sadd.s32 $0x10, s14;
	vm1 =	vgt.s32 v0, $0x0  }
0x2e: {  	v2 =	vld.msk [tilespmem:s15+$0x0 ss:$0x1], $0xffff;
	v1 =	vnsel vm1, $0x0, v0  }
0x2f: {  	v1 =	vmin.u32 v1, $0xFFF;
	_ =	sdelay $0x1  }
0x30: {  	s16 =	sshll.u32 s12, $0x6;
	s18 =	simm.s32 $0x20  }
0x31: {  	s16 =	sand.u32 $0x40, s16;
	s17 =	sadd.s32 $0x10, s15;
	s15 =	sor.u32 $0x80, s14  }
0x32: {  	s14 =	sor.u32 $0x80, s16;
	s16 =	sadd.s32 $0x10, s15;
	v0 =	vld.msk [tilespmem:s17+$0x0 ss:$0x1], $0xffff;
	vm1 =	vgt.s32 v2, $0x0;
	(ifvalue) =	ssetifvalue $0x7FFFFFFF  }
.LBB2_3:
0x33: {  	[tilespmem:s15], [sflag:$0x1] =	stream.indirect_vreg.gather [hbm4b:s3+s10], $0x1, v1, vm0, $0x4038;
	[tilespmem:$0x100] =	vst v63  }
0x34: {  	s18 =	sadd.s32 $0x10, s18  }
0x35: {  	v2 =	vnsel vm1, $0x0, v2;
	p1 =	slt.u32 s18, $0x30  }
.Ltmp3:
0x36: {  	s15 =	smov.u32 s16;
	v1 =	vmin.u32 v2, $0xFFF;
	(pc) =	sbr.rel @p1 .LBB2_3-.Ltmp3, $3  }
0x37: {  	_ =	sdelay $0x1  }
0x38: {  	s17 =	sadd.s32 $0x10, s17  }
0x39: {  	vm1 =	vgt.s32 v0, $0x0;
	s16 =	sadd.s32 $0x10, s16;
	v2 =	vmov v0;
	(ifvalue) =	ssetifvalue $0x7FFFFFFF;
	v0 =	vld.msk [tilespmem:s17+$0x0 ss:$0x1], $0xffff  }
.Ltmp4:
0x3a: {  	_ = 	snop;
	(pc) =	sbr.rel .LBB2_4-.Ltmp4, $1  }
0x3b: {  	_ =	sdelay $0x3  }
.LBB2_6:
0x3c: {  	_ =	sfence.sel $0x180000  }
0x3d: {  	s2 =	simm.s32 $0x2;
	[bflag:$0x0] =	sbarrier.arrive $0xFFFF  }
0x3e: {  	s30 =	simm.s32 $0x3;
	[sflag:s2] =	ssyncpa.u1 $0x1  }
0x3f: {  	s31 =	simm.s32 $0x1;
	[sflag:s30] =	ssyncpa.u1 $0x1  }
0x40: {  	[sflag:s31] =	ssyncpa.u1 $0x1  }
0x41: {  	p0 =	sne.s32 s1, $0x0;
	_ =	strace $0x9000004A  }
0x42: {  	s0 =	sadd.s32 @!p0 $0x100000, s0;
	[bflag:$0x2] =	sbarrier.arrive $0xFFFF  }
0x43: {  	[sflag:s0] =	ssyncadd.tile.s32 @!p0 $0x1;
	_ =	shalt  }
.Lfunc_end2:
_tile_overlayer_lowered:
.L_overlay_start_2:
0x44: {  	(tag) =	ssettag $0x2  }
0x45: {  	s0 =	rddreg [dreg:$0x0];
	s2 =	stileid.u32  }
0x46: {  	s1 =	rddreg [dreg:$0x1];
	p0 =	sne.s32 s2, $0x0  }
0x47: {  	s3 =	rddreg [dreg:$0x2];
	[bflag:$0x3] =	sbarrier.arrive $0xFFFF;
	s2 =	simm.s32 @!p0 $0x1C01  }
0x48: {  	[timem:s3], [sflag:s2] =	dma.local @!p0 [hbm:s0], s1  }
0x49: {  	s0 =	simm.s32 @!p0 $0x1  }
0x4a: {  	_ =	swait.ge @!p0 [sflag:s0], s1  }
0x4b: {  	s1 =	ssub.s32 @!p0 $0x0, s1;
	[sflag:s0] =	ssyncset.done @!p0 $0x0  }
0x4c: {  	[sflag:s0] =	ssyncadd.s32 @!p0 s1  }
0x4d: {  	[bflag:$0x3] =	sbarrier.arrive $0xFFFF  }
0x4e: {  	_ =	shalt  }

// kernel: kernel.12.cloned.1.call-start
scs
__scs_entry_jumppad:
0x0: {  	(pc) =	sbr.rel $0x88, $3  }
0x1: {  	(tag) =	ssettag $0x0;
	lr =	simm.s32 $0x1  }
0x2: {  	[smem:$0x3F94] =	sst lr;
	_ =	strace $0xD0000000  }
0x3: {  	_ = 	snop  }
0x4: {  	_ = 	snop  }
0x5: {  	_ = 	snop  }
0x6: {  	_ = 	snop  }
0x7: {  	_ = 	snop  }
__scs_overlays_trampoline_lowered:
0x8: {  	[smem:$0x3FA3] =	sst s0  }
0x9: {  	[smem:$0x3FA4] =	sst s1  }
0xa: {  	[smem:$0x3FA5] =	sst s2  }
0xb: {  	[smem:$0x3FA6] =	sst s3  }
0xc: {  	[smem:$0x3FA7] =	sst s4  }
0xd: {  	[smem:$0x3FA8] =	sst s5  }
0xe: {  	[smem:$0x3FA9] =	sst s6  }
0xf: {  	[smem:$0x3FAA] =	sst s7  }
0x10: {  	[smem:$0x3FAB] =	sst s8  }
0x11: {  	[smem:$0x3FAC] =	sst s9;
	s0 =	simm.s32 @!p0 $0x0  }
0x12: {  	s1 =	sld [smem:$0x3F92];
	s0 =	simm.s32 @p0 $0x1  }
0x13: {  	[smem:$0x3FAD] =	sst s0;
	s0 =	simm.s32 @!p1 $0x0  }
0x14: {  	s2 =	sld [smem:$0x3F91];
	s0 =	simm.s32 @p1 $0x1  }
0x15: {  	[smem:$0x3FAE] =	sst s0;
	s0 =	simm.s32 @!p2 $0x0  }
0x16: {  	s3 =	sld [smem:$0x3FDB];
	s0 =	simm.s32 @p2 $0x1  }
0x17: {  	s4 =	simm.s32 $0x1BF5;
	[smem:$0x3FB0] =	sst s0  }
0x18: {  	s0 =	sld [smem:$0x3F93];
	_ =	swait.ge [sflag:s4], $0x0  }
0x19: {  	s7 =	sld [smem:$0x3F94]  }
0x1a: {  	s8 =	sadd.s32 $0xFFFFE003, lr  }
0x1b: {  	s9 =	sadd.s32 $0xFFFFFEF7, lr;
	s5 =	simm.s32 $0xFFFFFFFF;
	p2 =	slt.u32 s8, $0xFFFFF086  }
0x1c: {  	p1 =	slt.u32 s9, $0xF7A;
	s5 =	simm.s32 @!p2 $0x0  }
0x1d: {  	s5 =	simm.s32 @p1 $0x1;
	p0 =	seq.s32 s7, s2  }
0x1e: {  	s7 =	smul.u32 @!p0 $0xF7A, s2;
	p2 =	seq.s32 @!p0 s5, $0x0  }
0x1f: {  	s9 =	smul.u32 $0xF7A, s1;
	s8 =	simm.s32 @!p0 $0x1BF5;
	p2 =	por !p2, p0  }
0x20: {  	[sflag:s8] =	ssyncset.s32 @!p0 $0xFFFFF086;
	s6 =	sadd.s32 @!p0 s3, s7;
	s7 =	simm.s32 @!p0 $0x108  }
0x21: {  	s3 =	sadd.s32 s3, s9;
	s6 =	sadd.s32 @!p0 $0x88, s6;
	s7 =	simm.s32 @p2 $0x1082  }
0x22: {  	[simem:s7], [sflag:s8] =	dma.local @!p0 [hbm:s6], $0xF7A  }
0x23: {  	s9 =	sor.u32 $0xD0000000, s2;
	s6 =	simm.s32 $0x108;
	_ =	swait.ge @!p0 [sflag:s8], $0x0  }
0x24: {  	s3 =	sadd.s32 $0x88, s3;
	s6 =	simm.s32 @!p1 $0x1082;
	[sflag:s4] =	ssyncset.s32 $0xFFFFF086  }
0x25: {  	[simem:s6], [sflag:s4] =	dma.local [hbm:s3], $0xF7A  }
0x26: {  	[smem:$0x3F94] =	sst s1;
	(tag) =	ssettag s2;
	_ =	strace s9  }
0x27: {  	s1 =	sld [smem:$0x3FA4]  }
0x28: {  	s2 =	sld [smem:$0x3FA5]  }
0x29: {  	s4 =	sld [smem:$0x3FA7]  }
0x2a: {  	p0 =	seq.s32 s5, $0x0;
	s5 =	sld [smem:$0x3FA8]  }
0x2b: {  	s6 =	sld [smem:$0x3FA9]  }
0x2c: {  	s7 =	sld [smem:$0x3FAA]  }
0x2d: {  	s3 =	simm.s32 $0x108;
	s8 =	sld [smem:$0x3FAB]  }
0x2e: {  	s3 =	simm.s32 @!p0 $0x1082;
	s9 =	sld [smem:$0x3FAC]  }
0x2f: {  	lr =	sadd.s32 s0, s3;
	s0 =	sld [smem:$0x3FA3]  }
0x30: {  	s3 =	sld [smem:$0x3FA6]  }
0x31: {  	[smem:$0x3FAF] =	sst s10  }
0x32: {  	s10 =	sld [smem:$0x3FAD];
	_ =	sdelay $0x3  }
0x33: {  	p0 =	seq.s32 s10, $0x1;
	s10 =	sld [smem:$0x3FAF];
	_ =	sdelay $0x3  }
0x34: {  	[smem:$0x3FAF] =	sst s10  }
0x35: {  	s10 =	sld [smem:$0x3FAE];
	_ =	sdelay $0x3  }
0x36: {  	p1 =	seq.s32 s10, $0x1;
	s10 =	sld [smem:$0x3FAF];
	_ =	sdelay $0x3  }
0x37: {  	[smem:$0x3FAF] =	sst s10  }
0x38: {  	s10 =	sld [smem:$0x3FB0]  }
0x39: {  	_ = 	snop;
	(pc) =	sbr.ind lr, $3  }
0x3a: {  	_ = 	snop  }
0x3b: {  	_ = 	snop  }
0x3c: {  	p2 =	seq.s32 s10, $0x1;
	s10 =	sld [smem:$0x3FAF]  }
0x3d: {  	_ =	shalt  }
0x3e: {  	_ =	shalt  }
0x3f: {  	_ =	shalt  }
0x40: {  	_ =	shalt  }
0x41: {  	_ =	shalt  }
0x42: {  	_ =	shalt  }
0x43: {  	_ =	shalt  }
0x44: {  	_ =	shalt  }
0x45: {  	_ =	shalt  }
0x46: {  	_ =	shalt  }
0x47: {  	_ =	shalt  }
0x48: {  	_ =	shalt  }
0x49: {  	_ =	shalt  }
0x4a: {  	_ =	shalt  }
0x4b: {  	_ =	shalt  }
0x4c: {  	_ =	shalt  }
0x4d: {  	_ =	shalt  }
0x4e: {  	_ =	shalt  }
0x4f: {  	_ =	shalt  }
0x50: {  	_ =	shalt  }
0x51: {  	_ =	shalt  }
0x52: {  	_ =	shalt  }
0x53: {  	_ =	shalt  }
0x54: {  	_ =	shalt  }
0x55: {  	_ =	shalt  }
0x56: {  	_ =	shalt  }
0x57: {  	_ =	shalt  }
0x58: {  	_ =	shalt  }
0x59: {  	_ =	shalt  }
0x5a: {  	_ =	shalt  }
0x5b: {  	_ =	shalt  }
0x5c: {  	_ =	shalt  }
0x5d: {  	_ =	shalt  }
0x5e: {  	_ =	shalt  }
0x5f: {  	_ =	shalt  }
0x60: {  	_ =	shalt  }
0x61: {  	_ =	shalt  }
0x62: {  	_ =	shalt  }
0x63: {  	_ =	shalt  }
0x64: {  	_ =	shalt  }
0x65: {  	_ =	shalt  }
0x66: {  	_ =	shalt  }
0x67: {  	_ =	shalt  }
0x68: {  	_ =	shalt  }
0x69: {  	_ =	shalt  }
0x6a: {  	_ =	shalt  }
0x6b: {  	_ =	shalt  }
0x6c: {  	_ =	shalt  }
0x6d: {  	_ =	shalt  }
0x6e: {  	_ =	shalt  }
0x6f: {  	_ =	shalt  }
0x70: {  	_ =	shalt  }
0x71: {  	_ =	shalt  }
0x72: {  	_ =	shalt  }
0x73: {  	_ =	shalt  }
0x74: {  	_ =	shalt  }
0x75: {  	_ =	shalt  }
0x76: {  	_ =	shalt  }
0x77: {  	_ =	shalt  }
0x78: {  	_ =	shalt  }
0x79: {  	_ =	shalt  }
0x7a: {  	_ =	shalt  }
0x7b: {  	_ =	shalt  }
0x7c: {  	_ =	shalt  }
0x7d: {  	_ =	shalt  }
0x7e: {  	_ =	shalt  }
0x7f: {  	_ =	shalt  }
0x80: {  	_ =	shalt  }
0x81: {  	_ =	shalt  }
0x82: {  	_ =	shalt  }
0x83: {  	_ =	shalt  }
0x84: {  	_ =	shalt  }
0x85: {  	_ =	shalt  }
0x86: {  	_ =	shalt  }
0x87: {  	_ =	shalt  }
.Lfunc_end0:
.L_simem_size_0:
called_computation.3_lowered:
.L_overlay_start_0:
0x88: {  	s2 =	sld [smem:$0x3FD9]  }
0x89: {  	s3 =	sld [smem:$0x3FFE];
	_ =	sdelay $0x1  }
0x8a: {  	s1 =	srdreg.scid  }
0x8b: {  	s0 =	sand.u32 $0x1, s1  }
0x8c: {  	s16 =	sshll.u32 s0, $0xA;
	s2 =	sadd.s32 s3, s2  }
0x8d: {  	s2 =	sadd.s32 s2, s16  }
0x8e: {  	[smem:$0x3FBB] =	sst s2  }
0x8f: {  	_ = 	snop  }
0x90: {  	(tm) =	ssettm $0x1  }
0x91: {  	s17 =	sld [smem:$0x3FFB];
	_ =	sdelay $0x3  }
0x92: {  	_ =	strace s17  }
0x93: {  	s2 =	sld [smem:$0x3FFC];
	_ =	sdelay $0x3  }
0x94: {  	_ =	strace s2  }
0x95: {  	s2 =	sld [smem:$0x3FFD];
	_ =	sdelay $0x3  }
0x96: {  	_ =	strace s2  }
0x97: {  	_ =	strace $0x8FFFFFFF  }
0x98: {  	s18 =	sld [smem:$0x3FDB];
	_ =	sdelay $0x1  }
0x99: {  	s19 =	simm.s32 $_scs_section_size  }
0x9a: {  	s4 =	simm.s32 $_size__tile_overlayer_lowered;
	s5 =	simm.s32 $_tile_overlayer_lowered  }
0x9b: {  	s22 =	simm.s32 $0x1BFF;
	s21 =	sshll.u32 s5, $0x1;
	s2 =	sadd.s32 s19, s18  }
0x9c: {  	s6 =	simm.s32 $0x0;
	s20 =	sshll.u32 s4, $0x1;
	s4 =	sadd.s32 s21, s2  }
0x9d: {  	[timem:s6], [sflag:s22] =	dma.local [hbm:s4], s20  }
0x9e: {  	_ =	swait.ge [sflag:s22], s20  }
0x9f: {  	s3 =	ssub.s32 $0x0, s20;
	[sflag:s22] =	ssyncset.done $0x0  }
0xa0: {  	[sflag:s22] =	ssyncadd.s32 s3;
	_ =	sdelay $0x1  }
0xa1: {  	s23 =	simm.s32 $0x1B8B  }
0xa2: {  	_ =	swait.ge [sflag:s23], $0x1  }
0xa3: {  	[sflag:s23] =	ssyncset.done $0x0  }
0xa4: {  	s25 =	simm.s32 $0x1B8E;
	s24 =	sld [smem:$0x3FFE];
	[sflag:s23] =	ssyncadd.s32 $0xFFFFFFFF  }
0xa5: {  	s26 =	simm.s32 $execute0_lowered;
	[smem:$0x3FD2] =	sst s25  }
0xa6: {  	s4 =	sshll.u32 s26, $0x1;
	_ =	strace $0x8000004F;
	[dreg:$0x1] =	wrdreg $0xFFFFFFFF  }
0xa7: {  	s28 =	simm.s32 $_size_execute0_lowered;
	s2 =	sadd.s32 s2, s4;
	[dreg:$0x0] =	wrdreg $0x0  }
0xa8: {  	s4 =	sshll.u32 s28, $0x1;
	[dreg:$0x2] =	wrdreg s2  }
0xa9: {  	[dreg:$0x3] =	wrdreg s4  }
0xaa: {  	[dreg:$0x4] =	wrdreg $0xC0  }
0xab: {  	_ =	task [dreg:s6], $0x5FFFF  }
0xac: {  	[dreg:$0x1] =	wrdreg $0xFFFFFFFF  }
0xad: {  	[dreg:$0x0] =	wrdreg $0x60  }
0xae: {  	[dreg:$0x2] =	wrdreg s24  }
0xaf: {  	[dreg:$0x3] =	wrdreg $0x9  }
0xb0: {  	_ =	task.clear_ibuf [dreg:s6], $0x4FFFF;
	_ =	strace $0x9000004F  }
0xb1: {  	s29 =	simm.s32 $0x9;
	_ =	strace $0x80000051  }
0xb2: {  	_ =	swait.ge [sflag:s29], $0x1  }
0xb3: {  	[sflag:s29] =	ssyncadd.s32 $0xFFFFFFFF  }
0xb4: {  	_ =	strace $0x90000051  }
0xb5: {  	_ =	sfence  }
0xb6: {  	s30 =	sld [smem:$0x0];
	_ =	sdelay $0x2  }
0xb7: {  	s31 =	sshll.u32 s1, $0xD;
	s1 =	sshrl.u32 s1, $0x2  }
0xb8: {  	s3 =	sand.u32 $0x4000, s31;
	s1 =	sadd.s32 s1, s30  }
0xb9: {  	s0 =	sor.u32 s3, s0;
	s1 =	sshll.u32 s1, $0x11  }
0xba: {  	s0 =	sor.u32 s1, s0  }
0xbb: {  	s0 =	sadd.s32 $0x8F2B, s0  }
0xbc: {  	[sflag:s0] =	ssyncadd.remote.s32 $0x1  }
0xbd: {  	_ =	sfence.sel $0xFFFF  }
0xbe: {  	[dreg:$0x0] =	wrdreg $0xFFFFFFFF;
	(pc) =	sbr.abs _section_cstart, $3  }
0xbf: {  	[dreg:$0x1] =	wrdreg $0xFFFFFFFF  }
0xc0: {  	_ =	task.clear_ibuf [dreg:s6], $0x2FFFF;
	_ =	strace $0x9FFFFFFF  }
0xc1: {  	(tm) =	ssettm $0x7FFFFFFF  }
tec
execute0_lowered:
.L_overlay_start_1:
0x0: {  	(tag) =	ssettag $0x1  }
0x1: {  	s0 =	rddreg [dreg:$0x0];
	s1 =	srdreg.scid  }
0x2: {  	s2 =	simm.s32 $0x0;
	s3 =	stileid.u32;
	s18 =	simm.s32 $0x1  }
0x3: {  	s20 =	simm.s32 $0x880;
	s21 =	simm.s32 $0x1080;
	s22 =	simm.s32 $0x1880  }
0x4: {  	s23 =	simm.s32 $0x2080;
	s28 =	simm.s32 $0x4080;
	s29 =	simm.s32 $0x4880  }
0x5: {  	s30 =	simm.s32 $0x5080;
	s31 =	simm.s32 $0x5880;
	s11 =	simm.s32 $0x7880  }
0x6: {  	s12 =	simm.s32 $0x8080;
	s13 =	simm.s32 $0x8880;
	s14 =	simm.s32 $0x9080  }
0x7: {  	s15 =	simm.s32 $0x9880;
	s16 =	simm.s32 $0xA080;
	s17 =	simm.s32 $0xA880  }
0x8: {  	s1 =	sand.u32 $0x1, s1;
	[smem:$0x7FF] =	sst s2;
	s3 =	sshll.u32 s3, $0x8  }
0x9: {  	s6 =	sadd.s32 $0x1C00, s0;
	s8 =	sadd.s32 $0x1E00, s0;
	s4 =	sshll.u32 s1, $0x7  }
0xa: {  	_ =	strace $0x80000050;
	s1 =	ssub.s32 $0x2, s1;
	s5 =	sor.u32 s4, s3  }
0xb: {  	s3 =	sadd.s32 $0x182C00, s0;
	s7 =	sshrl.u32 s1, $0x1;
	s4 =	sshrl.u32 s5, $0x3  }
0xc: {  	s1 =	ssub.s32 s1, s7;
	s24 =	sshll.u32 s5, $0x7;
	s9 =	sor.u32 $0x40, s5  }
0xd: {  	s5 =	sadd.s32 $0x182E00, s0;
	s4 =	sadd.s32 s6, s4;
	s7 =	sadd.s32 s8, s24  }
0xe: {  	s10 =	sshrl.u32 s9, $0x3;
	s9 =	sshll.u32 s9, $0x7;
	[dreg:$0x2] =	wrdreg s4  }
0xf: {  	s24 =	simm.s32 $0x2880;
	s4 =	sadd.s32 $0x182D00, s0;
	[dreg:$0x3] =	wrdreg s7  }
0x10: {  	s25 =	sadd.s32 s6, s10;
	s6 =	sadd.s32 $0x182F00, s0;
	s26 =	sadd.s32 s8, s9  }
0x11: {  	v2 =	vlaneseq.u32;
	s7 =	smax.u32 s1, $0x1;
	s8 =	simm.s32 $0x2;
	s0 =	simm.s32 $0x80  }
0x12: {  	vm0 =	vmmov $0xffff;
	v1 =	vshrl.u32 v2, $0x3;
	s10 =	simm.s32 $0x7080;
	s9 =	simm.s32 $0xB080;
	[dreg:$0x4] =	wrdreg s25  }
0x13: {  	v0 =	vand.u32 $0x7, v2;
	v2 =	vor.u32 $0x8, v2;
	v1 =	vmul.u32 $0x8, v1;
	[dreg:$0x5] =	wrdreg s26;
	s25 =	simm.s32 $0x3080;
	s26 =	simm.s32 $0x3880  }
.LBB2_1:
0x14: {  	s19 =	rddreg [dreg:$0x2]  }
0x15: {  	[tilespmem:s2], [sflag:$0x2] =	stream.linear.gather [hbm4b:s19+s2], $0x40, $0x38;
	[tilespmem:$0x10080] =	vst v63  }
0x16: {  	_ =	swait.ge [sflag:s8], $0x40  }
0x17: {  	[sflag:s8] =	ssyncset.done $0x0  }
0x18: {  	[sflag:s8] =	ssyncadd.s32 $0xFFFFFFC0  }
0x19: {  	v3 =	vld [tilespmem:$0x0];
	_ =	sdelay $0x4  }
0x1a: {  	v4 =	vshll.u32 v3, $0x3  }
0x1b: {  	v3 =	vand.u32 $0x7, v3;
	v4 =	vand.u32 $0xFFFFFFC0, v4  }
0x1c: {  	v3 =	vor.u32 v3, v4  }
0x1d: {  	v4 =	vperm.xlane v3, v0;
	_ =	sdelay $0x1  }
0x1e: {  	v4 =	vadd.s32 v1, v4;
	_ =	sdelay $0x4  }
0x1f: {  	[tilespmem:s0], [sflag:$0x1] =	stream.indirect_vreg.gather [hbm4b:s3+s2], $0x80, v4, vm0, $0xb8;
	[tilespmem:$0x10080] =	vst v63  }
0x20: {  	v3 =	vperm.xlane v3, v2  }
0x21: {  	[tilespmem:s20], [sflag:$0x1] =	stream.indirect_vreg.gather [hbm4b:s4+s2], $0x80, v4, vm0, $0xb8;
	[tilespmem:$0x10080] =	vst v63  }
0x22: {  	v3 =	vadd.s32 v1, v3  }
0x23: {  	[tilespmem:s21], [sflag:$0x1] =	stream.indirect_vreg.gather [hbm4b:s5+s2], $0x80, v4, vm0, $0xb8;
	[tilespmem:$0x10080] =	vst v63  }
0x24: {  	_ = 	snop  }
0x25: {  	[tilespmem:s22], [sflag:$0x1] =	stream.indirect_vreg.gather [hbm4b:s6+s2], $0x80, v4, vm0, $0xb8;
	[tilespmem:$0x10080] =	vst v63  }
0x26: {  	_ = 	snop  }
0x27: {  	[tilespmem:s23], [sflag:$0x1] =	stream.indirect_vreg.gather [hbm4b:s3+s2], $0x80, v3, vm0, $0xb8;
	[tilespmem:$0x10080] =	vst v63  }
0x28: {  	_ = 	snop  }
0x29: {  	[tilespmem:s24], [sflag:$0x1] =	stream.indirect_vreg.gather [hbm4b:s4+s2], $0x80, v3, vm0, $0xb8;
	[tilespmem:$0x10080] =	vst v63  }
0x2a: {  	_ = 	snop  }
0x2b: {  	[tilespmem:s25], [sflag:$0x1] =	stream.indirect_vreg.gather [hbm4b:s5+s2], $0x80, v3, vm0, $0xb8;
	[tilespmem:$0x10080] =	vst v63  }
0x2c: {  	_ = 	snop  }
0x2d: {  	[tilespmem:s26], [sflag:$0x1] =	stream.indirect_vreg.gather [hbm4b:s6+s2], $0x80, v3, vm0, $0xb8;
	[tilespmem:$0x10080] =	vst v63  }
0x2e: {  	v3 =	vld [tilespmem:$0x10];
	_ =	sdelay $0x4  }
0x2f: {  	v57 =	vshll.u32 v3, $0x3  }
0x30: {  	v3 =	vand.u32 $0x7, v3;
	v4 =	vand.u32 $0xFFFFFFC0, v57  }
0x31: {  	v3 =	vor.u32 v3, v4  }
0x32: {  	v4 =	vperm.xlane v3, v0;
	_ =	sdelay $0x1  }
0x33: {  	v4 =	vadd.s32 v1, v4;
	_ =	sdelay $0x4  }
0x34: {  	[tilespmem:s28], [sflag:$0x1] =	stream.indirect_vreg.gather [hbm4b:s3+s2], $0x80, v4, vm0, $0xb8;
	[tilespmem:$0x10080] =	vst v63  }
0x35: {  	v3 =	vperm.xlane v3, v2  }
0x36: {  	[tilespmem:s29], [sflag:$0x1] =	stream.indirect_vreg.gather [hbm4b:s4+s2], $0x80, v4, vm0, $0xb8;
	[tilespmem:$0x10080] =	vst v63  }
0x37: {  	v3 =	vadd.s32 v1, v3  }
0x38: {  	[tilespmem:s30], [sflag:$0x1] =	stream.indirect_vreg.gather [hbm4b:s5+s2], $0x80, v4, vm0, $0xb8;
	[tilespmem:$0x10080] =	vst v63  }
0x39: {  	_ = 	snop  }
0x3a: {  	[tilespmem:s31], [sflag:$0x1] =	stream.indirect_vreg.gather [hbm4b:s6+s2], $0x80, v4, vm0, $0xb8;
	[tilespmem:$0x10080] =	vst v63  }
0x3b: {  	s1 =	simm.s32 $0x6080  }
0x3c: {  	[tilespmem:s1], [sflag:$0x1] =	stream.indirect_vreg.gather [hbm4b:s3+s2], $0x80, v3, vm0, $0xb8;
	[tilespmem:$0x10080] =	vst v63  }
0x3d: {  	s1 =	simm.s32 $0x6880  }
0x3e: {  	[tilespmem:s1], [sflag:$0x1] =	stream.indirect_vreg.gather [hbm4b:s4+s2], $0x80, v3, vm0, $0xb8;
	[tilespmem:$0x10080] =	vst v63  }
0x3f: {  	_ = 	snop  }
0x40: {  	[tilespmem:s10], [sflag:$0x1] =	stream.indirect_vreg.gather [hbm4b:s5+s2], $0x80, v3, vm0, $0xb8;
	[tilespmem:$0x10080] =	vst v63  }
0x41: {  	_ = 	snop  }
0x42: {  	[tilespmem:s11], [sflag:$0x1] =	stream.indirect_vreg.gather [hbm4b:s6+s2], $0x80, v3, vm0, $0xb8;
	[tilespmem:$0x10080] =	vst v63  }
0x43: {  	v3 =	vld [tilespmem:$0x20];
	_ =	sdelay $0x4  }
0x44: {  	v58 =	vshll.u32 v3, $0x3  }
0x45: {  	v3 =	vand.u32 $0x7, v3;
	v4 =	vand.u32 $0xFFFFFFC0, v58  }
0x46: {  	v3 =	vor.u32 v3, v4  }
0x47: {  	v4 =	vperm.xlane v3, v0;
	_ =	sdelay $0x1  }
0x48: {  	v4 =	vadd.s32 v1, v4;
	_ =	sdelay $0x4  }
0x49: {  	[tilespmem:s12], [sflag:$0x1] =	stream.indirect_vreg.gather [hbm4b:s3+s2], $0x80, v4, vm0, $0xb8;
	[tilespmem:$0x10080] =	vst v63  }
0x4a: {  	v3 =	vperm.xlane v3, v2  }
0x4b: {  	[tilespmem:s13], [sflag:$0x1] =	stream.indirect_vreg.gather [hbm4b:s4+s2], $0x80, v4, vm0, $0xb8;
	[tilespmem:$0x10080] =	vst v63  }
0x4c: {  	v3 =	vadd.s32 v1, v3  }
0x4d: {  	[tilespmem:s14], [sflag:$0x1] =	stream.indirect_vreg.gather [hbm4b:s5+s2], $0x80, v4, vm0, $0xb8;
	[tilespmem:$0x10080] =	vst v63  }
0x4e: {  	_ = 	snop  }
0x4f: {  	[tilespmem:s15], [sflag:$0x1] =	stream.indirect_vreg.gather [hbm4b:s6+s2], $0x80, v4, vm0, $0xb8;
	[tilespmem:$0x10080] =	vst v63  }
0x50: {  	_ = 	snop  }
0x51: {  	[tilespmem:s16], [sflag:$0x1] =	stream.indirect_vreg.gather [hbm4b:s3+s2], $0x80, v3, vm0, $0xb8;
	[tilespmem:$0x10080] =	vst v63  }
0x52: {  	_ = 	snop  }
0x53: {  	[tilespmem:s17], [sflag:$0x1] =	stream.indirect_vreg.gather [hbm4b:s4+s2], $0x80, v3, vm0, $0xb8;
	[tilespmem:$0x10080] =	vst v63  }
0x54: {  	_ = 	snop  }
0x55: {  	[tilespmem:s9], [sflag:$0x1] =	stream.indirect_vreg.gather [hbm4b:s5+s2], $0x80, v3, vm0, $0xb8;
	[tilespmem:$0x10080] =	vst v63  }
0x56: {  	s19 =	simm.s32 $0xB880  }
0x57: {  	[tilespmem:s19], [sflag:$0x1] =	stream.indirect_vreg.gather [hbm4b:s6+s2], $0x80, v3, vm0, $0xb8;
	[tilespmem:$0x10080] =	vst v63  }
0x58: {  	v3 =	vld [tilespmem:$0x30];
	_ =	sdelay $0x4  }
0x59: {  	v59 =	vshll.u32 v3, $0x3  }
0x5a: {  	v3 =	vand.u32 $0x7, v3;
	v4 =	vand.u32 $0xFFFFFFC0, v59  }
0x5b: {  	v3 =	vor.u32 v3, v4  }
0x5c: {  	v4 =	vperm.xlane v3, v0;
	_ =	sdelay $0x1  }
0x5d: {  	v4 =	vadd.s32 v1, v4;
	_ =	sdelay $0x3  }
0x5e: {  	s19 =	simm.s32 $0xC080  }
0x5f: {  	[tilespmem:s19], [sflag:$0x1] =	stream.indirect_vreg.gather [hbm4b:s3+s2], $0x80, v4, vm0, $0xb8;
	[tilespmem:$0x10080] =	vst v63  }
0x60: {  	v3 =	vperm.xlane v3, v2;
	s19 =	simm.s32 $0xC880  }
0x61: {  	[tilespmem:s19], [sflag:$0x1] =	stream.indirect_vreg.gather [hbm4b:s4+s2], $0x80, v4, vm0, $0xb8;
	[tilespmem:$0x10080] =	vst v63  }
0x62: {  	v3 =	vadd.s32 v1, v3;
	s19 =	simm.s32 $0xD080  }
0x63: {  	[tilespmem:s19], [sflag:$0x1] =	stream.indirect_vreg.gather [hbm4b:s5+s2], $0x80, v4, vm0, $0xb8;
	[tilespmem:$0x10080] =	vst v63  }
0x64: {  	s19 =	simm.s32 $0xD880  }
0x65: {  	[tilespmem:s19], [sflag:$0x1] =	stream.indirect_vreg.gather [hbm4b:s6+s2], $0x80, v4, vm0, $0xb8;
	[tilespmem:$0x10080] =	vst v63  }
0x66: {  	s19 =	simm.s32 $0xE080  }
0x67: {  	[tilespmem:s19], [sflag:$0x1] =	stream.indirect_vreg.gather [hbm4b:s3+s2], $0x80, v3, vm0, $0xb8;
	[tilespmem:$0x10080] =	vst v63  }
0x68: {  	s19 =	simm.s32 $0xE880  }
0x69: {  	[tilespmem:s19], [sflag:$0x1] =	stream.indirect_vreg.gather [hbm4b:s4+s2], $0x80, v3, vm0, $0xb8;
	[tilespmem:$0x10080] =	vst v63  }
0x6a: {  	s19 =	simm.s32 $0xF080  }
0x6b: {  	[tilespmem:s19], [sflag:$0x1] =	stream.indirect_vreg.gather [hbm4b:s5+s2], $0x80, v3, vm0, $0xb8;
	[tilespmem:$0x10080] =	vst v63  }
0x6c: {  	s19 =	simm.s32 $0xF880  }
0x6d: {  	[tilespmem:s19], [sflag:$0x1] =	stream.indirect_vreg.gather [hbm4b:s6+s2], $0x80, v3, vm0, $0xb8;
	[tilespmem:$0x10080] =	vst v63  }
0x6e: {  	_ =	swait.ge [sflag:s18], $0x10000  }
0x6f: {  	[sflag:s18] =	ssyncset.done $0x0  }
0x70: {  	s19 =	rddreg [dreg:$0x3];
	[sflag:s18] =	ssyncadd.s32 $0xFFFF0000  }
0x71: {  	[hbm4b:s19+s2] =	stream.linear.scatter [tilespmem:s0], [sflag:$0x2], $0x10000, $0x38;
	[tilespmem:$0x10080] =	vst v63  }
0x72: {  	_ =	swait.ge [sflag:s8], $0x10000  }
0x73: {  	[sflag:s8] =	ssyncset.done $0x0  }
0x74: {  	s19 =	rddreg [dreg:$0x4];
	[sflag:s8] =	ssyncadd.s32 $0xFFFF0000  }
0x75: {  	[tilespmem:s2], [sflag:$0x2] =	stream.linear.gather [hbm4b:s19+s2], $0x40, $0x38;
	[tilespmem:$0x10080] =	vst v63  }
0x76: {  	_ =	swait.ge [sflag:s8], $0x40  }
0x77: {  	[sflag:s8] =	ssyncset.done $0x0  }
0x78: {  	[sflag:s8] =	ssyncadd.s32 $0xFFFFFFC0  }
0x79: {  	v3 =	vld [tilespmem:$0x0];
	_ =	sdelay $0x4  }
0x7a: {  	v60 =	vshll.u32 v3, $0x3  }
0x7b: {  	v3 =	vand.u32 $0x7, v3;
	v4 =	vand.u32 $0xFFFFFFC0, v60  }
0x7c: {  	v3 =	vor.u32 v3, v4  }
0x7d: {  	v4 =	vperm.xlane v3, v0;
	_ =	sdelay $0x1  }
0x7e: {  	v4 =	vadd.s32 v1, v4;
	_ =	sdelay $0x4  }
0x7f: {  	[tilespmem:s0], [sflag:$0x1] =	stream.indirect_vreg.gather [hbm4b:s3+s2], $0x80, v4, vm0, $0xb8;
	[tilespmem:$0x10080] =	vst v63  }
0x80: {  	v3 =	vperm.xlane v3, v2  }
0x81: {  	[tilespmem:s20], [sflag:$0x1] =	stream.indirect_vreg.gather [hbm4b:s4+s2], $0x80, v4, vm0, $0xb8;
	[tilespmem:$0x10080] =	vst v63  }
0x82: {  	v3 =	vadd.s32 v1, v3  }
0x83: {  	[tilespmem:s21], [sflag:$0x1] =	stream.indirect_vreg.gather [hbm4b:s5+s2], $0x80, v4, vm0, $0xb8;
	[tilespmem:$0x10080] =	vst v63  }
0x84: {  	_ = 	snop  }
0x85: {  	[tilespmem:s22], [sflag:$0x1] =	stream.indirect_vreg.gather [hbm4b:s6+s2], $0x80, v4, vm0, $0xb8;
	[tilespmem:$0x10080] =	vst v63  }
0x86: {  	_ = 	snop  }
0x87: {  	[tilespmem:s23], [sflag:$0x1] =	stream.indirect_vreg.gather [hbm4b:s3+s2], $0x80, v3, vm0, $0xb8;
	[tilespmem:$0x10080] =	vst v63  }
0x88: {  	_ = 	snop  }
0x89: {  	[tilespmem:s24], [sflag:$0x1] =	stream.indirect_vreg.gather [hbm4b:s4+s2], $0x80, v3, vm0, $0xb8;
	[tilespmem:$0x10080] =	vst v63  }
0x8a: {  	_ = 	snop  }
0x8b: {  	[tilespmem:s25], [sflag:$0x1] =	stream.indirect_vreg.gather [hbm4b:s5+s2], $0x80, v3, vm0, $0xb8;
	[tilespmem:$0x10080] =	vst v63  }
0x8c: {  	_ = 	snop  }
0x8d: {  	[tilespmem:s26], [sflag:$0x1] =	stream.indirect_vreg.gather [hbm4b:s6+s2], $0x80, v3, vm0, $0xb8;
	[tilespmem:$0x10080] =	vst v63  }
0x8e: {  	v3 =	vld [tilespmem:$0x10];
	_ =	sdelay $0x4  }
0x8f: {  	v61 =	vshll.u32 v3, $0x3  }
0x90: {  	v3 =	vand.u32 $0x7, v3;
	v4 =	vand.u32 $0xFFFFFFC0, v61  }
0x91: {  	v3 =	vor.u32 v3, v4  }
0x92: {  	v4 =	vperm.xlane v3, v0;
	_ =	sdelay $0x1  }
0x93: {  	v4 =	vadd.s32 v1, v4;
	_ =	sdelay $0x4  }
0x94: {  	[tilespmem:s28], [sflag:$0x1] =	stream.indirect_vreg.gather [hbm4b:s3+s2], $0x80, v4, vm0, $0xb8;
	[tilespmem:$0x10080] =	vst v63  }
0x95: {  	v3 =	vperm.xlane v3, v2  }
0x96: {  	[tilespmem:s29], [sflag:$0x1] =	stream.indirect_vreg.gather [hbm4b:s4+s2], $0x80, v4, vm0, $0xb8;
	[tilespmem:$0x10080] =	vst v63  }
0x97: {  	v3 =	vadd.s32 v1, v3  }
0x98: {  	[tilespmem:s30], [sflag:$0x1] =	stream.indirect_vreg.gather [hbm4b:s5+s2], $0x80, v4, vm0, $0xb8;
	[tilespmem:$0x10080] =	vst v63  }
0x99: {  	_ = 	snop  }
0x9a: {  	[tilespmem:s31], [sflag:$0x1] =	stream.indirect_vreg.gather [hbm4b:s6+s2], $0x80, v4, vm0, $0xb8;
	[tilespmem:$0x10080] =	vst v63  }
0x9b: {  	s19 =	simm.s32 $0x6080  }
0x9c: {  	[tilespmem:s19], [sflag:$0x1] =	stream.indirect_vreg.gather [hbm4b:s3+s2], $0x80, v3, vm0, $0xb8;
	[tilespmem:$0x10080] =	vst v63  }
0x9d: {  	_ = 	snop  }
0x9e: {  	[tilespmem:s1], [sflag:$0x1] =	stream.indirect_vreg.gather [hbm4b:s4+s2], $0x80, v3, vm0, $0xb8;
	[tilespmem:$0x10080] =	vst v63  }
0x9f: {  	_ = 	snop  }
0xa0: {  	[tilespmem:s10], [sflag:$0x1] =	stream.indirect_vreg.gather [hbm4b:s5+s2], $0x80, v3, vm0, $0xb8;
	[tilespmem:$0x10080] =	vst v63  }
0xa1: {  	_ = 	snop  }
0xa2: {  	[tilespmem:s11], [sflag:$0x1] =	stream.indirect_vreg.gather [hbm4b:s6+s2], $0x80, v3, vm0, $0xb8;
	[tilespmem:$0x10080] =	vst v63  }
0xa3: {  	v3 =	vld [tilespmem:$0x20];
	_ =	sdelay $0x4  }
0xa4: {  	v62 =	vshll.u32 v3, $0x3  }
0xa5: {  	v3 =	vand.u32 $0x7, v3;
	v4 =	vand.u32 $0xFFFFFFC0, v62  }
0xa6: {  	v3 =	vor.u32 v3, v4  }
0xa7: {  	v4 =	vperm.xlane v3, v0;
	_ =	sdelay $0x1  }
0xa8: {  	v4 =	vadd.s32 v1, v4;
	_ =	sdelay $0x4  }
0xa9: {  	[tilespmem:s12], [sflag:$0x1] =	stream.indirect_vreg.gather [hbm4b:s3+s2], $0x80, v4, vm0, $0xb8;
	[tilespmem:$0x10080] =	vst v63  }
0xaa: {  	v3 =	vperm.xlane v3, v2  }
0xab: {  	[tilespmem:s13], [sflag:$0x1] =	stream.indirect_vreg.gather [hbm4b:s4+s2], $0x80, v4, vm0, $0xb8;
	[tilespmem:$0x10080] =	vst v63  }
0xac: {  	v3 =	vadd.s32 v1, v3  }
0xad: {  	[tilespmem:s14], [sflag:$0x1] =	stream.indirect_vreg.gather [hbm4b:s5+s2], $0x80, v4, vm0, $0xb8;
	[tilespmem:$0x10080] =	vst v63  }
0xae: {  	_ = 	snop  }
0xaf: {  	[tilespmem:s15], [sflag:$0x1] =	stream.indirect_vreg.gather [hbm4b:s6+s2], $0x80, v4, vm0, $0xb8;
	[tilespmem:$0x10080] =	vst v63  }
0xb0: {  	_ = 	snop  }
0xb1: {  	[tilespmem:s16], [sflag:$0x1] =	stream.indirect_vreg.gather [hbm4b:s3+s2], $0x80, v3, vm0, $0xb8;
	[tilespmem:$0x10080] =	vst v63  }
0xb2: {  	_ = 	snop  }
0xb3: {  	[tilespmem:s17], [sflag:$0x1] =	stream.indirect_vreg.gather [hbm4b:s4+s2], $0x80, v3, vm0, $0xb8;
	[tilespmem:$0x10080] =	vst v63  }
0xb4: {  	_ = 	snop  }
0xb5: {  	[tilespmem:s9], [sflag:$0x1] =	stream.indirect_vreg.gather [hbm4b:s5+s2], $0x80, v3, vm0, $0xb8;
	[tilespmem:$0x10080] =	vst v63  }
0xb6: {  	s19 =	simm.s32 $0xB880  }
0xb7: {  	[tilespmem:s19], [sflag:$0x1] =	stream.indirect_vreg.gather [hbm4b:s6+s2], $0x80, v3, vm0, $0xb8;
	[tilespmem:$0x10080] =	vst v63  }
0xb8: {  	v3 =	vld [tilespmem:$0x30];
	_ =	sdelay $0x4  }
0xb9: {  	v63 =	vshll.u32 v3, $0x3  }
0xba: {  	v3 =	vand.u32 $0x7, v3;
	v4 =	vand.u32 $0xFFFFFFC0, v63  }
0xbb: {  	v3 =	vor.u32 v3, v4  }
0xbc: {  	v4 =	vperm.xlane v3, v0;
	_ =	sdelay $0x1  }
0xbd: {  	v4 =	vadd.s32 v1, v4;
	_ =	sdelay $0x3  }
0xbe: {  	s19 =	simm.s32 $0xC080  }
0xbf: {  	[tilespmem:s19], [sflag:$0x1] =	stream.indirect_vreg.gather [hbm4b:s3+s2], $0x80, v4, vm0, $0xb8;
	[tilespmem:$0x10080] =	vst v63  }
0xc0: {  	v3 =	vperm.xlane v3, v2;
	s19 =	simm.s32 $0xC880  }
0xc1: {  	[tilespmem:s19], [sflag:$0x1] =	stream.indirect_vreg.gather [hbm4b:s4+s2], $0x80, v4, vm0, $0xb8;
	[tilespmem:$0x10080] =	vst v63  }
0xc2: {  	v3 =	vadd.s32 v1, v3;
	s19 =	simm.s32 $0xD080  }
0xc3: {  	[tilespmem:s19], [sflag:$0x1] =	stream.indirect_vreg.gather [hbm4b:s5+s2], $0x80, v4, vm0, $0xb8;
	[tilespmem:$0x10080] =	vst v63  }
0xc4: {  	s19 =	simm.s32 $0xD880  }
0xc5: {  	[tilespmem:s19], [sflag:$0x1] =	stream.indirect_vreg.gather [hbm4b:s6+s2], $0x80, v4, vm0, $0xb8;
	[tilespmem:$0x10080] =	vst v63  }
0xc6: {  	s19 =	simm.s32 $0xE080  }
0xc7: {  	[tilespmem:s19], [sflag:$0x1] =	stream.indirect_vreg.gather [hbm4b:s3+s2], $0x80, v3, vm0, $0xb8;
	[tilespmem:$0x10080] =	vst v63  }
0xc8: {  	s19 =	simm.s32 $0xE880  }
0xc9: {  	[tilespmem:s19], [sflag:$0x1] =	stream.indirect_vreg.gather [hbm4b:s4+s2], $0x80, v3, vm0, $0xb8;
	[tilespmem:$0x10080] =	vst v63  }
0xca: {  	s19 =	simm.s32 $0xF080  }
0xcb: {  	[tilespmem:s19], [sflag:$0x1] =	stream.indirect_vreg.gather [hbm4b:s5+s2], $0x80, v3, vm0, $0xb8;
	[tilespmem:$0x10080] =	vst v63  }
0xcc: {  	s19 =	simm.s32 $0xF880  }
0xcd: {  	[tilespmem:s19], [sflag:$0x1] =	stream.indirect_vreg.gather [hbm4b:s6+s2], $0x80, v3, vm0, $0xb8;
	[tilespmem:$0x10080] =	vst v63  }
0xce: {  	_ =	swait.ge [sflag:s18], $0x10000  }
0xcf: {  	p0 =	sne.s32 s7, $0x1;
	[sflag:s18] =	ssyncset.done $0x0  }
.Ltmp0:
0xd0: {  	s1 =	rddreg [dreg:$0x5];
	[sflag:s18] =	ssyncadd.s32 $0xFFFF0000;
	(pc) =	sbr.rel @p0 .LBB2_1-.Ltmp0, $4  }
0xd1: {  	[hbm4b:s1+s2] =	stream.linear.scatter [tilespmem:s0], [sflag:$0x2], $0x10000, $0x38;
	[tilespmem:$0x10080] =	vst v63  }
0xd2: {  	_ =	swait.ge [sflag:s8], $0x10000  }
0xd3: {  	[sflag:s8] =	ssyncset.done $0x0  }
0xd4: {  	s7 =	sadd.s32 $0xFFFFFFFF, s7;
	[sflag:s8] =	ssyncadd.s32 $0xFFFF0000  }
0xd5: {  	_ =	sfence.sel $0x180000  }
0xd6: {  	[bflag:$0x0] =	sbarrier.arrive $0xFFFF  }
0xd7: {  	_ =	strace $0x90000050  }
0xd8: {  	s0 =	stileid.u32;
	[bflag:$0x2] =	sbarrier.arrive $0xFFFF  }
0xd9: {  	p0 =	sne.s32 s0, $0x0;
	s0 =	rddreg [dreg:$0x1]  }
0xda: {  	s0 =	sadd.s32 @!p0 $0x100000, s0  }
0xdb: {  	[sflag:s0] =	ssyncadd.tile.s32 @!p0 $0x1;
	_ =	shalt  }
.Lfunc_end2:
_tile_overlayer_lowered:
.L_overlay_start_2:
0xdc: {  	(tag) =	ssettag $0x2  }
0xdd: {  	s0 =	rddreg [dreg:$0x0];
	s2 =	stileid.u32  }
0xde: {  	s1 =	rddreg [dreg:$0x1];
	p0 =	sne.s32 s2, $0x0  }
0xdf: {  	s3 =	rddreg [dreg:$0x2];
	[bflag:$0x3] =	sbarrier.arrive $0xFFFF;
	s2 =	simm.s32 @!p0 $0x1C02  }
0xe0: {  	[timem:s3], [sflag:s2] =	dma.local @!p0 [hbm:s0], s1  }
0xe1: {  	s0 =	simm.s32 @!p0 $0x2  }
0xe2: {  	_ =	swait.ge @!p0 [sflag:s0], s1  }
0xe3: {  	s1 =	ssub.s32 @!p0 $0x0, s1;
	[sflag:s0] =	ssyncset.done @!p0 $0x0  }
0xe4: {  	[sflag:s0] =	ssyncadd.s32 @!p0 s1  }
0xe5: {  	[bflag:$0x3] =	sbarrier.arrive $0xFFFF  }
0xe6: {  	_ =	shalt  }

// kernel: kernel.9.cloned.1.call-start
scs
__scs_entry_jumppad:
0x0: {  	(pc) =	sbr.rel $0x88, $3  }
0x1: {  	(tag) =	ssettag $0x0;
	lr =	simm.s32 $0x1  }
0x2: {  	[smem:$0x3F94] =	sst lr;
	_ =	strace $0xD0000000  }
0x3: {  	_ = 	snop  }
0x4: {  	_ = 	snop  }
0x5: {  	_ = 	snop  }
0x6: {  	_ = 	snop  }
0x7: {  	_ = 	snop  }
__scs_overlays_trampoline_lowered:
0x8: {  	[smem:$0x3FA3] =	sst s0  }
0x9: {  	[smem:$0x3FA4] =	sst s1  }
0xa: {  	[smem:$0x3FA5] =	sst s2  }
0xb: {  	[smem:$0x3FA6] =	sst s3  }
0xc: {  	[smem:$0x3FA7] =	sst s4  }
0xd: {  	[smem:$0x3FA8] =	sst s5  }
0xe: {  	[smem:$0x3FA9] =	sst s6  }
0xf: {  	[smem:$0x3FAA] =	sst s7  }
0x10: {  	[smem:$0x3FAB] =	sst s8  }
0x11: {  	[smem:$0x3FAC] =	sst s9;
	s0 =	simm.s32 @!p0 $0x0  }
0x12: {  	s1 =	sld [smem:$0x3F92];
	s0 =	simm.s32 @p0 $0x1  }
0x13: {  	[smem:$0x3FAD] =	sst s0;
	s0 =	simm.s32 @!p1 $0x0  }
0x14: {  	s2 =	sld [smem:$0x3F91];
	s0 =	simm.s32 @p1 $0x1  }
0x15: {  	[smem:$0x3FAE] =	sst s0;
	s0 =	simm.s32 @!p2 $0x0  }
0x16: {  	s3 =	sld [smem:$0x3FDB];
	s0 =	simm.s32 @p2 $0x1  }
0x17: {  	s4 =	simm.s32 $0x1BF5;
	[smem:$0x3FB0] =	sst s0  }
0x18: {  	s0 =	sld [smem:$0x3F93];
	_ =	swait.ge [sflag:s4], $0x0  }
0x19: {  	s7 =	sld [smem:$0x3F94]  }
0x1a: {  	s8 =	sadd.s32 $0xFFFFE003, lr  }
0x1b: {  	s9 =	sadd.s32 $0xFFFFFEF7, lr;
	s5 =	simm.s32 $0xFFFFFFFF;
	p2 =	slt.u32 s8, $0xFFFFF086  }
0x1c: {  	p1 =	slt.u32 s9, $0xF7A;
	s5 =	simm.s32 @!p2 $0x0  }
0x1d: {  	s5 =	simm.s32 @p1 $0x1;
	p0 =	seq.s32 s7, s2  }
0x1e: {  	s7 =	smul.u32 @!p0 $0xF7A, s2;
	p2 =	seq.s32 @!p0 s5, $0x0  }
0x1f: {  	s9 =	smul.u32 $0xF7A, s1;
	s8 =	simm.s32 @!p0 $0x1BF5;
	p2 =	por !p2, p0  }
0x20: {  	[sflag:s8] =	ssyncset.s32 @!p0 $0xFFFFF086;
	s6 =	sadd.s32 @!p0 s3, s7;
	s7 =	simm.s32 @!p0 $0x108  }
0x21: {  	s3 =	sadd.s32 s3, s9;
	s6 =	sadd.s32 @!p0 $0x88, s6;
	s7 =	simm.s32 @p2 $0x1082  }
0x22: {  	[simem:s7], [sflag:s8] =	dma.local @!p0 [hbm:s6], $0xF7A  }
0x23: {  	s9 =	sor.u32 $0xD0000000, s2;
	s6 =	simm.s32 $0x108;
	_ =	swait.ge @!p0 [sflag:s8], $0x0  }
0x24: {  	s3 =	sadd.s32 $0x88, s3;
	s6 =	simm.s32 @!p1 $0x1082;
	[sflag:s4] =	ssyncset.s32 $0xFFFFF086  }
0x25: {  	[simem:s6], [sflag:s4] =	dma.local [hbm:s3], $0xF7A  }
0x26: {  	[smem:$0x3F94] =	sst s1;
	(tag) =	ssettag s2;
	_ =	strace s9  }
0x27: {  	s1 =	sld [smem:$0x3FA4]  }
0x28: {  	s2 =	sld [smem:$0x3FA5]  }
0x29: {  	s4 =	sld [smem:$0x3FA7]  }
0x2a: {  	p0 =	seq.s32 s5, $0x0;
	s5 =	sld [smem:$0x3FA8]  }
0x2b: {  	s6 =	sld [smem:$0x3FA9]  }
0x2c: {  	s7 =	sld [smem:$0x3FAA]  }
0x2d: {  	s3 =	simm.s32 $0x108;
	s8 =	sld [smem:$0x3FAB]  }
0x2e: {  	s3 =	simm.s32 @!p0 $0x1082;
	s9 =	sld [smem:$0x3FAC]  }
0x2f: {  	lr =	sadd.s32 s0, s3;
	s0 =	sld [smem:$0x3FA3]  }
0x30: {  	s3 =	sld [smem:$0x3FA6]  }
0x31: {  	[smem:$0x3FAF] =	sst s10  }
0x32: {  	s10 =	sld [smem:$0x3FAD];
	_ =	sdelay $0x3  }
0x33: {  	p0 =	seq.s32 s10, $0x1;
	s10 =	sld [smem:$0x3FAF];
	_ =	sdelay $0x3  }
0x34: {  	[smem:$0x3FAF] =	sst s10  }
0x35: {  	s10 =	sld [smem:$0x3FAE];
	_ =	sdelay $0x3  }
0x36: {  	p1 =	seq.s32 s10, $0x1;
	s10 =	sld [smem:$0x3FAF];
	_ =	sdelay $0x3  }
0x37: {  	[smem:$0x3FAF] =	sst s10  }
0x38: {  	s10 =	sld [smem:$0x3FB0]  }
0x39: {  	_ = 	snop;
	(pc) =	sbr.ind lr, $3  }
0x3a: {  	_ = 	snop  }
0x3b: {  	_ = 	snop  }
0x3c: {  	p2 =	seq.s32 s10, $0x1;
	s10 =	sld [smem:$0x3FAF]  }
0x3d: {  	_ =	shalt  }
0x3e: {  	_ =	shalt  }
0x3f: {  	_ =	shalt  }
0x40: {  	_ =	shalt  }
0x41: {  	_ =	shalt  }
0x42: {  	_ =	shalt  }
0x43: {  	_ =	shalt  }
0x44: {  	_ =	shalt  }
0x45: {  	_ =	shalt  }
0x46: {  	_ =	shalt  }
0x47: {  	_ =	shalt  }
0x48: {  	_ =	shalt  }
0x49: {  	_ =	shalt  }
0x4a: {  	_ =	shalt  }
0x4b: {  	_ =	shalt  }
0x4c: {  	_ =	shalt  }
0x4d: {  	_ =	shalt  }
0x4e: {  	_ =	shalt  }
0x4f: {  	_ =	shalt  }
0x50: {  	_ =	shalt  }
0x51: {  	_ =	shalt  }
0x52: {  	_ =	shalt  }
0x53: {  	_ =	shalt  }
0x54: {  	_ =	shalt  }
0x55: {  	_ =	shalt  }
0x56: {  	_ =	shalt  }
0x57: {  	_ =	shalt  }
0x58: {  	_ =	shalt  }
0x59: {  	_ =	shalt  }
0x5a: {  	_ =	shalt  }
0x5b: {  	_ =	shalt  }
0x5c: {  	_ =	shalt  }
0x5d: {  	_ =	shalt  }
0x5e: {  	_ =	shalt  }
0x5f: {  	_ =	shalt  }
0x60: {  	_ =	shalt  }
0x61: {  	_ =	shalt  }
0x62: {  	_ =	shalt  }
0x63: {  	_ =	shalt  }
0x64: {  	_ =	shalt  }
0x65: {  	_ =	shalt  }
0x66: {  	_ =	shalt  }
0x67: {  	_ =	shalt  }
0x68: {  	_ =	shalt  }
0x69: {  	_ =	shalt  }
0x6a: {  	_ =	shalt  }
0x6b: {  	_ =	shalt  }
0x6c: {  	_ =	shalt  }
0x6d: {  	_ =	shalt  }
0x6e: {  	_ =	shalt  }
0x6f: {  	_ =	shalt  }
0x70: {  	_ =	shalt  }
0x71: {  	_ =	shalt  }
0x72: {  	_ =	shalt  }
0x73: {  	_ =	shalt  }
0x74: {  	_ =	shalt  }
0x75: {  	_ =	shalt  }
0x76: {  	_ =	shalt  }
0x77: {  	_ =	shalt  }
0x78: {  	_ =	shalt  }
0x79: {  	_ =	shalt  }
0x7a: {  	_ =	shalt  }
0x7b: {  	_ =	shalt  }
0x7c: {  	_ =	shalt  }
0x7d: {  	_ =	shalt  }
0x7e: {  	_ =	shalt  }
0x7f: {  	_ =	shalt  }
0x80: {  	_ =	shalt  }
0x81: {  	_ =	shalt  }
0x82: {  	_ =	shalt  }
0x83: {  	_ =	shalt  }
0x84: {  	_ =	shalt  }
0x85: {  	_ =	shalt  }
0x86: {  	_ =	shalt  }
0x87: {  	_ =	shalt  }
.Lfunc_end0:
.L_simem_size_0:
called_computation.2_lowered:
.L_overlay_start_0:
0x88: {  	s2 =	sld [smem:$0x3FD9]  }
0x89: {  	s3 =	sld [smem:$0x3FFE];
	_ =	sdelay $0x1  }
0x8a: {  	s1 =	srdreg.scid  }
0x8b: {  	s0 =	sand.u32 $0x1, s1  }
0x8c: {  	s15 =	sshll.u32 s0, $0xA;
	s2 =	sadd.s32 s3, s2  }
0x8d: {  	s2 =	sadd.s32 s2, s15  }
0x8e: {  	[smem:$0x3FBB] =	sst s2  }
0x8f: {  	_ = 	snop  }
0x90: {  	s2 =	sld [smem:$0x3FD0];
	_ =	sdelay $0x2  }
0x91: {  	s16 =	simm.s32 $0xB;
	s4 =	simm.s32 $0x10  }
0x92: {  	[smem:s4], [sflag:s16] =	dma.local [hbm:s2], $0x1  }
0x93: {  	_ =	swait.eq [sflag:s16], $0x1  }
0x94: {  	[sflag:s16] =	ssyncset.done $0x0  }
0x95: {  	[sflag:s16] =	ssyncadd.s32 $0xFFFFFFFF  }
0x96: {  	s17 =	sld [smem:$0x10];
	(tm) =	ssettm $0x1  }
0x97: {  	s18 =	sld [smem:$0x3FFB];
	_ =	sdelay $0x3  }
0x98: {  	_ =	strace s18  }
0x99: {  	s2 =	sld [smem:$0x3FFC];
	_ =	sdelay $0x3  }
0x9a: {  	_ =	strace s2  }
0x9b: {  	s2 =	sld [smem:$0x3FFD];
	_ =	sdelay $0x3  }
0x9c: {  	_ =	strace s2  }
0x9d: {  	_ =	strace $0x8FFFFFFF  }
0x9e: {  	s19 =	sld [smem:$0x3FDB];
	_ =	sdelay $0x1  }
0x9f: {  	s20 =	simm.s32 $_scs_section_size  }
0xa0: {  	s5 =	simm.s32 $_size__tile_overlayer_lowered;
	s6 =	simm.s32 $_tile_overlayer_lowered  }
0xa1: {  	s7 =	simm.s32 $0x1BFF;
	s21 =	sshll.u32 s6, $0x1;
	s4 =	sadd.s32 s20, s19  }
0xa2: {  	s22 =	simm.s32 $0x0;
	s5 =	sshll.u32 s5, $0x1;
	s6 =	sadd.s32 s21, s4  }
0xa3: {  	[timem:s22], [sflag:s7] =	dma.local [hbm:s6], s5  }
0xa4: {  	_ =	swait.ge [sflag:s7], s5  }
0xa5: {  	s5 =	ssub.s32 $0x0, s5;
	[sflag:s7] =	ssyncset.done $0x0  }
0xa6: {  	[sflag:s7] =	ssyncadd.s32 s5;
	_ =	sdelay $0x1  }
0xa7: {  	s23 =	simm.s32 $0x1B8B  }
0xa8: {  	_ =	swait.ge [sflag:s23], $0x1  }
0xa9: {  	[sflag:s23] =	ssyncset.done $0x0  }
0xaa: {  	[sflag:s23] =	ssyncadd.s32 $0xFFFFFFFF  }
0xab: {  	s5 =	sld [smem:$0x0]  }
0xac: {  	s6 =	sand.u32 $0xFFFFFFFE, s1  }
0xad: {  	p0 =	sne.s32 s1, s6  }
0xae: {  	s6 =	sshll.u32 @p0 s6, $0xE  }
0xaf: {  	s6 =	sadd.s32 @p0 $0x11B8D, s6;
	s7 =	sshll.u32 @p0 s5, $0x11  }
0xb0: {  	s6 =	sor.u32 @p0 s7, s6  }
0xb1: {  	[sflag:s6] =	ssyncadd.remote.s32 @p0 $0x1;
	_ =	sdelay $0x1  }
0xb2: {  	s6 =	simm.s32 @p0 $0x1B8D  }
0xb3: {  	_ =	swait.eq @p0 [sflag:s6], $0x1  }
0xb4: {  	[sflag:s6] =	ssyncadd.s32 @p0 $0xFFFFFFFF  }
0xb5: {  	s7 =	sshll.u32 @!p0 s1, $0xE  }
0xb6: {  	s7 =	sor.u32 @!p0 $0x4000, s7;
	s6 =	simm.s32 @!p0 $0x1B8D  }
0xb7: {  	s5 =	sshll.u32 @!p0 s5, $0x11;
	s7 =	sadd.s32 @!p0 $0x11B8D, s7;
	_ =	swait.eq @!p0 [sflag:s6], $0x1  }
0xb8: {  	s5 =	sor.u32 @!p0 s5, s7;
	[sflag:s6] =	ssyncadd.s32 @!p0 $0xFFFFFFFF  }
0xb9: {  	s25 =	simm.s32 $0x1B8E;
	s24 =	sld [smem:$0x3FFE];
	[sflag:s5] =	ssyncadd.remote.s32 @!p0 $0x1  }
0xba: {  	s26 =	simm.s32 $execute0_lowered;
	[smem:$0x3FD2] =	sst s25  }
0xbb: {  	s6 =	sshll.u32 s26, $0x1;
	_ =	strace $0x8000004C;
	[dreg:$0x1] =	wrdreg $0xFFFFFFFF  }
0xbc: {  	s28 =	simm.s32 $_size_execute0_lowered;
	s4 =	sadd.s32 s4, s6;
	[dreg:$0x0] =	wrdreg $0x0  }
0xbd: {  	s6 =	sshll.u32 s28, $0x1;
	[dreg:$0x2] =	wrdreg s4  }
0xbe: {  	[dreg:$0x3] =	wrdreg s6  }
0xbf: {  	[dreg:$0x4] =	wrdreg $0xC0  }
0xc0: {  	_ =	task [dreg:s22], $0x5FFFF  }
0xc1: {  	[dreg:$0x1] =	wrdreg $0xFFFFFFFF  }
0xc2: {  	[dreg:$0x0] =	wrdreg $0x60  }
0xc3: {  	[dreg:$0x2] =	wrdreg s17  }
0xc4: {  	[dreg:$0x3] =	wrdreg s24  }
0xc5: {  	[dreg:$0x4] =	wrdreg $0xA  }
0xc6: {  	_ =	task.clear_ibuf [dreg:s22], $0x5FFFF;
	_ =	strace $0x9000004C  }
0xc7: {  	s29 =	simm.s32 $0xA;
	_ =	strace $0x8000004E  }
0xc8: {  	_ =	swait.ge [sflag:s29], $0x1  }
0xc9: {  	[sflag:s29] =	ssyncadd.s32 $0xFFFFFFFF  }
0xca: {  	_ =	strace $0x9000004E  }
0xcb: {  	_ =	sfence  }
0xcc: {  	s30 =	sld [smem:$0x0];
	_ =	sdelay $0x2  }
0xcd: {  	s31 =	sshll.u32 s1, $0xD;
	s1 =	sshrl.u32 s1, $0x2  }
0xce: {  	s4 =	sand.u32 $0x4000, s31;
	s1 =	sadd.s32 s1, s30  }
0xcf: {  	s0 =	sor.u32 s4, s0;
	s1 =	sshll.u32 s1, $0x11  }
0xd0: {  	s0 =	sor.u32 s1, s0  }
0xd1: {  	s0 =	sadd.s32 $0x8F2B, s0  }
0xd2: {  	[sflag:s0] =	ssyncadd.remote.s32 $0x1  }
0xd3: {  	_ =	sfence.sel $0xFFFF  }
0xd4: {  	[dreg:$0x0] =	wrdreg $0xFFFFFFFF;
	(pc) =	sbr.abs _section_cstart, $3  }
0xd5: {  	[dreg:$0x1] =	wrdreg $0xFFFFFFFF  }
0xd6: {  	_ =	task.clear_ibuf [dreg:s22], $0x2FFFF;
	_ =	strace $0x9FFFFFFF  }
0xd7: {  	(tm) =	ssettm $0x7FFFFFFF  }
tec
execute0_lowered:
.L_overlay_start_1:
0x0: {  	(tag) =	ssettag $0x1  }
0x1: {  	s2 =	rddreg [dreg:$0x0];
	s0 =	srdreg.scid  }
0x2: {  	s3 =	stileid.u32;
	s1 =	rddreg [dreg:$0x1];
	s30 =	simm.s32 $0x80  }
0x3: {  	s11 =	simm.s32 $0x1;
	s0 =	sand.u32 $0x1, s0;
	s4 =	sshll.u32 s3, $0x1  }
0x4: {  	s3 =	simm.s32 $0x0;
	s6 =	sadd.s32 $0x2400, s1;
	s4 =	sor.u32 s0, s4  }
0x5: {  	s1 =	sadd.s32 $0x2C00, s1;
	s0 =	ssub.s32 $0x2, s0;
	s5 =	smul.u32 $0x180, s4  }
0x6: {  	[smem:$0x7FF] =	sst s3;
	s4 =	smul.u32 $0xC000, s4;
	s8 =	sshrl.u32 s0, $0x1  }
0x7: {  	_ =	strace $0x8000004D;
	s0 =	ssub.s32 s0, s8;
	s8 =	simm.s32 $0x2  }
0x8: {  	s7 =	sshrl.u32 s5, $0x3;
	s9 =	sor.u32 $0x60, s5;
	s4 =	sadd.s32 s1, s4  }
0x9: {  	s26 =	sadd.s32 $0xC0, s5;
	s5 =	sadd.s32 $0x120, s5;
	s7 =	sadd.s32 s6, s7  }
0xa: {  	s22 =	sshrl.u32 s9, $0x3;
	[dreg:$0x4] =	wrdreg s4;
	s24 =	sshll.u32 s9, $0x7  }
0xb: {  	s28 =	sshrl.u32 s26, $0x3;
	[dreg:$0x3] =	wrdreg s7;
	s23 =	sadd.s32 s6, s22  }
0xc: {  	s31 =	sshrl.u32 s5, $0x3;
	s25 =	sadd.s32 s1, s24;
	[dreg:$0x5] =	wrdreg s23  }
0xd: {  	s5 =	sshll.u32 s5, $0x7;
	s4 =	sadd.s32 s6, s28;
	[dreg:$0x6] =	wrdreg s25  }
0xe: {  	s7 =	sshll.u32 s26, $0x7;
	s6 =	sadd.s32 s6, s31;
	[dreg:$0x7] =	wrdreg s4  }
0xf: {  	v2 =	vlaneseq.u32;
	s29 =	sadd.s32 s1, s7;
	s4 =	sadd.s32 $0x100, s2;
	[dreg:$0x9] =	wrdreg s6  }
0x10: {  	vm0 =	vmmov $0xffff;
	v1 =	vshrl.u32 v2, $0x3;
	s1 =	sadd.s32 s1, s5;
	s5 =	sadd.s32 $0x200, s2;
	[dreg:$0x8] =	wrdreg s29  }
0x11: {  	v0 =	vand.u32 $0x7, v2;
	v2 =	vor.u32 $0x8, v2;
	v1 =	vmul.u32 $0x8, v1;
	s6 =	sadd.s32 $0x300, s2;
	s7 =	smax.u32 s0, $0x1;
	[dreg:$0xa] =	wrdreg s1  }
.LBB2_1:
0x12: {  	s12 =	rddreg [dreg:$0x3]  }
0x13: {  	[tilespmem:s3], [sflag:$0x2] =	stream.linear.gather [hbm4b:s12+s3], $0x60, $0x38;
	[tilespmem:$0x18080] =	vst v63  }
0x14: {  	_ =	swait.ge [sflag:s8], $0x60  }
0x15: {  	[sflag:s8] =	ssyncset.done $0x0  }
0x16: {  	[sflag:s8] =	ssyncadd.s32 $0xFFFFFFA0  }
0x17: {  	v3 =	vld [tilespmem:$0x0];
	_ =	sdelay $0x4  }
0x18: {  	v4 =	vshll.u32 v3, $0x3  }
0x19: {  	v3 =	vand.u32 $0x7, v3;
	v4 =	vand.u32 $0xFFFFFFC0, v4  }
0x1a: {  	v3 =	vor.u32 v3, v4  }
0x1b: {  	v4 =	vperm.xlane v3, v0;
	_ =	sdelay $0x1  }
0x1c: {  	v4 =	vadd.s32 v1, v4;
	_ =	sdelay $0x4  }
0x1d: {  	[tilespmem:s30], [sflag:$0x1] =	stream.indirect_vreg.gather [hbm4b:s2+s3], $0x80, v4, vm0, $0xb8;
	[tilespmem:$0x18080] =	vst v63  }
0x1e: {  	s0 =	simm.s32 $0x880;
	v3 =	vperm.xlane v3, v2  }
0x1f: {  	[tilespmem:s0], [sflag:$0x1] =	stream.indirect_vreg.gather [hbm4b:s4+s3], $0x80, v4, vm0, $0xb8;
	[tilespmem:$0x18080] =	vst v63  }
0x20: {  	s16 =	simm.s32 $0x1080;
	v3 =	vadd.s32 v1, v3  }
0x21: {  	[tilespmem:s16], [sflag:$0x1] =	stream.indirect_vreg.gather [hbm4b:s5+s3], $0x80, v4, vm0, $0xb8;
	[tilespmem:$0x18080] =	vst v63  }
0x22: {  	s17 =	simm.s32 $0x1880  }
0x23: {  	[tilespmem:s17], [sflag:$0x1] =	stream.indirect_vreg.gather [hbm4b:s6+s3], $0x80, v4, vm0, $0xb8;
	[tilespmem:$0x18080] =	vst v63  }
0x24: {  	s18 =	simm.s32 $0x2080  }
0x25: {  	[tilespmem:s18], [sflag:$0x1] =	stream.indirect_vreg.gather [hbm4b:s2+s3], $0x80, v3, vm0, $0xb8;
	[tilespmem:$0x18080] =	vst v63  }
0x26: {  	s19 =	simm.s32 $0x2880  }
0x27: {  	[tilespmem:s19], [sflag:$0x1] =	stream.indirect_vreg.gather [hbm4b:s4+s3], $0x80, v3, vm0, $0xb8;
	[tilespmem:$0x18080] =	vst v63  }
0x28: {  	s20 =	simm.s32 $0x3080  }
0x29: {  	[tilespmem:s20], [sflag:$0x1] =	stream.indirect_vreg.gather [hbm4b:s5+s3], $0x80, v3, vm0, $0xb8;
	[tilespmem:$0x18080] =	vst v63  }
0x2a: {  	s21 =	simm.s32 $0x3880  }
0x2b: {  	[tilespmem:s21], [sflag:$0x1] =	stream.indirect_vreg.gather [hbm4b:s6+s3], $0x80, v3, vm0, $0xb8;
	[tilespmem:$0x18080] =	vst v63  }
0x2c: {  	v3 =	vld [tilespmem:$0x10];
	_ =	sdelay $0x4  }
0x2d: {  	v41 =	vshll.u32 v3, $0x3  }
0x2e: {  	v3 =	vand.u32 $0x7, v3;
	v4 =	vand.u32 $0xFFFFFFC0, v41  }
0x2f: {  	v3 =	vor.u32 v3, v4  }
0x30: {  	v4 =	vperm.xlane v3, v0;
	_ =	sdelay $0x1  }
0x31: {  	v4 =	vadd.s32 v1, v4;
	_ =	sdelay $0x3  }
0x32: {  	s22 =	simm.s32 $0x4080  }
0x33: {  	[tilespmem:s22], [sflag:$0x1] =	stream.indirect_vreg.gather [hbm4b:s2+s3], $0x80, v4, vm0, $0xb8;
	[tilespmem:$0x18080] =	vst v63  }
0x34: {  	s23 =	simm.s32 $0x4880;
	v3 =	vperm.xlane v3, v2  }
0x35: {  	[tilespmem:s23], [sflag:$0x1] =	stream.indirect_vreg.gather [hbm4b:s4+s3], $0x80, v4, vm0, $0xb8;
	[tilespmem:$0x18080] =	vst v63  }
0x36: {  	s24 =	simm.s32 $0x5080;
	v3 =	vadd.s32 v1, v3  }
0x37: {  	[tilespmem:s24], [sflag:$0x1] =	stream.indirect_vreg.gather [hbm4b:s5+s3], $0x80, v4, vm0, $0xb8;
	[tilespmem:$0x18080] =	vst v63  }
0x38: {  	s25 =	simm.s32 $0x5880  }
0x39: {  	[tilespmem:s25], [sflag:$0x1] =	stream.indirect_vreg.gather [hbm4b:s6+s3], $0x80, v4, vm0, $0xb8;
	[tilespmem:$0x18080] =	vst v63  }
0x3a: {  	s26 =	simm.s32 $0x6080  }
0x3b: {  	[tilespmem:s26], [sflag:$0x1] =	stream.indirect_vreg.gather [hbm4b:s2+s3], $0x80, v3, vm0, $0xb8;
	[tilespmem:$0x18080] =	vst v63  }
0x3c: {  	s28 =	simm.s32 $0x6880  }
0x3d: {  	[tilespmem:s28], [sflag:$0x1] =	stream.indirect_vreg.gather [hbm4b:s4+s3], $0x80, v3, vm0, $0xb8;
	[tilespmem:$0x18080] =	vst v63  }
0x3e: {  	s29 =	simm.s32 $0x7080  }
0x3f: {  	[tilespmem:s29], [sflag:$0x1] =	stream.indirect_vreg.gather [hbm4b:s5+s3], $0x80, v3, vm0, $0xb8;
	[tilespmem:$0x18080] =	vst v63  }
0x40: {  	s31 =	simm.s32 $0x7880  }
0x41: {  	[tilespmem:s31], [sflag:$0x1] =	stream.indirect_vreg.gather [hbm4b:s6+s3], $0x80, v3, vm0, $0xb8;
	[tilespmem:$0x18080] =	vst v63  }
0x42: {  	v3 =	vld [tilespmem:$0x20];
	_ =	sdelay $0x4  }
0x43: {  	v42 =	vshll.u32 v3, $0x3  }
0x44: {  	v3 =	vand.u32 $0x7, v3;
	v4 =	vand.u32 $0xFFFFFFC0, v42  }
0x45: {  	v3 =	vor.u32 v3, v4  }
0x46: {  	v4 =	vperm.xlane v3, v0;
	_ =	sdelay $0x1  }
0x47: {  	v4 =	vadd.s32 v1, v4;
	_ =	sdelay $0x3  }
0x48: {  	s10 =	simm.s32 $0x8080  }
0x49: {  	[tilespmem:s10], [sflag:$0x1] =	stream.indirect_vreg.gather [hbm4b:s2+s3], $0x80, v4, vm0, $0xb8;
	[tilespmem:$0x18080] =	vst v63  }
0x4a: {  	s12 =	simm.s32 $0x8880;
	v3 =	vperm.xlane v3, v2  }
0x4b: {  	[tilespmem:s12], [sflag:$0x1] =	stream.indirect_vreg.gather [hbm4b:s4+s3], $0x80, v4, vm0, $0xb8;
	[tilespmem:$0x18080] =	vst v63  }
0x4c: {  	s13 =	simm.s32 $0x9080;
	v3 =	vadd.s32 v1, v3  }
0x4d: {  	[tilespmem:s13], [sflag:$0x1] =	stream.indirect_vreg.gather [hbm4b:s5+s3], $0x80, v4, vm0, $0xb8;
	[tilespmem:$0x18080] =	vst v63  }
0x4e: {  	s14 =	simm.s32 $0x9880  }
0x4f: {  	[tilespmem:s14], [sflag:$0x1] =	stream.indirect_vreg.gather [hbm4b:s6+s3], $0x80, v4, vm0, $0xb8;
	[tilespmem:$0x18080] =	vst v63  }
0x50: {  	s18 =	simm.s32 $0xA080  }
0x51: {  	[tilespmem:s18], [sflag:$0x1] =	stream.indirect_vreg.gather [hbm4b:s2+s3], $0x80, v3, vm0, $0xb8;
	[tilespmem:$0x18080] =	vst v63  }
0x52: {  	s19 =	simm.s32 $0xA880  }
0x53: {  	[tilespmem:s19], [sflag:$0x1] =	stream.indirect_vreg.gather [hbm4b:s4+s3], $0x80, v3, vm0, $0xb8;
	[tilespmem:$0x18080] =	vst v63  }
0x54: {  	s21 =	simm.s32 $0xB080  }
0x55: {  	[tilespmem:s21], [sflag:$0x1] =	stream.indirect_vreg.gather [hbm4b:s5+s3], $0x80, v3, vm0, $0xb8;
	[tilespmem:$0x18080] =	vst v63  }
0x56: {  	s22 =	simm.s32 $0xB880  }
0x57: {  	[tilespmem:s22], [sflag:$0x1] =	stream.indirect_vreg.gather [hbm4b:s6+s3], $0x80, v3, vm0, $0xb8;
	[tilespmem:$0x18080] =	vst v63  }
0x58: {  	v3 =	vld [tilespmem:$0x30];
	_ =	sdelay $0x4  }
0x59: {  	v43 =	vshll.u32 v3, $0x3  }
0x5a: {  	v3 =	vand.u32 $0x7, v3;
	v4 =	vand.u32 $0xFFFFFFC0, v43  }
0x5b: {  	v3 =	vor.u32 v3, v4  }
0x5c: {  	v4 =	vperm.xlane v3, v0;
	_ =	sdelay $0x1  }
0x5d: {  	v4 =	vadd.s32 v1, v4;
	_ =	sdelay $0x3  }
0x5e: {  	s23 =	simm.s32 $0xC080  }
0x5f: {  	[tilespmem:s23], [sflag:$0x1] =	stream.indirect_vreg.gather [hbm4b:s2+s3], $0x80, v4, vm0, $0xb8;
	[tilespmem:$0x18080] =	vst v63  }
0x60: {  	s24 =	simm.s32 $0xC880;
	v3 =	vperm.xlane v3, v2  }
0x61: {  	[tilespmem:s24], [sflag:$0x1] =	stream.indirect_vreg.gather [hbm4b:s4+s3], $0x80, v4, vm0, $0xb8;
	[tilespmem:$0x18080] =	vst v63  }
0x62: {  	s25 =	simm.s32 $0xD080;
	v3 =	vadd.s32 v1, v3  }
0x63: {  	[tilespmem:s25], [sflag:$0x1] =	stream.indirect_vreg.gather [hbm4b:s5+s3], $0x80, v4, vm0, $0xb8;
	[tilespmem:$0x18080] =	vst v63  }
0x64: {  	s26 =	simm.s32 $0xD880  }
0x65: {  	[tilespmem:s26], [sflag:$0x1] =	stream.indirect_vreg.gather [hbm4b:s6+s3], $0x80, v4, vm0, $0xb8;
	[tilespmem:$0x18080] =	vst v63  }
0x66: {  	s28 =	simm.s32 $0xE080  }
0x67: {  	[tilespmem:s28], [sflag:$0x1] =	stream.indirect_vreg.gather [hbm4b:s2+s3], $0x80, v3, vm0, $0xb8;
	[tilespmem:$0x18080] =	vst v63  }
0x68: {  	s29 =	simm.s32 $0xE880  }
0x69: {  	[tilespmem:s29], [sflag:$0x1] =	stream.indirect_vreg.gather [hbm4b:s4+s3], $0x80, v3, vm0, $0xb8;
	[tilespmem:$0x18080] =	vst v63  }
0x6a: {  	s31 =	simm.s32 $0xF080  }
0x6b: {  	[tilespmem:s31], [sflag:$0x1] =	stream.indirect_vreg.gather [hbm4b:s5+s3], $0x80, v3, vm0, $0xb8;
	[tilespmem:$0x18080] =	vst v63  }
0x6c: {  	s0 =	simm.s32 $0xF880  }
0x6d: {  	[tilespmem:s0], [sflag:$0x1] =	stream.indirect_vreg.gather [hbm4b:s6+s3], $0x80, v3, vm0, $0xb8;
	[tilespmem:$0x18080] =	vst v63  }
0x6e: {  	v3 =	vld [tilespmem:$0x40];
	_ =	sdelay $0x4  }
0x6f: {  	v44 =	vshll.u32 v3, $0x3  }
0x70: {  	v3 =	vand.u32 $0x7, v3;
	v4 =	vand.u32 $0xFFFFFFC0, v44  }
0x71: {  	v3 =	vor.u32 v3, v4  }
0x72: {  	v4 =	vperm.xlane v3, v0;
	_ =	sdelay $0x1  }
0x73: {  	v4 =	vadd.s32 v1, v4;
	_ =	sdelay $0x3  }
0x74: {  	s10 =	simm.s32 $0x10080  }
0x75: {  	[tilespmem:s10], [sflag:$0x1] =	stream.indirect_vreg.gather [hbm4b:s2+s3], $0x80, v4, vm0, $0xb8;
	[tilespmem:$0x18080] =	vst v63  }
0x76: {  	s13 =	simm.s32 $0x10880;
	v3 =	vperm.xlane v3, v2  }
0x77: {  	[tilespmem:s13], [sflag:$0x1] =	stream.indirect_vreg.gather [hbm4b:s4+s3], $0x80, v4, vm0, $0xb8;
	[tilespmem:$0x18080] =	vst v63  }
0x78: {  	s14 =	simm.s32 $0x11080;
	v3 =	vadd.s32 v1, v3  }
0x79: {  	[tilespmem:s14], [sflag:$0x1] =	stream.indirect_vreg.gather [hbm4b:s5+s3], $0x80, v4, vm0, $0xb8;
	[tilespmem:$0x18080] =	vst v63  }
0x7a: {  	s18 =	simm.s32 $0x11880  }
0x7b: {  	[tilespmem:s18], [sflag:$0x1] =	stream.indirect_vreg.gather [hbm4b:s6+s3], $0x80, v4, vm0, $0xb8;
	[tilespmem:$0x18080] =	vst v63  }
0x7c: {  	s19 =	simm.s32 $0x12080  }
0x7d: {  	[tilespmem:s19], [sflag:$0x1] =	stream.indirect_vreg.gather [hbm4b:s2+s3], $0x80, v3, vm0, $0xb8;
	[tilespmem:$0x18080] =	vst v63  }
0x7e: {  	s21 =	simm.s32 $0x12880  }
0x7f: {  	[tilespmem:s21], [sflag:$0x1] =	stream.indirect_vreg.gather [hbm4b:s4+s3], $0x80, v3, vm0, $0xb8;
	[tilespmem:$0x18080] =	vst v63  }
0x80: {  	s22 =	simm.s32 $0x13080  }
0x81: {  	[tilespmem:s22], [sflag:$0x1] =	stream.indirect_vreg.gather [hbm4b:s5+s3], $0x80, v3, vm0, $0xb8;
	[tilespmem:$0x18080] =	vst v63  }
0x82: {  	s28 =	simm.s32 $0x13880  }
0x83: {  	[tilespmem:s28], [sflag:$0x1] =	stream.indirect_vreg.gather [hbm4b:s6+s3], $0x80, v3, vm0, $0xb8;
	[tilespmem:$0x18080] =	vst v63  }
0x84: {  	v3 =	vld [tilespmem:$0x50];
	_ =	sdelay $0x4  }
0x85: {  	v45 =	vshll.u32 v3, $0x3  }
0x86: {  	v3 =	vand.u32 $0x7, v3;
	v4 =	vand.u32 $0xFFFFFFC0, v45  }
0x87: {  	v3 =	vor.u32 v3, v4  }
0x88: {  	v4 =	vperm.xlane v3, v0;
	_ =	sdelay $0x1  }
0x89: {  	v4 =	vadd.s32 v1, v4;
	_ =	sdelay $0x3  }
0x8a: {  	s29 =	simm.s32 $0x14080  }
0x8b: {  	[tilespmem:s29], [sflag:$0x1] =	stream.indirect_vreg.gather [hbm4b:s2+s3], $0x80, v4, vm0, $0xb8;
	[tilespmem:$0x18080] =	vst v63  }
0x8c: {  	s31 =	simm.s32 $0x14880;
	v3 =	vperm.xlane v3, v2  }
0x8d: {  	[tilespmem:s31], [sflag:$0x1] =	stream.indirect_vreg.gather [hbm4b:s4+s3], $0x80, v4, vm0, $0xb8;
	[tilespmem:$0x18080] =	vst v63  }
0x8e: {  	s0 =	simm.s32 $0x15080;
	v3 =	vadd.s32 v1, v3  }
0x8f: {  	[tilespmem:s0], [sflag:$0x1] =	stream.indirect_vreg.gather [hbm4b:s5+s3], $0x80, v4, vm0, $0xb8;
	[tilespmem:$0x18080] =	vst v63  }
0x90: {  	s10 =	simm.s32 $0x15880  }
0x91: {  	[tilespmem:s10], [sflag:$0x1] =	stream.indirect_vreg.gather [hbm4b:s6+s3], $0x80, v4, vm0, $0xb8;
	[tilespmem:$0x18080] =	vst v63  }
0x92: {  	s13 =	simm.s32 $0x16080  }
0x93: {  	[tilespmem:s13], [sflag:$0x1] =	stream.indirect_vreg.gather [hbm4b:s2+s3], $0x80, v3, vm0, $0xb8;
	[tilespmem:$0x18080] =	vst v63  }
0x94: {  	s14 =	simm.s32 $0x16880  }
0x95: {  	[tilespmem:s14], [sflag:$0x1] =	stream.indirect_vreg.gather [hbm4b:s4+s3], $0x80, v3, vm0, $0xb8;
	[tilespmem:$0x18080] =	vst v63  }
0x96: {  	s18 =	simm.s32 $0x17080  }
0x97: {  	[tilespmem:s18], [sflag:$0x1] =	stream.indirect_vreg.gather [hbm4b:s5+s3], $0x80, v3, vm0, $0xb8;
	[tilespmem:$0x18080] =	vst v63  }
0x98: {  	s19 =	simm.s32 $0x17880  }
0x99: {  	[tilespmem:s19], [sflag:$0x1] =	stream.indirect_vreg.gather [hbm4b:s6+s3], $0x80, v3, vm0, $0xb8;
	[tilespmem:$0x18080] =	vst v63  }
0x9a: {  	_ =	swait.ge [sflag:s11], $0x18000  }
0x9b: {  	[sflag:s11] =	ssyncset.done $0x0  }
0x9c: {  	s21 =	rddreg [dreg:$0x4];
	[sflag:s11] =	ssyncadd.s32 $0xFFFE8000  }
0x9d: {  	[hbm4b:s21+s3] =	stream.linear.scatter [tilespmem:s30], [sflag:$0x2], $0x18000, $0x38;
	[tilespmem:$0x18080] =	vst v63  }
0x9e: {  	_ =	swait.ge [sflag:s8], $0x18000  }
0x9f: {  	[sflag:s8] =	ssyncset.done $0x0  }
0xa0: {  	s22 =	rddreg [dreg:$0x5];
	[sflag:s8] =	ssyncadd.s32 $0xFFFE8000  }
0xa1: {  	[tilespmem:s3], [sflag:$0x2] =	stream.linear.gather [hbm4b:s22+s3], $0x60, $0x38;
	[tilespmem:$0x18080] =	vst v63  }
0xa2: {  	_ =	swait.ge [sflag:s8], $0x60  }
0xa3: {  	[sflag:s8] =	ssyncset.done $0x0  }
0xa4: {  	[sflag:s8] =	ssyncadd.s32 $0xFFFFFFA0  }
0xa5: {  	v3 =	vld [tilespmem:$0x0];
	_ =	sdelay $0x4  }
0xa6: {  	v46 =	vshll.u32 v3, $0x3  }
0xa7: {  	v3 =	vand.u32 $0x7, v3;
	v4 =	vand.u32 $0xFFFFFFC0, v46  }
0xa8: {  	v3 =	vor.u32 v3, v4  }
0xa9: {  	v4 =	vperm.xlane v3, v0;
	_ =	sdelay $0x1  }
0xaa: {  	v4 =	vadd.s32 v1, v4;
	_ =	sdelay $0x4  }
0xab: {  	[tilespmem:s30], [sflag:$0x1] =	stream.indirect_vreg.gather [hbm4b:s2+s3], $0x80, v4, vm0, $0xb8;
	[tilespmem:$0x18080] =	vst v63  }
0xac: {  	s9 =	simm.s32 $0x880;
	v3 =	vperm.xlane v3, v2  }
0xad: {  	[tilespmem:s9], [sflag:$0x1] =	stream.indirect_vreg.gather [hbm4b:s4+s3], $0x80, v4, vm0, $0xb8;
	[tilespmem:$0x18080] =	vst v63  }
0xae: {  	s1 =	simm.s32 $0x1080;
	v3 =	vadd.s32 v1, v3  }
0xaf: {  	[tilespmem:s1], [sflag:$0x1] =	stream.indirect_vreg.gather [hbm4b:s5+s3], $0x80, v4, vm0, $0xb8;
	[tilespmem:$0x18080] =	vst v63  }
0xb0: {  	s9 =	simm.s32 $0x1880  }
0xb1: {  	[tilespmem:s9], [sflag:$0x1] =	stream.indirect_vreg.gather [hbm4b:s6+s3], $0x80, v4, vm0, $0xb8;
	[tilespmem:$0x18080] =	vst v63  }
0xb2: {  	s10 =	simm.s32 $0x2080  }
0xb3: {  	[tilespmem:s10], [sflag:$0x1] =	stream.indirect_vreg.gather [hbm4b:s2+s3], $0x80, v3, vm0, $0xb8;
	[tilespmem:$0x18080] =	vst v63  }
0xb4: {  	s13 =	simm.s32 $0x2880  }
0xb5: {  	[tilespmem:s13], [sflag:$0x1] =	stream.indirect_vreg.gather [hbm4b:s4+s3], $0x80, v3, vm0, $0xb8;
	[tilespmem:$0x18080] =	vst v63  }
0xb6: {  	s14 =	simm.s32 $0x3080  }
0xb7: {  	[tilespmem:s14], [sflag:$0x1] =	stream.indirect_vreg.gather [hbm4b:s5+s3], $0x80, v3, vm0, $0xb8;
	[tilespmem:$0x18080] =	vst v63  }
0xb8: {  	s15 =	simm.s32 $0x3880  }
0xb9: {  	[tilespmem:s15], [sflag:$0x1] =	stream.indirect_vreg.gather [hbm4b:s6+s3], $0x80, v3, vm0, $0xb8;
	[tilespmem:$0x18080] =	vst v63  }
0xba: {  	v3 =	vld [tilespmem:$0x10];
	_ =	sdelay $0x4  }
0xbb: {  	v47 =	vshll.u32 v3, $0x3  }
0xbc: {  	v3 =	vand.u32 $0x7, v3;
	v4 =	vand.u32 $0xFFFFFFC0, v47  }
0xbd: {  	v3 =	vor.u32 v3, v4  }
0xbe: {  	v4 =	vperm.xlane v3, v0;
	_ =	sdelay $0x1  }
0xbf: {  	v4 =	vadd.s32 v1, v4;
	_ =	sdelay $0x3  }
0xc0: {  	s16 =	simm.s32 $0x4080  }
0xc1: {  	[tilespmem:s16], [sflag:$0x1] =	stream.indirect_vreg.gather [hbm4b:s2+s3], $0x80, v4, vm0, $0xb8;
	[tilespmem:$0x18080] =	vst v63  }
0xc2: {  	s17 =	simm.s32 $0x4880;
	v3 =	vperm.xlane v3, v2  }
0xc3: {  	[tilespmem:s17], [sflag:$0x1] =	stream.indirect_vreg.gather [hbm4b:s4+s3], $0x80, v4, vm0, $0xb8;
	[tilespmem:$0x18080] =	vst v63  }
0xc4: {  	s15 =	simm.s32 $0x5080;
	v3 =	vadd.s32 v1, v3  }
0xc5: {  	[tilespmem:s15], [sflag:$0x1] =	stream.indirect_vreg.gather [hbm4b:s5+s3], $0x80, v4, vm0, $0xb8;
	[tilespmem:$0x18080] =	vst v63  }
0xc6: {  	s16 =	simm.s32 $0x5880  }
0xc7: {  	[tilespmem:s16], [sflag:$0x1] =	stream.indirect_vreg.gather [hbm4b:s6+s3], $0x80, v4, vm0, $0xb8;
	[tilespmem:$0x18080] =	vst v63  }
0xc8: {  	s17 =	simm.s32 $0x6080  }
0xc9: {  	[tilespmem:s17], [sflag:$0x1] =	stream.indirect_vreg.gather [hbm4b:s2+s3], $0x80, v3, vm0, $0xb8;
	[tilespmem:$0x18080] =	vst v63  }
0xca: {  	s18 =	simm.s32 $0x6880  }
0xcb: {  	[tilespmem:s18], [sflag:$0x1] =	stream.indirect_vreg.gather [hbm4b:s4+s3], $0x80, v3, vm0, $0xb8;
	[tilespmem:$0x18080] =	vst v63  }
0xcc: {  	s19 =	simm.s32 $0x7080  }
0xcd: {  	[tilespmem:s19], [sflag:$0x1] =	stream.indirect_vreg.gather [hbm4b:s5+s3], $0x80, v3, vm0, $0xb8;
	[tilespmem:$0x18080] =	vst v63  }
0xce: {  	s20 =	simm.s32 $0x7880  }
0xcf: {  	[tilespmem:s20], [sflag:$0x1] =	stream.indirect_vreg.gather [hbm4b:s6+s3], $0x80, v3, vm0, $0xb8;
	[tilespmem:$0x18080] =	vst v63  }
0xd0: {  	v3 =	vld [tilespmem:$0x20];
	_ =	sdelay $0x4  }
0xd1: {  	v48 =	vshll.u32 v3, $0x3  }
0xd2: {  	v3 =	vand.u32 $0x7, v3;
	v4 =	vand.u32 $0xFFFFFFC0, v48  }
0xd3: {  	v3 =	vor.u32 v3, v4  }
0xd4: {  	v4 =	vperm.xlane v3, v0;
	_ =	sdelay $0x1  }
0xd5: {  	v4 =	vadd.s32 v1, v4;
	_ =	sdelay $0x3  }
0xd6: {  	s21 =	simm.s32 $0x8080  }
0xd7: {  	[tilespmem:s21], [sflag:$0x1] =	stream.indirect_vreg.gather [hbm4b:s2+s3], $0x80, v4, vm0, $0xb8;
	[tilespmem:$0x18080] =	vst v63  }
0xd8: {  	s22 =	simm.s32 $0x8880;
	v3 =	vperm.xlane v3, v2  }
0xd9: {  	[tilespmem:s22], [sflag:$0x1] =	stream.indirect_vreg.gather [hbm4b:s4+s3], $0x80, v4, vm0, $0xb8;
	[tilespmem:$0x18080] =	vst v63  }
0xda: {  	s20 =	simm.s32 $0x9080;
	v3 =	vadd.s32 v1, v3  }
0xdb: {  	[tilespmem:s20], [sflag:$0x1] =	stream.indirect_vreg.gather [hbm4b:s5+s3], $0x80, v4, vm0, $0xb8;
	[tilespmem:$0x18080] =	vst v63  }
0xdc: {  	s1 =	simm.s32 $0x9880  }
0xdd: {  	[tilespmem:s1], [sflag:$0x1] =	stream.indirect_vreg.gather [hbm4b:s6+s3], $0x80, v4, vm0, $0xb8;
	[tilespmem:$0x18080] =	vst v63  }
0xde: {  	s0 =	simm.s32 $0xA080  }
0xdf: {  	[tilespmem:s0], [sflag:$0x1] =	stream.indirect_vreg.gather [hbm4b:s2+s3], $0x80, v3, vm0, $0xb8;
	[tilespmem:$0x18080] =	vst v63  }
0xe0: {  	s12 =	simm.s32 $0xA880  }
0xe1: {  	[tilespmem:s12], [sflag:$0x1] =	stream.indirect_vreg.gather [hbm4b:s4+s3], $0x80, v3, vm0, $0xb8;
	[tilespmem:$0x18080] =	vst v63  }
0xe2: {  	s12 =	simm.s32 $0xB080  }
0xe3: {  	[tilespmem:s12], [sflag:$0x1] =	stream.indirect_vreg.gather [hbm4b:s5+s3], $0x80, v3, vm0, $0xb8;
	[tilespmem:$0x18080] =	vst v63  }
0xe4: {  	s12 =	simm.s32 $0xB880  }
0xe5: {  	[tilespmem:s12], [sflag:$0x1] =	stream.indirect_vreg.gather [hbm4b:s6+s3], $0x80, v3, vm0, $0xb8;
	[tilespmem:$0x18080] =	vst v63  }
0xe6: {  	v3 =	vld [tilespmem:$0x30];
	_ =	sdelay $0x4  }
0xe7: {  	v49 =	vshll.u32 v3, $0x3  }
0xe8: {  	v3 =	vand.u32 $0x7, v3;
	v4 =	vand.u32 $0xFFFFFFC0, v49  }
0xe9: {  	v3 =	vor.u32 v3, v4  }
0xea: {  	v4 =	vperm.xlane v3, v0;
	_ =	sdelay $0x1  }
0xeb: {  	v4 =	vadd.s32 v1, v4;
	_ =	sdelay $0x3  }
0xec: {  	s12 =	simm.s32 $0xC080  }
0xed: {  	[tilespmem:s12], [sflag:$0x1] =	stream.indirect_vreg.gather [hbm4b:s2+s3], $0x80, v4, vm0, $0xb8;
	[tilespmem:$0x18080] =	vst v63  }
0xee: {  	s23 =	simm.s32 $0xC880;
	v3 =	vperm.xlane v3, v2  }
0xef: {  	[tilespmem:s23], [sflag:$0x1] =	stream.indirect_vreg.gather [hbm4b:s4+s3], $0x80, v4, vm0, $0xb8;
	[tilespmem:$0x18080] =	vst v63  }
0xf0: {  	v3 =	vadd.s32 v1, v3;
	s23 =	simm.s32 $0xD080  }
0xf1: {  	[tilespmem:s23], [sflag:$0x1] =	stream.indirect_vreg.gather [hbm4b:s5+s3], $0x80, v4, vm0, $0xb8;
	[tilespmem:$0x18080] =	vst v63  }
0xf2: {  	s23 =	simm.s32 $0xD880  }
0xf3: {  	[tilespmem:s23], [sflag:$0x1] =	stream.indirect_vreg.gather [hbm4b:s6+s3], $0x80, v4, vm0, $0xb8;
	[tilespmem:$0x18080] =	vst v63  }
0xf4: {  	s23 =	simm.s32 $0xE080  }
0xf5: {  	[tilespmem:s23], [sflag:$0x1] =	stream.indirect_vreg.gather [hbm4b:s2+s3], $0x80, v3, vm0, $0xb8;
	[tilespmem:$0x18080] =	vst v63  }
0xf6: {  	s23 =	simm.s32 $0xE880  }
0xf7: {  	[tilespmem:s23], [sflag:$0x1] =	stream.indirect_vreg.gather [hbm4b:s4+s3], $0x80, v3, vm0, $0xb8;
	[tilespmem:$0x18080] =	vst v63  }
0xf8: {  	s23 =	simm.s32 $0xF080  }
0xf9: {  	[tilespmem:s23], [sflag:$0x1] =	stream.indirect_vreg.gather [hbm4b:s5+s3], $0x80, v3, vm0, $0xb8;
	[tilespmem:$0x18080] =	vst v63  }
0xfa: {  	s24 =	simm.s32 $0xF880  }
0xfb: {  	[tilespmem:s24], [sflag:$0x1] =	stream.indirect_vreg.gather [hbm4b:s6+s3], $0x80, v3, vm0, $0xb8;
	[tilespmem:$0x18080] =	vst v63  }
0xfc: {  	v3 =	vld [tilespmem:$0x40];
	_ =	sdelay $0x4  }
0xfd: {  	v50 =	vshll.u32 v3, $0x3  }
0xfe: {  	v3 =	vand.u32 $0x7, v3;
	v4 =	vand.u32 $0xFFFFFFC0, v50  }
0xff: {  	v3 =	vor.u32 v3, v4  }
0x100: {  	v4 =	vperm.xlane v3, v0;
	_ =	sdelay $0x1  }
0x101: {  	v4 =	vadd.s32 v1, v4;
	_ =	sdelay $0x3  }
0x102: {  	s25 =	simm.s32 $0x10080  }
0x103: {  	[tilespmem:s25], [sflag:$0x1] =	stream.indirect_vreg.gather [hbm4b:s2+s3], $0x80, v4, vm0, $0xb8;
	[tilespmem:$0x18080] =	vst v63  }
0x104: {  	s26 =	simm.s32 $0x10880;
	v3 =	vperm.xlane v3, v2  }
0x105: {  	[tilespmem:s26], [sflag:$0x1] =	stream.indirect_vreg.gather [hbm4b:s4+s3], $0x80, v4, vm0, $0xb8;
	[tilespmem:$0x18080] =	vst v63  }
0x106: {  	s24 =	simm.s32 $0x11080;
	v3 =	vadd.s32 v1, v3  }
0x107: {  	[tilespmem:s24], [sflag:$0x1] =	stream.indirect_vreg.gather [hbm4b:s5+s3], $0x80, v4, vm0, $0xb8;
	[tilespmem:$0x18080] =	vst v63  }
0x108: {  	s25 =	simm.s32 $0x11880  }
0x109: {  	[tilespmem:s25], [sflag:$0x1] =	stream.indirect_vreg.gather [hbm4b:s6+s3], $0x80, v4, vm0, $0xb8;
	[tilespmem:$0x18080] =	vst v63  }
0x10a: {  	s26 =	simm.s32 $0x12080  }
0x10b: {  	[tilespmem:s26], [sflag:$0x1] =	stream.indirect_vreg.gather [hbm4b:s2+s3], $0x80, v3, vm0, $0xb8;
	[tilespmem:$0x18080] =	vst v63  }
0x10c: {  	s23 =	simm.s32 $0x12880  }
0x10d: {  	[tilespmem:s23], [sflag:$0x1] =	stream.indirect_vreg.gather [hbm4b:s4+s3], $0x80, v3, vm0, $0xb8;
	[tilespmem:$0x18080] =	vst v63  }
0x10e: {  	s24 =	simm.s32 $0x13080  }
0x10f: {  	[tilespmem:s24], [sflag:$0x1] =	stream.indirect_vreg.gather [hbm4b:s5+s3], $0x80, v3, vm0, $0xb8;
	[tilespmem:$0x18080] =	vst v63  }
0x110: {  	s28 =	simm.s32 $0x13880  }
0x111: {  	[tilespmem:s28], [sflag:$0x1] =	stream.indirect_vreg.gather [hbm4b:s6+s3], $0x80, v3, vm0, $0xb8;
	[tilespmem:$0x18080] =	vst v63  }
0x112: {  	v3 =	vld [tilespmem:$0x50];
	_ =	sdelay $0x4  }
0x113: {  	v51 =	vshll.u32 v3, $0x3  }
0x114: {  	v3 =	vand.u32 $0x7, v3;
	v4 =	vand.u32 $0xFFFFFFC0, v51  }
0x115: {  	v3 =	vor.u32 v3, v4  }
0x116: {  	v4 =	vperm.xlane v3, v0;
	_ =	sdelay $0x1  }
0x117: {  	v4 =	vadd.s32 v1, v4;
	_ =	sdelay $0x3  }
0x118: {  	s29 =	simm.s32 $0x14080  }
0x119: {  	[tilespmem:s29], [sflag:$0x1] =	stream.indirect_vreg.gather [hbm4b:s2+s3], $0x80, v4, vm0, $0xb8;
	[tilespmem:$0x18080] =	vst v63  }
0x11a: {  	s31 =	simm.s32 $0x14880;
	v3 =	vperm.xlane v3, v2  }
0x11b: {  	[tilespmem:s31], [sflag:$0x1] =	stream.indirect_vreg.gather [hbm4b:s4+s3], $0x80, v4, vm0, $0xb8;
	[tilespmem:$0x18080] =	vst v63  }
0x11c: {  	s25 =	simm.s32 $0x15080;
	v3 =	vadd.s32 v1, v3  }
0x11d: {  	[tilespmem:s25], [sflag:$0x1] =	stream.indirect_vreg.gather [hbm4b:s5+s3], $0x80, v4, vm0, $0xb8;
	[tilespmem:$0x18080] =	vst v63  }
0x11e: {  	s26 =	simm.s32 $0x15880  }
0x11f: {  	[tilespmem:s26], [sflag:$0x1] =	stream.indirect_vreg.gather [hbm4b:s6+s3], $0x80, v4, vm0, $0xb8;
	[tilespmem:$0x18080] =	vst v63  }
0x120: {  	s28 =	simm.s32 $0x16080  }
0x121: {  	[tilespmem:s28], [sflag:$0x1] =	stream.indirect_vreg.gather [hbm4b:s2+s3], $0x80, v3, vm0, $0xb8;
	[tilespmem:$0x18080] =	vst v63  }
0x122: {  	s29 =	simm.s32 $0x16880  }
0x123: {  	[tilespmem:s29], [sflag:$0x1] =	stream.indirect_vreg.gather [hbm4b:s4+s3], $0x80, v3, vm0, $0xb8;
	[tilespmem:$0x18080] =	vst v63  }
0x124: {  	s31 =	simm.s32 $0x17080  }
0x125: {  	[tilespmem:s31], [sflag:$0x1] =	stream.indirect_vreg.gather [hbm4b:s5+s3], $0x80, v3, vm0, $0xb8;
	[tilespmem:$0x18080] =	vst v63  }
0x126: {  	s23 =	simm.s32 $0x17880  }
0x127: {  	[tilespmem:s23], [sflag:$0x1] =	stream.indirect_vreg.gather [hbm4b:s6+s3], $0x80, v3, vm0, $0xb8;
	[tilespmem:$0x18080] =	vst v63  }
0x128: {  	_ =	swait.ge [sflag:s11], $0x18000  }
0x129: {  	[sflag:s11] =	ssyncset.done $0x0  }
0x12a: {  	s24 =	rddreg [dreg:$0x6];
	[sflag:s11] =	ssyncadd.s32 $0xFFFE8000  }
0x12b: {  	[hbm4b:s24+s3] =	stream.linear.scatter [tilespmem:s30], [sflag:$0x2], $0x18000, $0x38;
	[tilespmem:$0x18080] =	vst v63  }
0x12c: {  	_ =	swait.ge [sflag:s8], $0x18000  }
0x12d: {  	[sflag:s8] =	ssyncset.done $0x0  }
0x12e: {  	s25 =	rddreg [dreg:$0x7];
	[sflag:s8] =	ssyncadd.s32 $0xFFFE8000  }
0x12f: {  	[tilespmem:s3], [sflag:$0x2] =	stream.linear.gather [hbm4b:s25+s3], $0x60, $0x38;
	[tilespmem:$0x18080] =	vst v63  }
0x130: {  	_ =	swait.ge [sflag:s8], $0x60  }
0x131: {  	[sflag:s8] =	ssyncset.done $0x0  }
0x132: {  	[sflag:s8] =	ssyncadd.s32 $0xFFFFFFA0  }
0x133: {  	v3 =	vld [tilespmem:$0x0];
	_ =	sdelay $0x4  }
0x134: {  	v52 =	vshll.u32 v3, $0x3  }
0x135: {  	v3 =	vand.u32 $0x7, v3;
	v4 =	vand.u32 $0xFFFFFFC0, v52  }
0x136: {  	v3 =	vor.u32 v3, v4  }
0x137: {  	v4 =	vperm.xlane v3, v0;
	_ =	sdelay $0x1  }
0x138: {  	v4 =	vadd.s32 v1, v4;
	_ =	sdelay $0x4  }
0x139: {  	[tilespmem:s30], [sflag:$0x1] =	stream.indirect_vreg.gather [hbm4b:s2+s3], $0x80, v4, vm0, $0xb8;
	[tilespmem:$0x18080] =	vst v63  }
0x13a: {  	s26 =	simm.s32 $0x880;
	v3 =	vperm.xlane v3, v2  }
0x13b: {  	[tilespmem:s26], [sflag:$0x1] =	stream.indirect_vreg.gather [hbm4b:s4+s3], $0x80, v4, vm0, $0xb8;
	[tilespmem:$0x18080] =	vst v63  }
0x13c: {  	s28 =	simm.s32 $0x1080;
	v3 =	vadd.s32 v1, v3  }
0x13d: {  	[tilespmem:s28], [sflag:$0x1] =	stream.indirect_vreg.gather [hbm4b:s5+s3], $0x80, v4, vm0, $0xb8;
	[tilespmem:$0x18080] =	vst v63  }
0x13e: {  	_ = 	snop  }
0x13f: {  	[tilespmem:s9], [sflag:$0x1] =	stream.indirect_vreg.gather [hbm4b:s6+s3], $0x80, v4, vm0, $0xb8;
	[tilespmem:$0x18080] =	vst v63  }
0x140: {  	_ = 	snop  }
0x141: {  	[tilespmem:s10], [sflag:$0x1] =	stream.indirect_vreg.gather [hbm4b:s2+s3], $0x80, v3, vm0, $0xb8;
	[tilespmem:$0x18080] =	vst v63  }
0x142: {  	_ = 	snop  }
0x143: {  	[tilespmem:s13], [sflag:$0x1] =	stream.indirect_vreg.gather [hbm4b:s4+s3], $0x80, v3, vm0, $0xb8;
	[tilespmem:$0x18080] =	vst v63  }
0x144: {  	_ = 	snop  }
0x145: {  	[tilespmem:s14], [sflag:$0x1] =	stream.indirect_vreg.gather [hbm4b:s5+s3], $0x80, v3, vm0, $0xb8;
	[tilespmem:$0x18080] =	vst v63  }
0x146: {  	s29 =	simm.s32 $0x3880  }
0x147: {  	[tilespmem:s29], [sflag:$0x1] =	stream.indirect_vreg.gather [hbm4b:s6+s3], $0x80, v3, vm0, $0xb8;
	[tilespmem:$0x18080] =	vst v63  }
0x148: {  	v3 =	vld [tilespmem:$0x10];
	_ =	sdelay $0x4  }
0x149: {  	v53 =	vshll.u32 v3, $0x3  }
0x14a: {  	v3 =	vand.u32 $0x7, v3;
	v4 =	vand.u32 $0xFFFFFFC0, v53  }
0x14b: {  	v3 =	vor.u32 v3, v4  }
0x14c: {  	v4 =	vperm.xlane v3, v0;
	_ =	sdelay $0x1  }
0x14d: {  	v4 =	vadd.s32 v1, v4;
	_ =	sdelay $0x3  }
0x14e: {  	s31 =	simm.s32 $0x4080  }
0x14f: {  	[tilespmem:s31], [sflag:$0x1] =	stream.indirect_vreg.gather [hbm4b:s2+s3], $0x80, v4, vm0, $0xb8;
	[tilespmem:$0x18080] =	vst v63  }
0x150: {  	s23 =	simm.s32 $0x4880;
	v3 =	vperm.xlane v3, v2  }
0x151: {  	[tilespmem:s23], [sflag:$0x1] =	stream.indirect_vreg.gather [hbm4b:s4+s3], $0x80, v4, vm0, $0xb8;
	[tilespmem:$0x18080] =	vst v63  }
0x152: {  	v3 =	vadd.s32 v1, v3  }
0x153: {  	[tilespmem:s15], [sflag:$0x1] =	stream.indirect_vreg.gather [hbm4b:s5+s3], $0x80, v4, vm0, $0xb8;
	[tilespmem:$0x18080] =	vst v63  }
0x154: {  	_ = 	snop  }
0x155: {  	[tilespmem:s16], [sflag:$0x1] =	stream.indirect_vreg.gather [hbm4b:s6+s3], $0x80, v4, vm0, $0xb8;
	[tilespmem:$0x18080] =	vst v63  }
0x156: {  	_ = 	snop  }
0x157: {  	[tilespmem:s17], [sflag:$0x1] =	stream.indirect_vreg.gather [hbm4b:s2+s3], $0x80, v3, vm0, $0xb8;
	[tilespmem:$0x18080] =	vst v63  }
0x158: {  	_ = 	snop  }
0x159: {  	[tilespmem:s18], [sflag:$0x1] =	stream.indirect_vreg.gather [hbm4b:s4+s3], $0x80, v3, vm0, $0xb8;
	[tilespmem:$0x18080] =	vst v63  }
0x15a: {  	_ = 	snop  }
0x15b: {  	[tilespmem:s19], [sflag:$0x1] =	stream.indirect_vreg.gather [hbm4b:s5+s3], $0x80, v3, vm0, $0xb8;
	[tilespmem:$0x18080] =	vst v63  }
0x15c: {  	s24 =	simm.s32 $0x7880  }
0x15d: {  	[tilespmem:s24], [sflag:$0x1] =	stream.indirect_vreg.gather [hbm4b:s6+s3], $0x80, v3, vm0, $0xb8;
	[tilespmem:$0x18080] =	vst v63  }
0x15e: {  	v3 =	vld [tilespmem:$0x20];
	_ =	sdelay $0x4  }
0x15f: {  	v54 =	vshll.u32 v3, $0x3  }
0x160: {  	v3 =	vand.u32 $0x7, v3;
	v4 =	vand.u32 $0xFFFFFFC0, v54  }
0x161: {  	v3 =	vor.u32 v3, v4  }
0x162: {  	v4 =	vperm.xlane v3, v0;
	_ =	sdelay $0x1  }
0x163: {  	v4 =	vadd.s32 v1, v4;
	_ =	sdelay $0x4  }
0x164: {  	[tilespmem:s21], [sflag:$0x1] =	stream.indirect_vreg.gather [hbm4b:s2+s3], $0x80, v4, vm0, $0xb8;
	[tilespmem:$0x18080] =	vst v63  }
0x165: {  	v3 =	vperm.xlane v3, v2  }
0x166: {  	[tilespmem:s22], [sflag:$0x1] =	stream.indirect_vreg.gather [hbm4b:s4+s3], $0x80, v4, vm0, $0xb8;
	[tilespmem:$0x18080] =	vst v63  }
0x167: {  	v3 =	vadd.s32 v1, v3  }
0x168: {  	[tilespmem:s20], [sflag:$0x1] =	stream.indirect_vreg.gather [hbm4b:s5+s3], $0x80, v4, vm0, $0xb8;
	[tilespmem:$0x18080] =	vst v63  }
0x169: {  	_ = 	snop  }
0x16a: {  	[tilespmem:s1], [sflag:$0x1] =	stream.indirect_vreg.gather [hbm4b:s6+s3], $0x80, v4, vm0, $0xb8;
	[tilespmem:$0x18080] =	vst v63  }
0x16b: {  	_ = 	snop  }
0x16c: {  	[tilespmem:s0], [sflag:$0x1] =	stream.indirect_vreg.gather [hbm4b:s2+s3], $0x80, v3, vm0, $0xb8;
	[tilespmem:$0x18080] =	vst v63  }
0x16d: {  	s25 =	simm.s32 $0xA880  }
0x16e: {  	[tilespmem:s25], [sflag:$0x1] =	stream.indirect_vreg.gather [hbm4b:s4+s3], $0x80, v3, vm0, $0xb8;
	[tilespmem:$0x18080] =	vst v63  }
0x16f: {  	s26 =	simm.s32 $0xB080  }
0x170: {  	[tilespmem:s26], [sflag:$0x1] =	stream.indirect_vreg.gather [hbm4b:s5+s3], $0x80, v3, vm0, $0xb8;
	[tilespmem:$0x18080] =	vst v63  }
0x171: {  	s28 =	simm.s32 $0xB880  }
0x172: {  	[tilespmem:s28], [sflag:$0x1] =	stream.indirect_vreg.gather [hbm4b:s6+s3], $0x80, v3, vm0, $0xb8;
	[tilespmem:$0x18080] =	vst v63  }
0x173: {  	v3 =	vld [tilespmem:$0x30];
	_ =	sdelay $0x4  }
0x174: {  	v55 =	vshll.u32 v3, $0x3  }
0x175: {  	v3 =	vand.u32 $0x7, v3;
	v4 =	vand.u32 $0xFFFFFFC0, v55  }
0x176: {  	v3 =	vor.u32 v3, v4  }
0x177: {  	v4 =	vperm.xlane v3, v0;
	_ =	sdelay $0x1  }
0x178: {  	v4 =	vadd.s32 v1, v4;
	_ =	sdelay $0x3  }
0x179: {  	s29 =	simm.s32 $0xC080  }
0x17a: {  	[tilespmem:s29], [sflag:$0x1] =	stream.indirect_vreg.gather [hbm4b:s2+s3], $0x80, v4, vm0, $0xb8;
	[tilespmem:$0x18080] =	vst v63  }
0x17b: {  	s31 =	simm.s32 $0xC880;
	v3 =	vperm.xlane v3, v2  }
0x17c: {  	[tilespmem:s31], [sflag:$0x1] =	stream.indirect_vreg.gather [hbm4b:s4+s3], $0x80, v4, vm0, $0xb8;
	[tilespmem:$0x18080] =	vst v63  }
0x17d: {  	s24 =	simm.s32 $0xD080;
	v3 =	vadd.s32 v1, v3  }
0x17e: {  	[tilespmem:s24], [sflag:$0x1] =	stream.indirect_vreg.gather [hbm4b:s5+s3], $0x80, v4, vm0, $0xb8;
	[tilespmem:$0x18080] =	vst v63  }
0x17f: {  	s25 =	simm.s32 $0xD880  }
0x180: {  	[tilespmem:s25], [sflag:$0x1] =	stream.indirect_vreg.gather [hbm4b:s6+s3], $0x80, v4, vm0, $0xb8;
	[tilespmem:$0x18080] =	vst v63  }
0x181: {  	s26 =	simm.s32 $0xE080  }
0x182: {  	[tilespmem:s26], [sflag:$0x1] =	stream.indirect_vreg.gather [hbm4b:s2+s3], $0x80, v3, vm0, $0xb8;
	[tilespmem:$0x18080] =	vst v63  }
0x183: {  	s28 =	simm.s32 $0xE880  }
0x184: {  	[tilespmem:s28], [sflag:$0x1] =	stream.indirect_vreg.gather [hbm4b:s4+s3], $0x80, v3, vm0, $0xb8;
	[tilespmem:$0x18080] =	vst v63  }
0x185: {  	s29 =	simm.s32 $0xF080  }
0x186: {  	[tilespmem:s29], [sflag:$0x1] =	stream.indirect_vreg.gather [hbm4b:s5+s3], $0x80, v3, vm0, $0xb8;
	[tilespmem:$0x18080] =	vst v63  }
0x187: {  	s31 =	simm.s32 $0xF880  }
0x188: {  	[tilespmem:s31], [sflag:$0x1] =	stream.indirect_vreg.gather [hbm4b:s6+s3], $0x80, v3, vm0, $0xb8;
	[tilespmem:$0x18080] =	vst v63  }
0x189: {  	v3 =	vld [tilespmem:$0x40];
	_ =	sdelay $0x4  }
0x18a: {  	v56 =	vshll.u32 v3, $0x3  }
0x18b: {  	v3 =	vand.u32 $0x7, v3;
	v4 =	vand.u32 $0xFFFFFFC0, v56  }
0x18c: {  	v3 =	vor.u32 v3, v4  }
0x18d: {  	v4 =	vperm.xlane v3, v0;
	_ =	sdelay $0x1  }
0x18e: {  	v4 =	vadd.s32 v1, v4;
	_ =	sdelay $0x3  }
0x18f: {  	s31 =	simm.s32 $0x10080  }
0x190: {  	[tilespmem:s31], [sflag:$0x1] =	stream.indirect_vreg.gather [hbm4b:s2+s3], $0x80, v4, vm0, $0xb8;
	[tilespmem:$0x18080] =	vst v63  }
0x191: {  	v3 =	vperm.xlane v3, v2;
	s31 =	simm.s32 $0x10880  }
0x192: {  	[tilespmem:s31], [sflag:$0x1] =	stream.indirect_vreg.gather [hbm4b:s4+s3], $0x80, v4, vm0, $0xb8;
	[tilespmem:$0x18080] =	vst v63  }
0x193: {  	v3 =	vadd.s32 v1, v3;
	s31 =	simm.s32 $0x11080  }
0x194: {  	[tilespmem:s31], [sflag:$0x1] =	stream.indirect_vreg.gather [hbm4b:s5+s3], $0x80, v4, vm0, $0xb8;
	[tilespmem:$0x18080] =	vst v63  }
0x195: {  	s12 =	simm.s32 $0x11880  }
0x196: {  	[tilespmem:s12], [sflag:$0x1] =	stream.indirect_vreg.gather [hbm4b:s6+s3], $0x80, v4, vm0, $0xb8;
	[tilespmem:$0x18080] =	vst v63  }
0x197: {  	s12 =	simm.s32 $0x12080  }
0x198: {  	[tilespmem:s12], [sflag:$0x1] =	stream.indirect_vreg.gather [hbm4b:s2+s3], $0x80, v3, vm0, $0xb8;
	[tilespmem:$0x18080] =	vst v63  }
0x199: {  	s12 =	simm.s32 $0x12880  }
0x19a: {  	[tilespmem:s12], [sflag:$0x1] =	stream.indirect_vreg.gather [hbm4b:s4+s3], $0x80, v3, vm0, $0xb8;
	[tilespmem:$0x18080] =	vst v63  }
0x19b: {  	s12 =	simm.s32 $0x13080  }
0x19c: {  	[tilespmem:s12], [sflag:$0x1] =	stream.indirect_vreg.gather [hbm4b:s5+s3], $0x80, v3, vm0, $0xb8;
	[tilespmem:$0x18080] =	vst v63  }
0x19d: {  	s12 =	simm.s32 $0x13880  }
0x19e: {  	[tilespmem:s12], [sflag:$0x1] =	stream.indirect_vreg.gather [hbm4b:s6+s3], $0x80, v3, vm0, $0xb8;
	[tilespmem:$0x18080] =	vst v63  }
0x19f: {  	v3 =	vld [tilespmem:$0x50];
	_ =	sdelay $0x4  }
0x1a0: {  	v57 =	vshll.u32 v3, $0x3  }
0x1a1: {  	v3 =	vand.u32 $0x7, v3;
	v4 =	vand.u32 $0xFFFFFFC0, v57  }
0x1a2: {  	v3 =	vor.u32 v3, v4  }
0x1a3: {  	v4 =	vperm.xlane v3, v0;
	_ =	sdelay $0x1  }
0x1a4: {  	v4 =	vadd.s32 v1, v4;
	_ =	sdelay $0x3  }
0x1a5: {  	s12 =	simm.s32 $0x14080  }
0x1a6: {  	[tilespmem:s12], [sflag:$0x1] =	stream.indirect_vreg.gather [hbm4b:s2+s3], $0x80, v4, vm0, $0xb8;
	[tilespmem:$0x18080] =	vst v63  }
0x1a7: {  	v3 =	vperm.xlane v3, v2;
	s12 =	simm.s32 $0x14880  }
0x1a8: {  	[tilespmem:s12], [sflag:$0x1] =	stream.indirect_vreg.gather [hbm4b:s4+s3], $0x80, v4, vm0, $0xb8;
	[tilespmem:$0x18080] =	vst v63  }
0x1a9: {  	v3 =	vadd.s32 v1, v3;
	s12 =	simm.s32 $0x15080  }
0x1aa: {  	[tilespmem:s12], [sflag:$0x1] =	stream.indirect_vreg.gather [hbm4b:s5+s3], $0x80, v4, vm0, $0xb8;
	[tilespmem:$0x18080] =	vst v63  }
0x1ab: {  	s12 =	simm.s32 $0x15880  }
0x1ac: {  	[tilespmem:s12], [sflag:$0x1] =	stream.indirect_vreg.gather [hbm4b:s6+s3], $0x80, v4, vm0, $0xb8;
	[tilespmem:$0x18080] =	vst v63  }
0x1ad: {  	s12 =	simm.s32 $0x16080  }
0x1ae: {  	[tilespmem:s12], [sflag:$0x1] =	stream.indirect_vreg.gather [hbm4b:s2+s3], $0x80, v3, vm0, $0xb8;
	[tilespmem:$0x18080] =	vst v63  }
0x1af: {  	s12 =	simm.s32 $0x16880  }
0x1b0: {  	[tilespmem:s12], [sflag:$0x1] =	stream.indirect_vreg.gather [hbm4b:s4+s3], $0x80, v3, vm0, $0xb8;
	[tilespmem:$0x18080] =	vst v63  }
0x1b1: {  	s12 =	simm.s32 $0x17080  }
0x1b2: {  	[tilespmem:s12], [sflag:$0x1] =	stream.indirect_vreg.gather [hbm4b:s5+s3], $0x80, v3, vm0, $0xb8;
	[tilespmem:$0x18080] =	vst v63  }
0x1b3: {  	s12 =	simm.s32 $0x17880  }
0x1b4: {  	[tilespmem:s12], [sflag:$0x1] =	stream.indirect_vreg.gather [hbm4b:s6+s3], $0x80, v3, vm0, $0xb8;
	[tilespmem:$0x18080] =	vst v63  }
0x1b5: {  	_ =	swait.ge [sflag:s11], $0x18000  }
0x1b6: {  	[sflag:s11] =	ssyncset.done $0x0  }
0x1b7: {  	s12 =	rddreg [dreg:$0x8];
	[sflag:s11] =	ssyncadd.s32 $0xFFFE8000  }
0x1b8: {  	[hbm4b:s12+s3] =	stream.linear.scatter [tilespmem:s30], [sflag:$0x2], $0x18000, $0x38;
	[tilespmem:$0x18080] =	vst v63  }
0x1b9: {  	_ =	swait.ge [sflag:s8], $0x18000  }
0x1ba: {  	[sflag:s8] =	ssyncset.done $0x0  }
0x1bb: {  	s12 =	rddreg [dreg:$0x9];
	[sflag:s8] =	ssyncadd.s32 $0xFFFE8000  }
0x1bc: {  	[tilespmem:s3], [sflag:$0x2] =	stream.linear.gather [hbm4b:s12+s3], $0x60, $0x38;
	[tilespmem:$0x18080] =	vst v63  }
0x1bd: {  	_ =	swait.ge [sflag:s8], $0x60  }
0x1be: {  	[sflag:s8] =	ssyncset.done $0x0  }
0x1bf: {  	[sflag:s8] =	ssyncadd.s32 $0xFFFFFFA0  }
0x1c0: {  	v3 =	vld [tilespmem:$0x0];
	_ =	sdelay $0x4  }
0x1c1: {  	v58 =	vshll.u32 v3, $0x3  }
0x1c2: {  	v3 =	vand.u32 $0x7, v3;
	v4 =	vand.u32 $0xFFFFFFC0, v58  }
0x1c3: {  	v3 =	vor.u32 v3, v4  }
0x1c4: {  	v4 =	vperm.xlane v3, v0;
	_ =	sdelay $0x1  }
0x1c5: {  	v4 =	vadd.s32 v1, v4;
	_ =	sdelay $0x4  }
0x1c6: {  	[tilespmem:s30], [sflag:$0x1] =	stream.indirect_vreg.gather [hbm4b:s2+s3], $0x80, v4, vm0, $0xb8;
	[tilespmem:$0x18080] =	vst v63  }
0x1c7: {  	s12 =	simm.s32 $0x880;
	v3 =	vperm.xlane v3, v2  }
0x1c8: {  	[tilespmem:s12], [sflag:$0x1] =	stream.indirect_vreg.gather [hbm4b:s4+s3], $0x80, v4, vm0, $0xb8;
	[tilespmem:$0x18080] =	vst v63  }
0x1c9: {  	v3 =	vadd.s32 v1, v3;
	s12 =	simm.s32 $0x1080  }
0x1ca: {  	[tilespmem:s12], [sflag:$0x1] =	stream.indirect_vreg.gather [hbm4b:s5+s3], $0x80, v4, vm0, $0xb8;
	[tilespmem:$0x18080] =	vst v63  }
0x1cb: {  	s9 =	simm.s32 $0x1880  }
0x1cc: {  	[tilespmem:s9], [sflag:$0x1] =	stream.indirect_vreg.gather [hbm4b:s6+s3], $0x80, v4, vm0, $0xb8;
	[tilespmem:$0x18080] =	vst v63  }
0x1cd: {  	s10 =	simm.s32 $0x2080  }
0x1ce: {  	[tilespmem:s10], [sflag:$0x1] =	stream.indirect_vreg.gather [hbm4b:s2+s3], $0x80, v3, vm0, $0xb8;
	[tilespmem:$0x18080] =	vst v63  }
0x1cf: {  	s13 =	simm.s32 $0x2880  }
0x1d0: {  	[tilespmem:s13], [sflag:$0x1] =	stream.indirect_vreg.gather [hbm4b:s4+s3], $0x80, v3, vm0, $0xb8;
	[tilespmem:$0x18080] =	vst v63  }
0x1d1: {  	s14 =	simm.s32 $0x3080  }
0x1d2: {  	[tilespmem:s14], [sflag:$0x1] =	stream.indirect_vreg.gather [hbm4b:s5+s3], $0x80, v3, vm0, $0xb8;
	[tilespmem:$0x18080] =	vst v63  }
0x1d3: {  	s12 =	simm.s32 $0x3880  }
0x1d4: {  	[tilespmem:s12], [sflag:$0x1] =	stream.indirect_vreg.gather [hbm4b:s6+s3], $0x80, v3, vm0, $0xb8;
	[tilespmem:$0x18080] =	vst v63  }
0x1d5: {  	v3 =	vld [tilespmem:$0x10];
	_ =	sdelay $0x4  }
0x1d6: {  	v59 =	vshll.u32 v3, $0x3  }
0x1d7: {  	v3 =	vand.u32 $0x7, v3;
	v4 =	vand.u32 $0xFFFFFFC0, v59  }
0x1d8: {  	v3 =	vor.u32 v3, v4  }
0x1d9: {  	v4 =	vperm.xlane v3, v0;
	_ =	sdelay $0x1  }
0x1da: {  	v4 =	vadd.s32 v1, v4;
	_ =	sdelay $0x3  }
0x1db: {  	s13 =	simm.s32 $0x4080  }
0x1dc: {  	[tilespmem:s13], [sflag:$0x1] =	stream.indirect_vreg.gather [hbm4b:s2+s3], $0x80, v4, vm0, $0xb8;
	[tilespmem:$0x18080] =	vst v63  }
0x1dd: {  	s14 =	simm.s32 $0x4880;
	v3 =	vperm.xlane v3, v2  }
0x1de: {  	[tilespmem:s14], [sflag:$0x1] =	stream.indirect_vreg.gather [hbm4b:s4+s3], $0x80, v4, vm0, $0xb8;
	[tilespmem:$0x18080] =	vst v63  }
0x1df: {  	s15 =	simm.s32 $0x5080;
	v3 =	vadd.s32 v1, v3  }
0x1e0: {  	[tilespmem:s15], [sflag:$0x1] =	stream.indirect_vreg.gather [hbm4b:s5+s3], $0x80, v4, vm0, $0xb8;
	[tilespmem:$0x18080] =	vst v63  }
0x1e1: {  	s16 =	simm.s32 $0x5880  }
0x1e2: {  	[tilespmem:s16], [sflag:$0x1] =	stream.indirect_vreg.gather [hbm4b:s6+s3], $0x80, v4, vm0, $0xb8;
	[tilespmem:$0x18080] =	vst v63  }
0x1e3: {  	s17 =	simm.s32 $0x6080  }
0x1e4: {  	[tilespmem:s17], [sflag:$0x1] =	stream.indirect_vreg.gather [hbm4b:s2+s3], $0x80, v3, vm0, $0xb8;
	[tilespmem:$0x18080] =	vst v63  }
0x1e5: {  	s18 =	simm.s32 $0x6880  }
0x1e6: {  	[tilespmem:s18], [sflag:$0x1] =	stream.indirect_vreg.gather [hbm4b:s4+s3], $0x80, v3, vm0, $0xb8;
	[tilespmem:$0x18080] =	vst v63  }
0x1e7: {  	s19 =	simm.s32 $0x7080  }
0x1e8: {  	[tilespmem:s19], [sflag:$0x1] =	stream.indirect_vreg.gather [hbm4b:s5+s3], $0x80, v3, vm0, $0xb8;
	[tilespmem:$0x18080] =	vst v63  }
0x1e9: {  	s19 =	simm.s32 $0x7880  }
0x1ea: {  	[tilespmem:s19], [sflag:$0x1] =	stream.indirect_vreg.gather [hbm4b:s6+s3], $0x80, v3, vm0, $0xb8;
	[tilespmem:$0x18080] =	vst v63  }
0x1eb: {  	v3 =	vld [tilespmem:$0x20];
	_ =	sdelay $0x4  }
0x1ec: {  	v60 =	vshll.u32 v3, $0x3  }
0x1ed: {  	v3 =	vand.u32 $0x7, v3;
	v4 =	vand.u32 $0xFFFFFFC0, v60  }
0x1ee: {  	v3 =	vor.u32 v3, v4  }
0x1ef: {  	v4 =	vperm.xlane v3, v0;
	_ =	sdelay $0x1  }
0x1f0: {  	v4 =	vadd.s32 v1, v4;
	_ =	sdelay $0x3  }
0x1f1: {  	s21 =	simm.s32 $0x8080  }
0x1f2: {  	[tilespmem:s21], [sflag:$0x1] =	stream.indirect_vreg.gather [hbm4b:s2+s3], $0x80, v4, vm0, $0xb8;
	[tilespmem:$0x18080] =	vst v63  }
0x1f3: {  	s22 =	simm.s32 $0x8880;
	v3 =	vperm.xlane v3, v2  }
0x1f4: {  	[tilespmem:s22], [sflag:$0x1] =	stream.indirect_vreg.gather [hbm4b:s4+s3], $0x80, v4, vm0, $0xb8;
	[tilespmem:$0x18080] =	vst v63  }
0x1f5: {  	s20 =	simm.s32 $0x9080;
	v3 =	vadd.s32 v1, v3  }
0x1f6: {  	[tilespmem:s20], [sflag:$0x1] =	stream.indirect_vreg.gather [hbm4b:s5+s3], $0x80, v4, vm0, $0xb8;
	[tilespmem:$0x18080] =	vst v63  }
0x1f7: {  	s1 =	simm.s32 $0x9880  }
0x1f8: {  	[tilespmem:s1], [sflag:$0x1] =	stream.indirect_vreg.gather [hbm4b:s6+s3], $0x80, v4, vm0, $0xb8;
	[tilespmem:$0x18080] =	vst v63  }
0x1f9: {  	s0 =	simm.s32 $0xA080  }
0x1fa: {  	[tilespmem:s0], [sflag:$0x1] =	stream.indirect_vreg.gather [hbm4b:s2+s3], $0x80, v3, vm0, $0xb8;
	[tilespmem:$0x18080] =	vst v63  }
0x1fb: {  	s1 =	simm.s32 $0xA880  }
0x1fc: {  	[tilespmem:s1], [sflag:$0x1] =	stream.indirect_vreg.gather [hbm4b:s4+s3], $0x80, v3, vm0, $0xb8;
	[tilespmem:$0x18080] =	vst v63  }
0x1fd: {  	s23 =	simm.s32 $0xB080  }
0x1fe: {  	[tilespmem:s23], [sflag:$0x1] =	stream.indirect_vreg.gather [hbm4b:s5+s3], $0x80, v3, vm0, $0xb8;
	[tilespmem:$0x18080] =	vst v63  }
0x1ff: {  	s9 =	simm.s32 $0xB880  }
0x200: {  	[tilespmem:s9], [sflag:$0x1] =	stream.indirect_vreg.gather [hbm4b:s6+s3], $0x80, v3, vm0, $0xb8;
	[tilespmem:$0x18080] =	vst v63  }
0x201: {  	v3 =	vld [tilespmem:$0x30];
	_ =	sdelay $0x4  }
0x202: {  	v61 =	vshll.u32 v3, $0x3  }
0x203: {  	v3 =	vand.u32 $0x7, v3;
	v4 =	vand.u32 $0xFFFFFFC0, v61  }
0x204: {  	v3 =	vor.u32 v3, v4  }
0x205: {  	v4 =	vperm.xlane v3, v0;
	_ =	sdelay $0x1  }
0x206: {  	v4 =	vadd.s32 v1, v4;
	_ =	sdelay $0x3  }
0x207: {  	s10 =	simm.s32 $0xC080  }
0x208: {  	[tilespmem:s10], [sflag:$0x1] =	stream.indirect_vreg.gather [hbm4b:s2+s3], $0x80, v4, vm0, $0xb8;
	[tilespmem:$0x18080] =	vst v63  }
0x209: {  	s12 =	simm.s32 $0xC880;
	v3 =	vperm.xlane v3, v2  }
0x20a: {  	[tilespmem:s12], [sflag:$0x1] =	stream.indirect_vreg.gather [hbm4b:s4+s3], $0x80, v4, vm0, $0xb8;
	[tilespmem:$0x18080] =	vst v63  }
0x20b: {  	s24 =	simm.s32 $0xD080;
	v3 =	vadd.s32 v1, v3  }
0x20c: {  	[tilespmem:s24], [sflag:$0x1] =	stream.indirect_vreg.gather [hbm4b:s5+s3], $0x80, v4, vm0, $0xb8;
	[tilespmem:$0x18080] =	vst v63  }
0x20d: {  	s25 =	simm.s32 $0xD880  }
0x20e: {  	[tilespmem:s25], [sflag:$0x1] =	stream.indirect_vreg.gather [hbm4b:s6+s3], $0x80, v4, vm0, $0xb8;
	[tilespmem:$0x18080] =	vst v63  }
0x20f: {  	s26 =	simm.s32 $0xE080  }
0x210: {  	[tilespmem:s26], [sflag:$0x1] =	stream.indirect_vreg.gather [hbm4b:s2+s3], $0x80, v3, vm0, $0xb8;
	[tilespmem:$0x18080] =	vst v63  }
0x211: {  	s28 =	simm.s32 $0xE880  }
0x212: {  	[tilespmem:s28], [sflag:$0x1] =	stream.indirect_vreg.gather [hbm4b:s4+s3], $0x80, v3, vm0, $0xb8;
	[tilespmem:$0x18080] =	vst v63  }
0x213: {  	s29 =	simm.s32 $0xF080  }
0x214: {  	[tilespmem:s29], [sflag:$0x1] =	stream.indirect_vreg.gather [hbm4b:s5+s3], $0x80, v3, vm0, $0xb8;
	[tilespmem:$0x18080] =	vst v63  }
0x215: {  	s13 =	simm.s32 $0xF880  }
0x216: {  	[tilespmem:s13], [sflag:$0x1] =	stream.indirect_vreg.gather [hbm4b:s6+s3], $0x80, v3, vm0, $0xb8;
	[tilespmem:$0x18080] =	vst v63  }
0x217: {  	v3 =	vld [tilespmem:$0x40];
	_ =	sdelay $0x4  }
0x218: {  	v62 =	vshll.u32 v3, $0x3  }
0x219: {  	v3 =	vand.u32 $0x7, v3;
	v4 =	vand.u32 $0xFFFFFFC0, v62  }
0x21a: {  	v3 =	vor.u32 v3, v4  }
0x21b: {  	v4 =	vperm.xlane v3, v0;
	_ =	sdelay $0x1  }
0x21c: {  	v4 =	vadd.s32 v1, v4;
	_ =	sdelay $0x3  }
0x21d: {  	s14 =	simm.s32 $0x10080  }
0x21e: {  	[tilespmem:s14], [sflag:$0x1] =	stream.indirect_vreg.gather [hbm4b:s2+s3], $0x80, v4, vm0, $0xb8;
	[tilespmem:$0x18080] =	vst v63  }
0x21f: {  	s15 =	simm.s32 $0x10880;
	v3 =	vperm.xlane v3, v2  }
0x220: {  	[tilespmem:s15], [sflag:$0x1] =	stream.indirect_vreg.gather [hbm4b:s4+s3], $0x80, v4, vm0, $0xb8;
	[tilespmem:$0x18080] =	vst v63  }
0x221: {  	s31 =	simm.s32 $0x11080;
	v3 =	vadd.s32 v1, v3  }
0x222: {  	[tilespmem:s31], [sflag:$0x1] =	stream.indirect_vreg.gather [hbm4b:s5+s3], $0x80, v4, vm0, $0xb8;
	[tilespmem:$0x18080] =	vst v63  }
0x223: {  	s16 =	simm.s32 $0x11880  }
0x224: {  	[tilespmem:s16], [sflag:$0x1] =	stream.indirect_vreg.gather [hbm4b:s6+s3], $0x80, v4, vm0, $0xb8;
	[tilespmem:$0x18080] =	vst v63  }
0x225: {  	s17 =	simm.s32 $0x12080  }
0x226: {  	[tilespmem:s17], [sflag:$0x1] =	stream.indirect_vreg.gather [hbm4b:s2+s3], $0x80, v3, vm0, $0xb8;
	[tilespmem:$0x18080] =	vst v63  }
0x227: {  	s18 =	simm.s32 $0x12880  }
0x228: {  	[tilespmem:s18], [sflag:$0x1] =	stream.indirect_vreg.gather [hbm4b:s4+s3], $0x80, v3, vm0, $0xb8;
	[tilespmem:$0x18080] =	vst v63  }
0x229: {  	s19 =	simm.s32 $0x13080  }
0x22a: {  	[tilespmem:s19], [sflag:$0x1] =	stream.indirect_vreg.gather [hbm4b:s5+s3], $0x80, v3, vm0, $0xb8;
	[tilespmem:$0x18080] =	vst v63  }
0x22b: {  	s20 =	simm.s32 $0x13880  }
0x22c: {  	[tilespmem:s20], [sflag:$0x1] =	stream.indirect_vreg.gather [hbm4b:s6+s3], $0x80, v3, vm0, $0xb8;
	[tilespmem:$0x18080] =	vst v63  }
0x22d: {  	v3 =	vld [tilespmem:$0x50];
	_ =	sdelay $0x4  }
0x22e: {  	v63 =	vshll.u32 v3, $0x3  }
0x22f: {  	v3 =	vand.u32 $0x7, v3;
	v4 =	vand.u32 $0xFFFFFFC0, v63  }
0x230: {  	v3 =	vor.u32 v3, v4  }
0x231: {  	v4 =	vperm.xlane v3, v0;
	_ =	sdelay $0x1  }
0x232: {  	v4 =	vadd.s32 v1, v4;
	_ =	sdelay $0x3  }
0x233: {  	s21 =	simm.s32 $0x14080  }
0x234: {  	[tilespmem:s21], [sflag:$0x1] =	stream.indirect_vreg.gather [hbm4b:s2+s3], $0x80, v4, vm0, $0xb8;
	[tilespmem:$0x18080] =	vst v63  }
0x235: {  	s22 =	simm.s32 $0x14880;
	v3 =	vperm.xlane v3, v2  }
0x236: {  	[tilespmem:s22], [sflag:$0x1] =	stream.indirect_vreg.gather [hbm4b:s4+s3], $0x80, v4, vm0, $0xb8;
	[tilespmem:$0x18080] =	vst v63  }
0x237: {  	s23 =	simm.s32 $0x15080;
	v3 =	vadd.s32 v1, v3  }
0x238: {  	[tilespmem:s23], [sflag:$0x1] =	stream.indirect_vreg.gather [hbm4b:s5+s3], $0x80, v4, vm0, $0xb8;
	[tilespmem:$0x18080] =	vst v63  }
0x239: {  	s24 =	simm.s32 $0x15880  }
0x23a: {  	[tilespmem:s24], [sflag:$0x1] =	stream.indirect_vreg.gather [hbm4b:s6+s3], $0x80, v4, vm0, $0xb8;
	[tilespmem:$0x18080] =	vst v63  }
0x23b: {  	s25 =	simm.s32 $0x16080  }
0x23c: {  	[tilespmem:s25], [sflag:$0x1] =	stream.indirect_vreg.gather [hbm4b:s2+s3], $0x80, v3, vm0, $0xb8;
	[tilespmem:$0x18080] =	vst v63  }
0x23d: {  	s26 =	simm.s32 $0x16880  }
0x23e: {  	[tilespmem:s26], [sflag:$0x1] =	stream.indirect_vreg.gather [hbm4b:s4+s3], $0x80, v3, vm0, $0xb8;
	[tilespmem:$0x18080] =	vst v63  }
0x23f: {  	s28 =	simm.s32 $0x17080  }
0x240: {  	[tilespmem:s28], [sflag:$0x1] =	stream.indirect_vreg.gather [hbm4b:s5+s3], $0x80, v3, vm0, $0xb8;
	[tilespmem:$0x18080] =	vst v63  }
0x241: {  	s29 =	simm.s32 $0x17880  }
0x242: {  	[tilespmem:s29], [sflag:$0x1] =	stream.indirect_vreg.gather [hbm4b:s6+s3], $0x80, v3, vm0, $0xb8;
	[tilespmem:$0x18080] =	vst v63  }
0x243: {  	_ =	swait.ge [sflag:s11], $0x18000  }
0x244: {  	p0 =	sne.s32 s7, $0x1;
	[sflag:s11] =	ssyncset.done $0x0  }
.Ltmp0:
0x245: {  	s31 =	rddreg [dreg:$0xa];
	[sflag:s11] =	ssyncadd.s32 $0xFFFE8000;
	(pc) =	sbr.rel @p0 .LBB2_1-.Ltmp0, $4  }
0x246: {  	[hbm4b:s31+s3] =	stream.linear.scatter [tilespmem:s30], [sflag:$0x2], $0x18000, $0x38;
	[tilespmem:$0x18080] =	vst v63  }
0x247: {  	_ =	swait.ge [sflag:s8], $0x18000  }
0x248: {  	[sflag:s8] =	ssyncset.done $0x0  }
0x249: {  	s7 =	sadd.s32 $0xFFFFFFFF, s7;
	[sflag:s8] =	ssyncadd.s32 $0xFFFE8000  }
0x24a: {  	_ =	sfence.sel $0x180000  }
0x24b: {  	[bflag:$0x0] =	sbarrier.arrive $0xFFFF  }
0x24c: {  	_ =	strace $0x9000004D  }
0x24d: {  	s0 =	stileid.u32;
	[bflag:$0x2] =	sbarrier.arrive $0xFFFF  }
0x24e: {  	p0 =	sne.s32 s0, $0x0;
	s0 =	rddreg [dreg:$0x2]  }
0x24f: {  	s0 =	sadd.s32 @!p0 $0x100000, s0  }
0x250: {  	[sflag:s0] =	ssyncadd.tile.s32 @!p0 $0x1;
	_ =	shalt  }
.Lfunc_end2:
_tile_overlayer_lowered:
.L_overlay_start_2:
0x251: {  	(tag) =	ssettag $0x2  }
0x252: {  	s0 =	rddreg [dreg:$0x0];
	s2 =	stileid.u32  }
0x253: {  	s1 =	rddreg [dreg:$0x1];
	p0 =	sne.s32 s2, $0x0  }
0x254: {  	s3 =	rddreg [dreg:$0x2];
	[bflag:$0x3] =	sbarrier.arrive $0xFFFF;
	s2 =	simm.s32 @!p0 $0x1C02  }
0x255: {  	[timem:s3], [sflag:s2] =	dma.local @!p0 [hbm:s0], s1  }
0x256: {  	s0 =	simm.s32 @!p0 $0x2  }
0x257: {  	_ =	swait.ge @!p0 [sflag:s0], s1  }
0x258: {  	s1 =	ssub.s32 @!p0 $0x0, s1;
	[sflag:s0] =	ssyncset.done @!p0 $0x0  }
0x259: {  	[sflag:s0] =	ssyncadd.s32 @!p0 s1  }
0x25a: {  	[bflag:$0x3] =	sbarrier.arrive $0xFFFF  }
0x25b: {  	_ =	shalt  }

// kernel: scatter_offload_async_start
scs
__scs_entry_jumppad:
0x0: {  	(pc) =	sbr.rel $0x88, $3  }
0x1: {  	(tag) =	ssettag $0x0;
	lr =	simm.s32 $0x1  }
0x2: {  	[smem:$0x3F94] =	sst lr;
	_ =	strace $0xD0000000  }
0x3: {  	_ = 	snop  }
0x4: {  	_ = 	snop  }
0x5: {  	_ = 	snop  }
0x6: {  	_ = 	snop  }
0x7: {  	_ = 	snop  }
__scs_overlays_trampoline_lowered:
0x8: {  	[smem:$0x3FA3] =	sst s0  }
0x9: {  	[smem:$0x3FA4] =	sst s1  }
0xa: {  	[smem:$0x3FA5] =	sst s2  }
0xb: {  	[smem:$0x3FA6] =	sst s3  }
0xc: {  	[smem:$0x3FA7] =	sst s4  }
0xd: {  	[smem:$0x3FA8] =	sst s5  }
0xe: {  	[smem:$0x3FA9] =	sst s6  }
0xf: {  	[smem:$0x3FAA] =	sst s7  }
0x10: {  	[smem:$0x3FAB] =	sst s8  }
0x11: {  	[smem:$0x3FAC] =	sst s9;
	s0 =	simm.s32 @!p0 $0x0  }
0x12: {  	s1 =	sld [smem:$0x3F92];
	s0 =	simm.s32 @p0 $0x1  }
0x13: {  	[smem:$0x3FAD] =	sst s0;
	s0 =	simm.s32 @!p1 $0x0  }
0x14: {  	s2 =	sld [smem:$0x3F91];
	s0 =	simm.s32 @p1 $0x1  }
0x15: {  	[smem:$0x3FAE] =	sst s0;
	s0 =	simm.s32 @!p2 $0x0  }
0x16: {  	s3 =	sld [smem:$0x3FDB];
	s0 =	simm.s32 @p2 $0x1  }
0x17: {  	s4 =	simm.s32 $0x1BF5;
	[smem:$0x3FB0] =	sst s0  }
0x18: {  	s0 =	sld [smem:$0x3F93];
	_ =	swait.ge [sflag:s4], $0x0  }
0x19: {  	s7 =	sld [smem:$0x3F94]  }
0x1a: {  	s8 =	sadd.s32 $0xFFFFE003, lr  }
0x1b: {  	s9 =	sadd.s32 $0xFFFFFEF7, lr;
	s5 =	simm.s32 $0xFFFFFFFF;
	p2 =	slt.u32 s8, $0xFFFFF086  }
0x1c: {  	p1 =	slt.u32 s9, $0xF7A;
	s5 =	simm.s32 @!p2 $0x0  }
0x1d: {  	s5 =	simm.s32 @p1 $0x1;
	p0 =	seq.s32 s7, s2  }
0x1e: {  	s7 =	smul.u32 @!p0 $0xF7A, s2;
	p2 =	seq.s32 @!p0 s5, $0x0  }
0x1f: {  	s9 =	smul.u32 $0xF7A, s1;
	s8 =	simm.s32 @!p0 $0x1BF5;
	p2 =	por !p2, p0  }
0x20: {  	[sflag:s8] =	ssyncset.s32 @!p0 $0xFFFFF086;
	s6 =	sadd.s32 @!p0 s3, s7;
	s7 =	simm.s32 @!p0 $0x108  }
0x21: {  	s3 =	sadd.s32 s3, s9;
	s6 =	sadd.s32 @!p0 $0x88, s6;
	s7 =	simm.s32 @p2 $0x1082  }
0x22: {  	[simem:s7], [sflag:s8] =	dma.local @!p0 [hbm:s6], $0xF7A  }
0x23: {  	s9 =	sor.u32 $0xD0000000, s2;
	s6 =	simm.s32 $0x108;
	_ =	swait.ge @!p0 [sflag:s8], $0x0  }
0x24: {  	s3 =	sadd.s32 $0x88, s3;
	s6 =	simm.s32 @!p1 $0x1082;
	[sflag:s4] =	ssyncset.s32 $0xFFFFF086  }
0x25: {  	[simem:s6], [sflag:s4] =	dma.local [hbm:s3], $0xF7A  }
0x26: {  	[smem:$0x3F94] =	sst s1;
	(tag) =	ssettag s2;
	_ =	strace s9  }
0x27: {  	s1 =	sld [smem:$0x3FA4]  }
0x28: {  	s2 =	sld [smem:$0x3FA5]  }
0x29: {  	s4 =	sld [smem:$0x3FA7]  }
0x2a: {  	p0 =	seq.s32 s5, $0x0;
	s5 =	sld [smem:$0x3FA8]  }
0x2b: {  	s6 =	sld [smem:$0x3FA9]  }
0x2c: {  	s7 =	sld [smem:$0x3FAA]  }
0x2d: {  	s3 =	simm.s32 $0x108;
	s8 =	sld [smem:$0x3FAB]  }
0x2e: {  	s3 =	simm.s32 @!p0 $0x1082;
	s9 =	sld [smem:$0x3FAC]  }
0x2f: {  	lr =	sadd.s32 s0, s3;
	s0 =	sld [smem:$0x3FA3]  }
0x30: {  	s3 =	sld [smem:$0x3FA6]  }
0x31: {  	[smem:$0x3FAF] =	sst s10  }
0x32: {  	s10 =	sld [smem:$0x3FAD];
	_ =	sdelay $0x3  }
0x33: {  	p0 =	seq.s32 s10, $0x1;
	s10 =	sld [smem:$0x3FAF];
	_ =	sdelay $0x3  }
0x34: {  	[smem:$0x3FAF] =	sst s10  }
0x35: {  	s10 =	sld [smem:$0x3FAE];
	_ =	sdelay $0x3  }
0x36: {  	p1 =	seq.s32 s10, $0x1;
	s10 =	sld [smem:$0x3FAF];
	_ =	sdelay $0x3  }
0x37: {  	[smem:$0x3FAF] =	sst s10  }
0x38: {  	s10 =	sld [smem:$0x3FB0]  }
0x39: {  	_ = 	snop;
	(pc) =	sbr.ind lr, $3  }
0x3a: {  	_ = 	snop  }
0x3b: {  	_ = 	snop  }
0x3c: {  	p2 =	seq.s32 s10, $0x1;
	s10 =	sld [smem:$0x3FAF]  }
0x3d: {  	_ =	shalt  }
0x3e: {  	_ =	shalt  }
0x3f: {  	_ =	shalt  }
0x40: {  	_ =	shalt  }
0x41: {  	_ =	shalt  }
0x42: {  	_ =	shalt  }
0x43: {  	_ =	shalt  }
0x44: {  	_ =	shalt  }
0x45: {  	_ =	shalt  }
0x46: {  	_ =	shalt  }
0x47: {  	_ =	shalt  }
0x48: {  	_ =	shalt  }
0x49: {  	_ =	shalt  }
0x4a: {  	_ =	shalt  }
0x4b: {  	_ =	shalt  }
0x4c: {  	_ =	shalt  }
0x4d: {  	_ =	shalt  }
0x4e: {  	_ =	shalt  }
0x4f: {  	_ =	shalt  }
0x50: {  	_ =	shalt  }
0x51: {  	_ =	shalt  }
0x52: {  	_ =	shalt  }
0x53: {  	_ =	shalt  }
0x54: {  	_ =	shalt  }
0x55: {  	_ =	shalt  }
0x56: {  	_ =	shalt  }
0x57: {  	_ =	shalt  }
0x58: {  	_ =	shalt  }
0x59: {  	_ =	shalt  }
0x5a: {  	_ =	shalt  }
0x5b: {  	_ =	shalt  }
0x5c: {  	_ =	shalt  }
0x5d: {  	_ =	shalt  }
0x5e: {  	_ =	shalt  }
0x5f: {  	_ =	shalt  }
0x60: {  	_ =	shalt  }
0x61: {  	_ =	shalt  }
0x62: {  	_ =	shalt  }
0x63: {  	_ =	shalt  }
0x64: {  	_ =	shalt  }
0x65: {  	_ =	shalt  }
0x66: {  	_ =	shalt  }
0x67: {  	_ =	shalt  }
0x68: {  	_ =	shalt  }
0x69: {  	_ =	shalt  }
0x6a: {  	_ =	shalt  }
0x6b: {  	_ =	shalt  }
0x6c: {  	_ =	shalt  }
0x6d: {  	_ =	shalt  }
0x6e: {  	_ =	shalt  }
0x6f: {  	_ =	shalt  }
0x70: {  	_ =	shalt  }
0x71: {  	_ =	shalt  }
0x72: {  	_ =	shalt  }
0x73: {  	_ =	shalt  }
0x74: {  	_ =	shalt  }
0x75: {  	_ =	shalt  }
0x76: {  	_ =	shalt  }
0x77: {  	_ =	shalt  }
0x78: {  	_ =	shalt  }
0x79: {  	_ =	shalt  }
0x7a: {  	_ =	shalt  }
0x7b: {  	_ =	shalt  }
0x7c: {  	_ =	shalt  }
0x7d: {  	_ =	shalt  }
0x7e: {  	_ =	shalt  }
0x7f: {  	_ =	shalt  }
0x80: {  	_ =	shalt  }
0x81: {  	_ =	shalt  }
0x82: {  	_ =	shalt  }
0x83: {  	_ =	shalt  }
0x84: {  	_ =	shalt  }
0x85: {  	_ =	shalt  }
0x86: {  	_ =	shalt  }
0x87: {  	_ =	shalt  }
.Lfunc_end0:
.L_simem_size_0:
called_computation_lowered:
.L_overlay_start_0:
0x88: {  	s0 =	sld [smem:$0x3FD9]  }
0x89: {  	s1 =	sld [smem:$0x3FFE];
	_ =	sdelay $0x3  }
0x8a: {  	s0 =	sadd.s32 s1, s0  }
0x8b: {  	[smem:$0x3FBB] =	sst s0  }
0x8c: {  	_ = 	snop  }
0x8d: {  	(tm) =	ssettm $0x1  }
0x8e: {  	s15 =	sld [smem:$0x3FFB];
	_ =	sdelay $0x3  }
0x8f: {  	_ =	strace s15  }
0x90: {  	s0 =	sld [smem:$0x3FFC];
	_ =	sdelay $0x3  }
0x91: {  	_ =	strace s0  }
0x92: {  	s0 =	sld [smem:$0x3FFD];
	_ =	sdelay $0x3  }
0x93: {  	_ =	strace s0  }
0x94: {  	_ =	strace $0x8FFFFFFF  }
0x95: {  	s16 =	sld [smem:$0x3FDB];
	_ =	sdelay $0x1  }
0x96: {  	s17 =	simm.s32 $_scs_section_size  }
0x97: {  	s2 =	simm.s32 $_size__tile_overlayer_lowered;
	s3 =	simm.s32 $_tile_overlayer_lowered  }
0x98: {  	s20 =	simm.s32 $0x1BFF;
	s19 =	sshll.u32 s3, $0x1;
	s0 =	sadd.s32 s17, s16  }
0x99: {  	s4 =	simm.s32 $0x0;
	s18 =	sshll.u32 s2, $0x1;
	s2 =	sadd.s32 s19, s0  }
0x9a: {  	[timem:s4], [sflag:s20] =	dma.local [hbm:s2], s18  }
0x9b: {  	_ =	swait.ge [sflag:s20], s18  }
0x9c: {  	s1 =	ssub.s32 $0x0, s18;
	[sflag:s20] =	ssyncset.done $0x0  }
0x9d: {  	[sflag:s20] =	ssyncadd.s32 s1;
	_ =	sdelay $0x1  }
0x9e: {  	s21 =	simm.s32 $0x1B8B  }
0x9f: {  	_ =	swait.ge [sflag:s21], $0x1  }
0xa0: {  	[sflag:s21] =	ssyncset.done $0x0  }
0xa1: {  	s23 =	simm.s32 $0x1B8E;
	s22 =	sld [smem:$0x3FFE];
	[sflag:s21] =	ssyncadd.s32 $0xFFFFFFFF  }
0xa2: {  	s24 =	simm.s32 $execute0_lowered;
	[smem:$0x3FD2] =	sst s23  }
0xa3: {  	s2 =	sshll.u32 s24, $0x1;
	_ =	strace $0x80000046;
	[dreg:$0x1] =	wrdreg $0xFFFFFFFF  }
0xa4: {  	s25 =	simm.s32 $_size_execute0_lowered;
	s0 =	sadd.s32 s0, s2;
	[dreg:$0x0] =	wrdreg $0x0  }
0xa5: {  	s2 =	sshll.u32 s25, $0x1;
	[dreg:$0x2] =	wrdreg s0  }
0xa6: {  	[dreg:$0x3] =	wrdreg s2  }
0xa7: {  	[dreg:$0x4] =	wrdreg $0xC0  }
0xa8: {  	_ =	task [dreg:s4], $0x5FFFF  }
0xa9: {  	[dreg:$0x1] =	wrdreg $0xFFFFFFFF  }
0xaa: {  	[dreg:$0x0] =	wrdreg $0x60  }
0xab: {  	[dreg:$0x2] =	wrdreg s22  }
0xac: {  	[dreg:$0x3] =	wrdreg $0x9  }
0xad: {  	_ =	task.clear_ibuf [dreg:s4], $0x4FFFF;
	_ =	strace $0x90000046  }
0xae: {  	s26 =	simm.s32 $0x9;
	_ =	strace $0x80000048  }
0xaf: {  	_ =	swait.ge [sflag:s26], $0x1  }
0xb0: {  	[sflag:s26] =	ssyncadd.s32 $0xFFFFFFFF  }
0xb1: {  	_ =	strace $0x90000048  }
0xb2: {  	_ =	sfence  }
0xb3: {  	s28 =	sld [smem:$0x0];
	_ =	sdelay $0x1  }
0xb4: {  	s29 =	srdreg.scid  }
0xb5: {  	s30 =	sshll.u32 s29, $0xD;
	s31 =	sshrl.u32 s29, $0x2  }
0xb6: {  	s1 =	sand.u32 $0x1, s29;
	s2 =	sand.u32 $0x4000, s30;
	s0 =	sadd.s32 s31, s28  }
0xb7: {  	s1 =	sor.u32 s2, s1;
	s0 =	sshll.u32 s0, $0x11  }
0xb8: {  	s0 =	sor.u32 s0, s1  }
0xb9: {  	s0 =	sadd.s32 $0x8F2B, s0  }
0xba: {  	[sflag:s0] =	ssyncadd.remote.s32 $0x1  }
0xbb: {  	_ =	sfence.sel $0xFFFF  }
0xbc: {  	[dreg:$0x0] =	wrdreg $0xFFFFFFFF;
	(pc) =	sbr.abs _section_cstart, $3  }
0xbd: {  	[dreg:$0x1] =	wrdreg $0xFFFFFFFF  }
0xbe: {  	_ =	task.clear_ibuf [dreg:s4], $0x2FFFF;
	_ =	strace $0x9FFFFFFF  }
0xbf: {  	(tm) =	ssettm $0x7FFFFFFF  }
tec
execute0_lowered:
.L_overlay_start_1:
0x0: {  	(tag) =	ssettag $0x1  }
0x1: {  	s5 =	rddreg [dreg:$0x0]  }
0x2: {  	s0 =	rddreg [dreg:$0x1];
	_ =	strace $0x80000047;
	s6 =	stileid.u32  }
0x3: {  	s3 =	simm.s32 $0x3E;
	s1 =	sadd.s32 $0x1E00, s5;
	p0 =	sne.s32 s6, $0x0  }
0x4: {  	[sflag:s3] =	ssyncpa.u1 $0x0;
	s4 =	simm.s32 @!p0 $0x1C3E;
	s2 =	simm.s32 @!p0 $0x0  }
0x5: {  	[spmem:s2], [sflag:s4] =	dma.local @!p0 [hbm:s1], $0x10  }
0x6: {  	s4 =	simm.s32 @!p0 $0x3E  }
0x7: {  	_ =	swait.ge @!p0 [sflag:s4], $0x10  }
0x8: {  	[sflag:s4] =	ssyncset.done @!p0 $0x0  }
0x9: {  	s9 =	simm.s32 $0x108;
	[sflag:s4] =	ssyncadd.s32 @!p0 $0xFFFFFFF0  }
0xa: {  	s7 =	sadd.s32 $0x1C00, s5;
	s8 =	sadd.s32 $0x2000, s5;
	[bflag:$0x0] =	sbarrier.arrive $0xFFFF  }
0xb: {  	s6 =	sshll.u32 s6, $0x5;
	[sflag:s3] =	ssyncpa.u1 $0x1;
	s3 =	simm.s32 $0x1  }
0xc: {  	s5 =	simm.s32 $0x0;
	s4 =	simm.s32 $0x2;
	[sflag:s3] =	ssyncpa.u1 $0x0  }
0xd: {  	s7 =	sadd.s32 s7, s6;
	(ifvalue) =	ssetifvalue $0x80;
	[sflag:s4] =	ssyncpa.u1 $0x0  }
0xe: {  	[tilespmem:s9], [sflag:$0x2] =	stream.linear.gather [hbm4b:s7+s5], $0x100, $0x38;
	[tilespmem:$0x408] =	vst v63  }
0xf: {  	s23 =	simm.s32 $0x308;
	s6 =	sadd.s32 s8, s6  }
0x10: {  	[tilespmem:s23], [sflag:$0x2] =	stream.linear.gather [hbm4b:s6+s5], $0x100, $0x38;
	[tilespmem:$0x408] =	vst v63  }
0x11: {  	_ =	swait.ge [sflag:s4], $0x200  }
0x12: {  	[sflag:s4] =	ssyncset.done $0x0  }
0x13: {  	[sflag:s4] =	ssyncadd.s32 $0xFFFFFE00  }
0x14: {  	v0 =	vld.msk [tilespmem:s9+$0x0 ss:$0x1], $0xffff;
	_ =	sdelay $0x4  }
0x15: {  	v0 =	vmin.u32 v0, $0x80;
	_ =	sdelay $0x3  }
0x16: {  	vm0 =	vmmov $0xffff;
	s24 =	simm.s32 $0x118  }
0x17: {  	[spmem:s5] =	stream.indirect_vreg.scatter.add.s32 [tilespmem:s23], [sflag:$0x1], $0x1, v0, vm0, $0x4038;
	[tilespmem:$0x408] =	vst v63  }
0x18: {  	v0 =	vld.msk [tilespmem:s24+$0x0 ss:$0x1], $0xffff;
	_ =	sdelay $0x4  }
0x19: {  	v0 =	vmin.u32 v0, $0x80;
	_ =	sdelay $0x3  }
0x1a: {  	s25 =	simm.s32 $0x318;
	s26 =	simm.s32 $0x128  }
0x1b: {  	[spmem:s5] =	stream.indirect_vreg.scatter.add.s32 [tilespmem:s25], [sflag:$0x1], $0x1, v0, vm0, $0x4038;
	[tilespmem:$0x408] =	vst v63  }
0x1c: {  	v0 =	vld.msk [tilespmem:s26+$0x0 ss:$0x1], $0xffff;
	_ =	sdelay $0x4  }
0x1d: {  	v0 =	vmin.u32 v0, $0x80;
	_ =	sdelay $0x3  }
0x1e: {  	s28 =	simm.s32 $0x328;
	s29 =	simm.s32 $0x138  }
0x1f: {  	[spmem:s5] =	stream.indirect_vreg.scatter.add.s32 [tilespmem:s28], [sflag:$0x1], $0x1, v0, vm0, $0x4038;
	[tilespmem:$0x408] =	vst v63  }
0x20: {  	v0 =	vld.msk [tilespmem:s29+$0x0 ss:$0x1], $0xffff;
	_ =	sdelay $0x4  }
0x21: {  	v0 =	vmin.u32 v0, $0x80;
	_ =	sdelay $0x3  }
0x22: {  	s30 =	simm.s32 $0x338;
	s31 =	simm.s32 $0x148  }
0x23: {  	[spmem:s5] =	stream.indirect_vreg.scatter.add.s32 [tilespmem:s30], [sflag:$0x1], $0x1, v0, vm0, $0x4038;
	[tilespmem:$0x408] =	vst v63  }
0x24: {  	v0 =	vld.msk [tilespmem:s31+$0x0 ss:$0x1], $0xffff;
	_ =	sdelay $0x4  }
0x25: {  	v0 =	vmin.u32 v0, $0x80;
	_ =	sdelay $0x3  }
0x26: {  	s8 =	simm.s32 $0x158;
	s7 =	simm.s32 $0x348  }
0x27: {  	[spmem:s5] =	stream.indirect_vreg.scatter.add.s32 [tilespmem:s7], [sflag:$0x1], $0x1, v0, vm0, $0x4038;
	[tilespmem:$0x408] =	vst v63  }
0x28: {  	v0 =	vld.msk [tilespmem:s8+$0x0 ss:$0x1], $0xffff;
	_ =	sdelay $0x4  }
0x29: {  	v0 =	vmin.u32 v0, $0x80;
	_ =	sdelay $0x3  }
0x2a: {  	s10 =	simm.s32 $0x168;
	s9 =	simm.s32 $0x358  }
0x2b: {  	[spmem:s5] =	stream.indirect_vreg.scatter.add.s32 [tilespmem:s9], [sflag:$0x1], $0x1, v0, vm0, $0x4038;
	[tilespmem:$0x408] =	vst v63  }
0x2c: {  	v0 =	vld.msk [tilespmem:s10+$0x0 ss:$0x1], $0xffff;
	_ =	sdelay $0x4  }
0x2d: {  	v0 =	vmin.u32 v0, $0x80;
	_ =	sdelay $0x3  }
0x2e: {  	s11 =	simm.s32 $0x368;
	s12 =	simm.s32 $0x178  }
0x2f: {  	[spmem:s5] =	stream.indirect_vreg.scatter.add.s32 [tilespmem:s11], [sflag:$0x1], $0x1, v0, vm0, $0x4038;
	[tilespmem:$0x408] =	vst v63  }
0x30: {  	v0 =	vld.msk [tilespmem:s12+$0x0 ss:$0x1], $0xffff;
	_ =	sdelay $0x4  }
0x31: {  	v0 =	vmin.u32 v0, $0x80;
	_ =	sdelay $0x3  }
0x32: {  	s13 =	simm.s32 $0x378;
	s14 =	simm.s32 $0x188  }
0x33: {  	[spmem:s5] =	stream.indirect_vreg.scatter.add.s32 [tilespmem:s13], [sflag:$0x1], $0x1, v0, vm0, $0x4038;
	[tilespmem:$0x408] =	vst v63  }
0x34: {  	v0 =	vld.msk [tilespmem:s14+$0x0 ss:$0x1], $0xffff;
	_ =	sdelay $0x4  }
0x35: {  	v0 =	vmin.u32 v0, $0x80;
	_ =	sdelay $0x3  }
0x36: {  	s15 =	simm.s32 $0x388;
	s16 =	simm.s32 $0x198  }
0x37: {  	[spmem:s5] =	stream.indirect_vreg.scatter.add.s32 [tilespmem:s15], [sflag:$0x1], $0x1, v0, vm0, $0x4038;
	[tilespmem:$0x408] =	vst v63  }
0x38: {  	v0 =	vld.msk [tilespmem:s16+$0x0 ss:$0x1], $0xffff;
	_ =	sdelay $0x4  }
0x39: {  	v0 =	vmin.u32 v0, $0x80;
	_ =	sdelay $0x3  }
0x3a: {  	s17 =	simm.s32 $0x398;
	s18 =	simm.s32 $0x1A8  }
0x3b: {  	[spmem:s5] =	stream.indirect_vreg.scatter.add.s32 [tilespmem:s17], [sflag:$0x1], $0x1, v0, vm0, $0x4038;
	[tilespmem:$0x408] =	vst v63  }
0x3c: {  	v0 =	vld.msk [tilespmem:s18+$0x0 ss:$0x1], $0xffff;
	_ =	sdelay $0x4  }
0x3d: {  	v0 =	vmin.u32 v0, $0x80;
	_ =	sdelay $0x3  }
0x3e: {  	s19 =	simm.s32 $0x3A8;
	s20 =	simm.s32 $0x1B8  }
0x3f: {  	[spmem:s5] =	stream.indirect_vreg.scatter.add.s32 [tilespmem:s19], [sflag:$0x1], $0x1, v0, vm0, $0x4038;
	[tilespmem:$0x408] =	vst v63  }
0x40: {  	v0 =	vld.msk [tilespmem:s20+$0x0 ss:$0x1], $0xffff;
	_ =	sdelay $0x4  }
0x41: {  	v0 =	vmin.u32 v0, $0x80;
	_ =	sdelay $0x3  }
0x42: {  	s21 =	simm.s32 $0x3B8;
	s22 =	simm.s32 $0x1C8  }
0x43: {  	[spmem:s5] =	stream.indirect_vreg.scatter.add.s32 [tilespmem:s21], [sflag:$0x1], $0x1, v0, vm0, $0x4038;
	[tilespmem:$0x408] =	vst v63  }
0x44: {  	v0 =	vld.msk [tilespmem:s22+$0x0 ss:$0x1], $0xffff;
	_ =	sdelay $0x4  }
0x45: {  	v0 =	vmin.u32 v0, $0x80;
	_ =	sdelay $0x3  }
0x46: {  	s23 =	simm.s32 $0x3C8;
	s24 =	simm.s32 $0x1D8  }
0x47: {  	[spmem:s5] =	stream.indirect_vreg.scatter.add.s32 [tilespmem:s23], [sflag:$0x1], $0x1, v0, vm0, $0x4038;
	[tilespmem:$0x408] =	vst v63  }
0x48: {  	v0 =	vld.msk [tilespmem:s24+$0x0 ss:$0x1], $0xffff;
	_ =	sdelay $0x4  }
0x49: {  	v0 =	vmin.u32 v0, $0x80;
	_ =	sdelay $0x3  }
0x4a: {  	s25 =	simm.s32 $0x3D8;
	s26 =	simm.s32 $0x1E8  }
0x4b: {  	[spmem:s5] =	stream.indirect_vreg.scatter.add.s32 [tilespmem:s25], [sflag:$0x1], $0x1, v0, vm0, $0x4038;
	[tilespmem:$0x408] =	vst v63  }
0x4c: {  	v0 =	vld.msk [tilespmem:s26+$0x0 ss:$0x1], $0xffff;
	_ =	sdelay $0x4  }
0x4d: {  	v0 =	vmin.u32 v0, $0x80;
	_ =	sdelay $0x3  }
0x4e: {  	s28 =	simm.s32 $0x3E8;
	s29 =	simm.s32 $0x1F8  }
0x4f: {  	[spmem:s5] =	stream.indirect_vreg.scatter.add.s32 [tilespmem:s28], [sflag:$0x1], $0x1, v0, vm0, $0x4038;
	[tilespmem:$0x408] =	vst v63  }
0x50: {  	v0 =	vld.msk [tilespmem:s29+$0x0 ss:$0x1], $0xffff;
	_ =	sdelay $0x4  }
0x51: {  	v0 =	vmin.u32 v0, $0x80;
	_ =	sdelay $0x3  }
0x52: {  	s30 =	simm.s32 $0x3F8  }
0x53: {  	[spmem:s5] =	stream.indirect_vreg.scatter.add.s32 [tilespmem:s30], [sflag:$0x1], $0x1, v0, vm0, $0x4038;
	[tilespmem:$0x408] =	vst v63  }
0x54: {  	_ =	swait.ge [sflag:s3], $0x100  }
0x55: {  	[sflag:s3] =	ssyncset.done $0x0  }
0x56: {  	[sflag:s3] =	ssyncadd.s32 $0xFFFFFF00  }
0x57: {  	_ =	sfence.sel $0x180000  }
0x58: {  	[bflag:$0x0] =	sbarrier.arrive $0xFFFF  }
0x59: {  	[sflag:s4] =	ssyncpa.u1 $0x1  }
0x5a: {  	[sflag:s3] =	ssyncpa.u1 $0x1  }
0x5b: {  	_ =	sfence.stream.spmem  }
0x5c: {  	s31 =	simm.s32 $0x3D;
	[bflag:$0x0] =	sbarrier.arrive $0xFFFF  }
0x5d: {  	s3 =	simm.s32 @p0 $0x3D;
	[sflag:s31] =	ssyncpa.u1 $0x0  }
0x5e: {  	[sflag:s3] =	ssyncpa.u1 @p0 $0x1  }
0x5f: {  	[bflag:$0x0] =	sbarrier.arrive @p0 $0xFFFF  }
0x60: {  	_ =	strace @p0 $0x90000047  }
0x61: {  	s3 =	simm.s32 @!p0 $0x1C3D;
	[bflag:$0x2] =	sbarrier.arrive @p0 $0xFFFF  }
0x62: {  	[hbm:s1], [sflag:s3] =	dma.local @!p0 [spmem:s2], $0x10  }
0x63: {  	s1 =	simm.s32 @!p0 $0x3D  }
0x64: {  	_ =	swait.ge @!p0 [sflag:s1], $0x10  }
0x65: {  	[sflag:s1] =	ssyncset.done @!p0 $0x0  }
0x66: {  	[sflag:s1] =	ssyncadd.s32 @!p0 $0xFFFFFFF0  }
0x67: {  	[sflag:s1] =	ssyncpa.u1 @!p0 $0x1  }
0x68: {  	[bflag:$0x0] =	sbarrier.arrive @!p0 $0xFFFF  }
0x69: {  	_ =	strace @!p0 $0x90000047  }
0x6a: {  	s0 =	sadd.s32 @!p0 $0x100000, s0;
	[bflag:$0x2] =	sbarrier.arrive @!p0 $0xFFFF  }
0x6b: {  	[sflag:s0] =	ssyncadd.tile.s32 @!p0 $0x1;
	_ =	shalt  }
.Lfunc_end2:
_tile_overlayer_lowered:
.L_overlay_start_2:
0x6c: {  	(tag) =	ssettag $0x2  }
0x6d: {  	s0 =	rddreg [dreg:$0x0];
	s2 =	stileid.u32  }
0x6e: {  	s1 =	rddreg [dreg:$0x1];
	p0 =	sne.s32 s2, $0x0  }
0x6f: {  	s3 =	rddreg [dreg:$0x2];
	[bflag:$0x3] =	sbarrier.arrive $0xFFFF;
	s2 =	simm.s32 @!p0 $0x1C01  }
0x70: {  	[timem:s3], [sflag:s2] =	dma.local @!p0 [hbm:s0], s1  }
0x71: {  	s0 =	simm.s32 @!p0 $0x1  }
0x72: {  	_ =	swait.ge @!p0 [sflag:s0], s1  }
0x73: {  	s1 =	ssub.s32 @!p0 $0x0, s1;
	[sflag:s0] =	ssyncset.done @!p0 $0x0  }
0x74: {  	[sflag:s0] =	ssyncadd.s32 @!p0 s1  }
0x75: {  	[bflag:$0x3] =	sbarrier.arrive $0xFFFF  }
0x76: {  	_ =	shalt  }

</sc_bundles>
